<compile_context>
chip_gen: v7x
topology: tpu7x:2x2x1
jax: 0.10.2.dev20260603
libtpu: 0.0.44.dev20260713+nightly
codegen_flags: <defaults>
</compile_context>

<pallas_src>
import functools

import jax
import jax.numpy as jnp
from jax import lax
from jax.experimental import pallas as pl
from jax.experimental.pallas import tpu as pltpu
from jax.experimental.pallas import tpu_sc as plsc

N = 10000
D = 128
NO_EMB = 20
L_LAYERS = 4

NC = 2
NS = 16
NTILES = NC * NS
CH = 128
NP = 10240
RPS = NP // NS
TRASH = N
RB = 1024
GRID = NP // RB

def _sc_scatter_body(hw, colr, rowr, zrows, out, colbuf, rowbuf, rows_v,
                     zbuf, acc, sem):
  c = lax.axis_index("c")
  s = lax.axis_index("s")
  wid = c * NS + s
  per_tile = colr.shape[0] // NTILES
  pltpu.sync_copy(zrows, zbuf)
  for z in range(RPS // CH):
    pltpu.sync_copy(zbuf, acc.at[pl.ds(s * RPS + z * CH, CH)])
  plsc.subcore_barrier()

  base = wid * per_tile

  def body(k, carry):
    off = base + k * CH
    pltpu.sync_copy(colr.at[pl.ds(off, CH)], colbuf)
    pltpu.sync_copy(rowr.at[pl.ds(off, CH)], rowbuf)
    pltpu.async_copy(hw.at[colbuf], rows_v, sem).wait()
    pltpu.sync_copy(rows_v, acc.at[rowbuf], add=True)
    return carry

  lax.fori_loop(0, per_tile // CH, body, 0)
  plsc.subcore_barrier()
  pltpu.sync_copy(acc.at[pl.ds(s * RPS, RPS)],
                  out.at[c, pl.ds(s * RPS, RPS)])


@functools.cache
def _get_sc_scatter():
  mesh = plsc.VectorSubcoreMesh(core_axis_name="c", subcore_axis_name="s",
                                num_cores=NC, num_subcores=NS)
  return pl.kernel(
      _sc_scatter_body,
      out_type=jax.ShapeDtypeStruct((NC, NP, D), jnp.float32),
      mesh=mesh,
      scratch_types=[
          pltpu.VMEM((CH,), jnp.int32),
          pltpu.VMEM((CH,), jnp.int32),
          pltpu.VMEM((CH, D), jnp.float32),
          pltpu.VMEM((CH, D), jnp.float32),
          pltpu.VMEM_SHARED((NP, D), jnp.float32),
          pltpu.SemaphoreType.DMA,
      ],
  )


def _sc_deg_body(rowr, ones_h, zrows, out, rowbuf, ones_v, zbuf, acc, sems):
  c = lax.axis_index("c")
  s = lax.axis_index("s")
  wid = c * NS + s
  ep = rowr.shape[0]
  per_tile = ep // NTILES
  pltpu.sync_copy(zrows, zbuf)
  for z in range(RPS // CH):
    pltpu.sync_copy(zbuf, acc.at[pl.ds(s * RPS + z * CH, CH)])
  pltpu.sync_copy(ones_h, ones_v)
  plsc.subcore_barrier()

  base = wid * per_tile
  nchunk = per_tile // CH
  rb0, rb1 = rowbuf
  ss0, ss1 = sems
  pltpu.sync_copy(rowr.at[pl.ds(base, CH)], rb0)
  pltpu.async_copy(ones_v, acc.at[rb0], ss0, add=True)
  pltpu.sync_copy(rowr.at[pl.ds(base + CH, CH)], rb1)
  pltpu.async_copy(ones_v, acc.at[rb1], ss1, add=True)

  def body(j, carry):
    k = 2 * j
    for b, (rb, ss) in enumerate(((rb0, ss0), (rb1, ss1))):
      pltpu.make_async_copy(ones_v, acc.at[rb], ss).wait()

      @pl.when(k + b + 2 < nchunk)
      def _():
        off = base + (k + b + 2) * CH
        pltpu.sync_copy(rowr.at[pl.ds(off, CH)], rb)
        pltpu.async_copy(ones_v, acc.at[rb], ss, add=True)

    return carry

  lax.fori_loop(0, nchunk // 2, body, 0)
  plsc.subcore_barrier()
  pltpu.sync_copy(acc.at[pl.ds(s * RPS, RPS)],
                  out.at[c, pl.ds(s * RPS, RPS)])


@functools.cache
def _get_sc_deg():
  mesh = plsc.VectorSubcoreMesh(core_axis_name="c", subcore_axis_name="s",
                                num_cores=NC, num_subcores=NS)
  return pl.kernel(
      _sc_deg_body,
      out_type=jax.ShapeDtypeStruct((NC, NP, D), jnp.float32),
      mesh=mesh,
      scratch_types=[
          (pltpu.VMEM((CH,), jnp.int32), pltpu.VMEM((CH,), jnp.int32)),
          pltpu.VMEM((CH, D), jnp.float32),
          pltpu.VMEM((CH, D), jnp.float32),
          pltpu.VMEM_SHARED((NP, D), jnp.float32),
          (pltpu.SemaphoreType.DMA, pltpu.SemaphoreType.DMA),
      ],
  )


def _tc_embed_body(x_ref, emb_ref, deg_ref, w0_ref, h_ref, hw0_ref,
                   dinv_ref):
  oh = (x_ref[:] == lax.broadcasted_iota(jnp.int32, (1, NO_EMB), 1))
  h = jnp.dot(oh.astype(jnp.float32), emb_ref[:],
              preferred_element_type=jnp.float32,
              precision=lax.Precision.HIGHEST)
  deg = deg_ref[0, :, 0:1] + deg_ref[1, :, 0:1] + 1.0
  dinv = lax.rsqrt(deg)
  h_ref[:] = h
  dinv_ref[:] = dinv
  hw0_ref[:] = jnp.dot(h, w0_ref[:], preferred_element_type=jnp.float32,
              precision=lax.Precision.HIGHEST) * dinv


_tc_embed = pl.pallas_call(
    _tc_embed_body,
    grid=(GRID,),
    in_specs=[
        pl.BlockSpec((RB, 1), lambda i: (i, 0)),
        pl.BlockSpec((NO_EMB, D), lambda i: (0, 0)),
        pl.BlockSpec((NC, RB, D), lambda i: (0, i, 0)),
        pl.BlockSpec((D, D), lambda i: (0, 0)),
    ],
    out_specs=[
        pl.BlockSpec((RB, D), lambda i: (i, 0)),
        pl.BlockSpec((RB, D), lambda i: (i, 0)),
        pl.BlockSpec((RB, 1), lambda i: (i, 0)),
    ],
    out_shape=[
        jax.ShapeDtypeStruct((NP, D), jnp.float32),
        jax.ShapeDtypeStruct((NP, D), jnp.float32),
        jax.ShapeDtypeStruct((NP, 1), jnp.float32),
    ],
)


def _tc_layer_body(h_ref, hwi_ref, s_ref, dinv_ref, b_ref, lnw_ref, lnb_ref,
                   wn_ref, hn_ref, hwn_ref):
  dinv = dinv_ref[:]
  conv = dinv * (s_ref[0] + s_ref[1] + hwi_ref[:]) + b_ref[:]
  hn = jnp.maximum(h_ref[:] + conv, 0.0)
  mu = jnp.mean(hn, axis=-1, keepdims=True)
  var = jnp.mean((hn - mu) ** 2, axis=-1, keepdims=True)
  hn = (hn - mu) * lax.rsqrt(var + 1e-5) * lnw_ref[:] + lnb_ref[:]
  hn_ref[:] = hn
  hwn_ref[:] = jnp.dot(hn, wn_ref[:], preferred_element_type=jnp.float32,
              precision=lax.Precision.HIGHEST) * dinv


_tc_layer = pl.pallas_call(
    _tc_layer_body,
    grid=(GRID,),
    in_specs=[
        pl.BlockSpec((RB, D), lambda i: (i, 0)),
        pl.BlockSpec((RB, D), lambda i: (i, 0)),
        pl.BlockSpec((NC, RB, D), lambda i: (0, i, 0)),
        pl.BlockSpec((RB, 1), lambda i: (i, 0)),
        pl.BlockSpec((1, D), lambda i: (0, 0)),
        pl.BlockSpec((1, D), lambda i: (0, 0)),
        pl.BlockSpec((1, D), lambda i: (0, 0)),
        pl.BlockSpec((D, D), lambda i: (0, 0)),
    ],
    out_specs=[
        pl.BlockSpec((RB, D), lambda i: (i, 0)),
        pl.BlockSpec((RB, D), lambda i: (i, 0)),
    ],
    out_shape=[
        jax.ShapeDtypeStruct((NP, D), jnp.float32),
        jax.ShapeDtypeStruct((NP, D), jnp.float32),
    ],
)


def _tc_final_body(h_ref, hwi_ref, s_ref, dinv_ref, b_ref, l0_ref, lb0_ref,
                   l1_ref, lb1_ref, ow_ref, ob_ref, out_ref):
  dinv = dinv_ref[:]
  conv = dinv * (s_ref[0] + s_ref[1] + hwi_ref[:]) + b_ref[:]
  hn = jnp.maximum(h_ref[:] + conv, 0.0)
  z = jnp.maximum(
      jnp.dot(hn, l0_ref[:], preferred_element_type=jnp.float32,
              precision=lax.Precision.HIGHEST) + lb0_ref[:],
      0.0)
  z = jnp.maximum(
      jnp.dot(z, l1_ref[:], preferred_element_type=jnp.float32,
              precision=lax.Precision.HIGHEST) + lb1_ref[:],
      0.0)
  out_ref[:] = (jnp.dot(z, ow_ref[:], preferred_element_type=jnp.float32,
              precision=lax.Precision.HIGHEST)
                + ob_ref[0, 0])


_tc_final = pl.pallas_call(
    _tc_final_body,
    grid=(GRID,),
    in_specs=[
        pl.BlockSpec((RB, D), lambda i: (i, 0)),
        pl.BlockSpec((RB, D), lambda i: (i, 0)),
        pl.BlockSpec((NC, RB, D), lambda i: (0, i, 0)),
        pl.BlockSpec((RB, 1), lambda i: (i, 0)),
        pl.BlockSpec((1, D), lambda i: (0, 0)),
        pl.BlockSpec((D, D), lambda i: (0, 0)),
        pl.BlockSpec((1, D), lambda i: (0, 0)),
        pl.BlockSpec((D, D), lambda i: (0, 0)),
        pl.BlockSpec((1, D), lambda i: (0, 0)),
        pl.BlockSpec((D, 1), lambda i: (0, 0)),
        pl.BlockSpec((1, 1), lambda i: (0, 0)),
    ],
    out_specs=[pl.BlockSpec((RB, 1), lambda i: (i, 0))],
    out_shape=[jax.ShapeDtypeStruct((NP, 1), jnp.float32)],
)


def kernel(x, edge_index, emb_table, conv_W, conv_b, ln_w, ln_b, lin_W,
           lin_b, out_W, out_b):
  e = edge_index.shape[1]
  ep = -(-e // (NTILES * CH * 2)) * (NTILES * CH * 2)
  pad = ep - e
  row = jnp.concatenate(
      [edge_index[0], jnp.full((pad,), TRASH, edge_index.dtype)])
  col = jnp.concatenate([edge_index[1], jnp.zeros((pad,), edge_index.dtype)])
  xp = jnp.concatenate([x, jnp.zeros((NP - N,), x.dtype)]).reshape(NP, 1)
  zrows = jnp.zeros((CH, D), jnp.float32)
  ones_ch = jnp.ones((CH, D), jnp.float32)

  degpart = _get_sc_deg()(row, ones_ch, zrows)
  h, hw, dinv = _tc_embed(xp, emb_table, degpart, conv_W[0])

  sc_scatter = _get_sc_scatter()
  for i in range(L_LAYERS):
    s = sc_scatter(hw, col, row, zrows)
    if i < L_LAYERS - 1:
      h, hw = _tc_layer(h, hw, s, dinv, conv_b[i].reshape(1, D),
                        ln_w[i].reshape(1, D), ln_b[i].reshape(1, D),
                        conv_W[i + 1])
    else:
      z, = _tc_final(h, hw, s, dinv, conv_b[i].reshape(1, D), lin_W[0],
                     lin_b[0].reshape(1, D), lin_W[1],
                     lin_b[1].reshape(1, D), out_W, out_b.reshape(1, 1))
  return z[:N, 0]

# --- scband reference (transcript-rebuilt; emitter-appended) ---
"""Pipeline reference for scband-gnnstack-9594956939372 (READ-ONLY COPY).

The authoritative reference and input builder live on the scoring server;
editing this copy changes nothing except your own understanding.
"""

import jax, jax.numpy as jnp
import numpy as np

N = 10000
E = 320000
D = 128
L = 4
NO_EMB = 20
NDENSE = 2

def setup_inputs(seed: int = 0) -> dict:
    key = jax.random.key(seed)
    ks = jax.random.split(key, 8)
    x = jax.random.randint(ks[0], (N,), 0, NO_EMB, dtype=jnp.int64 if jax.config.jax_enable_x64 else jnp.int32)
    edge_index = jax.random.randint(ks[1], (2, E), 0, N, dtype=jnp.int64 if jax.config.jax_enable_x64 else jnp.int32)
    emb_table = jax.random.normal(ks[2], (NO_EMB, D), dtype=jnp.float32) * 0.1
    conv_W = jax.random.normal(ks[3], (L, D, D), dtype=jnp.float32) * (1.0 / np.sqrt(D))
    conv_b = jnp.zeros((L, D), dtype=jnp.float32)
    ln_w = jnp.ones((L - 1, D), dtype=jnp.float32)
    ln_b = jnp.zeros((L - 1, D), dtype=jnp.float32)
    lin_W = jax.random.normal(ks[4], (NDENSE, D, D), dtype=jnp.float32) * (1.0 / np.sqrt(D))
    lin_b = jnp.zeros((NDENSE, D), dtype=jnp.float32)
    out_W = jax.random.normal(ks[5], (D, 1), dtype=jnp.float32) * (1.0 / np.sqrt(D))
    out_b = jnp.zeros((1,), dtype=jnp.float32)
    return {"x": x, "edge_index": edge_index, "emb_table": emb_table,
            "conv_W": conv_W, "conv_b": conv_b, "ln_w": ln_w, "ln_b": ln_b,
            "lin_W": lin_W, "lin_b": lin_b, "out_W": out_W, "out_b": out_b}


def _gcn_conv(h, row, col, W, b):
    # PyG GCNConv with add_self_loops (self loops already appended to row/col),
    # flow='target_to_source': messages x_j = h[col]=h[edge_index[1]], aggregated at row=edge_index[0],
    # degree computed on idx=row for this flow; symmetric normalization.
    hw = h @ W
    deg = jax.ops.segment_sum(jnp.ones(row.shape[0], dtype=h.dtype), row, num_segments=N)
    dinv = jnp.where(deg > 0, deg ** -0.5, 0.0)
    norm = dinv[row] * dinv[col]
    msgs = hw[col] * norm[:, None]
    out = jax.ops.segment_sum(msgs, row, num_segments=N)
    return out + b


def _layer_norm(h, w, b, eps=1e-5):
    mu = h.mean(-1, keepdims=True)
    var = ((h - mu) ** 2).mean(-1, keepdims=True)
    return (h - mu) / jnp.sqrt(var + eps) * w + b


def reference(x, edge_index, emb_table, conv_W, conv_b, ln_w, ln_b, lin_W, lin_b, out_W, out_b):
    loop = jnp.arange(N, dtype=edge_index.dtype)
    row = jnp.concatenate([edge_index[0], loop])
    col = jnp.concatenate([edge_index[1], loop])
    # node-type embedding lookup (gather)
    h = emb_table[x]
    # GCNDirectional stack with skip connections and layer norm
    for i in range(L):
        c = _gcn_conv(h, row, col, conv_W[i], conv_b[i])
        h = h + c  # skip_connection=True
        h = jax.nn.relu(h)
        # dropout_rate=0.0 -> identity
        if i < L - 1:
            h = _layer_norm(h, ln_w[i], ln_b[i])
    # DenseOutput (PREMISE task): per-node scalar score
    for i in range(NDENSE):
        h = jax.nn.relu(h @ lin_W[i] + lin_b[i])
    out = (h @ out_W + out_b).squeeze(-1)
    return out

if __name__ == "__main__":
    import jax
    _d = setup_inputs()
    print(jax.jit(kernel)(*tuple(_d.values())))

</pallas_src>

<mosaic_0001>
#map = affine_map<(d0, d1) -> (0)>
#map1 = affine_map<(d0, d1) -> (0, 0)>
#map2 = affine_map<(d0, d1) -> (0, 0, 0)>
module attributes {stable_mosaic.version = 14 : i64} {
  func.func @_sc_deg_body(%arg0: i32, %arg1: i32, %arg2: memref<327680xi32, #tpu.memory_space<hbm>>, %arg3: memref<128x128xf32, #tpu.memory_space<hbm>>, %arg4: memref<128x128xf32, #tpu.memory_space<hbm>>, %arg5: memref<2x10240x128xf32, #tpu.memory_space<hbm>>, %arg6: memref<128xi32, #tpu.memory_space<vmem>>, %arg7: memref<128xi32, #tpu.memory_space<vmem>>, %arg8: memref<128x128xf32, #tpu.memory_space<vmem>>, %arg9: memref<128x128xf32, #tpu.memory_space<vmem>>, %arg10: memref<10240x128xf32, #tpu.memory_space<vmem_shared>>, %arg11: memref<!tpu.dma_semaphore, #tpu.memory_space<semaphore_mem>>, %arg12: memref<!tpu.dma_semaphore, #tpu.memory_space<semaphore_mem>>) attributes {dimension_semantics = [#tpu.dimension_semantics<core_parallel>, #tpu.dimension_semantics<subcore_parallel>], iteration_bounds = array<i64: 2, 16>, scalar_prefetch = 0 : i64, scratch_operands = 7 : i64, tpu.core_type = #tpu.core_type<sc_vector_subcore>, window_params = [{transform_indices = #map}, {transform_indices = #map1}, {transform_indices = #map1}, {transform_indices = #map2}]} {
    %mul3A = arith.constant 16 : i32
    %mul3A_0 = arith.muli %arg0, %mul3A : i32
    %add3A = arith.addi %mul3A_0, %arg1 : i32
    "tpu.region"() ({
      %run_scoped3A = tpu.sem_alloc : memref<!tpu.dma_semaphore, #tpu.memory_space<semaphore_mem>>
      tpu.enqueue_dma source(%arg4 : memref<128x128xf32, #tpu.memory_space<hbm>>) target(%arg9 : memref<128x128xf32, #tpu.memory_space<vmem>>) target_semaphore(%run_scoped3A : memref<!tpu.dma_semaphore, #tpu.memory_space<semaphore_mem>>)
      tpu.wait_dma2 semaphore(%run_scoped3A : memref<!tpu.dma_semaphore, #tpu.memory_space<semaphore_mem>>) src(%arg4 : memref<128x128xf32, #tpu.memory_space<hbm>>) dst(%arg9 : memref<128x128xf32, #tpu.memory_space<vmem>>)
      tpu.yield
    }) : () -> ()
    %mul3A_1 = arith.constant 640 : i32
    %mul3A_2 = arith.muli %arg1, %mul3A_1 : i32
    %add3A_3 = arith.constant 0 : i32
    %add3A_4 = arith.addi %mul3A_2, %add3A_3 : i32
    "tpu.region"() ({
      %run_scoped3A = tpu.sem_alloc : memref<!tpu.dma_semaphore, #tpu.memory_space<semaphore_mem>>
      %dma_start3A_40 = arith.constant 0 : i32
      %dma_start3A_41 = tpu.memref_slice %arg10[%add3A_4, %dma_start3A_40] : memref<10240x128xf32, #tpu.memory_space<vmem_shared>> -> memref<128x128xf32, #tpu.memory_space<vmem_shared>>
      %dma_start3A_42 = arith.constant 0 : i32
      %dma_start3A_43 = tpu.memref_slice %arg10[%add3A_4, %dma_start3A_42] : memref<10240x128xf32, #tpu.memory_space<vmem_shared>> -> memref<128x128xf32, #tpu.memory_space<vmem_shared>>
      tpu.enqueue_dma source(%arg9 : memref<128x128xf32, #tpu.memory_space<vmem>>) target(%dma_start3A_43 : memref<128x128xf32, #tpu.memory_space<vmem_shared>>) target_semaphore(%run_scoped3A : memref<!tpu.dma_semaphore, #tpu.memory_space<semaphore_mem>>)
      %dma_wait3A = arith.constant 0 : i32
      %dma_wait3A_44 = tpu.memref_slice %arg10[%add3A_4, %dma_wait3A] : memref<10240x128xf32, #tpu.memory_space<vmem_shared>> -> memref<128x128xf32, #tpu.memory_space<vmem_shared>>
      %dma_wait3A_45 = arith.constant 0 : i32
      %dma_wait3A_46 = tpu.memref_slice %arg10[%add3A_4, %dma_wait3A_45] : memref<10240x128xf32, #tpu.memory_space<vmem_shared>> -> memref<128x128xf32, #tpu.memory_space<vmem_shared>>
      tpu.wait_dma2 semaphore(%run_scoped3A : memref<!tpu.dma_semaphore, #tpu.memory_space<semaphore_mem>>) src(%arg9 : memref<128x128xf32, #tpu.memory_space<vmem>>) dst(%dma_wait3A_46 : memref<128x128xf32, #tpu.memory_space<vmem_shared>>)
      tpu.yield
    }) : () -> ()
    %mul3A_5 = arith.constant 640 : i32
    %mul3A_6 = arith.muli %arg1, %mul3A_5 : i32
    %add3A_7 = arith.constant 128 : i32
    %add3A_8 = arith.addi %mul3A_6, %add3A_7 : i32
    "tpu.region"() ({
      %run_scoped3A = tpu.sem_alloc : memref<!tpu.dma_semaphore, #tpu.memory_space<semaphore_mem>>
      %dma_start3A_40 = arith.constant 0 : i32
      %dma_start3A_41 = tpu.memref_slice %arg10[%add3A_8, %dma_start3A_40] : memref<10240x128xf32, #tpu.memory_space<vmem_shared>> -> memref<128x128xf32, #tpu.memory_space<vmem_shared>>
      %dma_start3A_42 = arith.constant 0 : i32
      %dma_start3A_43 = tpu.memref_slice %arg10[%add3A_8, %dma_start3A_42] : memref<10240x128xf32, #tpu.memory_space<vmem_shared>> -> memref<128x128xf32, #tpu.memory_space<vmem_shared>>
      tpu.enqueue_dma source(%arg9 : memref<128x128xf32, #tpu.memory_space<vmem>>) target(%dma_start3A_43 : memref<128x128xf32, #tpu.memory_space<vmem_shared>>) target_semaphore(%run_scoped3A : memref<!tpu.dma_semaphore, #tpu.memory_space<semaphore_mem>>)
      %dma_wait3A = arith.constant 0 : i32
      %dma_wait3A_44 = tpu.memref_slice %arg10[%add3A_8, %dma_wait3A] : memref<10240x128xf32, #tpu.memory_space<vmem_shared>> -> memref<128x128xf32, #tpu.memory_space<vmem_shared>>
      %dma_wait3A_45 = arith.constant 0 : i32
      %dma_wait3A_46 = tpu.memref_slice %arg10[%add3A_8, %dma_wait3A_45] : memref<10240x128xf32, #tpu.memory_space<vmem_shared>> -> memref<128x128xf32, #tpu.memory_space<vmem_shared>>
      tpu.wait_dma2 semaphore(%run_scoped3A : memref<!tpu.dma_semaphore, #tpu.memory_space<semaphore_mem>>) src(%arg9 : memref<128x128xf32, #tpu.memory_space<vmem>>) dst(%dma_wait3A_46 : memref<128x128xf32, #tpu.memory_space<vmem_shared>>)
      tpu.yield
    }) : () -> ()
    %mul3A_9 = arith.constant 640 : i32
    %mul3A_10 = arith.muli %arg1, %mul3A_9 : i32
    %add3A_11 = arith.constant 256 : i32
    %add3A_12 = arith.addi %mul3A_10, %add3A_11 : i32
    "tpu.region"() ({
      %run_scoped3A = tpu.sem_alloc : memref<!tpu.dma_semaphore, #tpu.memory_space<semaphore_mem>>
      %dma_start3A_40 = arith.constant 0 : i32
      %dma_start3A_41 = tpu.memref_slice %arg10[%add3A_12, %dma_start3A_40] : memref<10240x128xf32, #tpu.memory_space<vmem_shared>> -> memref<128x128xf32, #tpu.memory_space<vmem_shared>>
      %dma_start3A_42 = arith.constant 0 : i32
      %dma_start3A_43 = tpu.memref_slice %arg10[%add3A_12, %dma_start3A_42] : memref<10240x128xf32, #tpu.memory_space<vmem_shared>> -> memref<128x128xf32, #tpu.memory_space<vmem_shared>>
      tpu.enqueue_dma source(%arg9 : memref<128x128xf32, #tpu.memory_space<vmem>>) target(%dma_start3A_43 : memref<128x128xf32, #tpu.memory_space<vmem_shared>>) target_semaphore(%run_scoped3A : memref<!tpu.dma_semaphore, #tpu.memory_space<semaphore_mem>>)
      %dma_wait3A = arith.constant 0 : i32
      %dma_wait3A_44 = tpu.memref_slice %arg10[%add3A_12, %dma_wait3A] : memref<10240x128xf32, #tpu.memory_space<vmem_shared>> -> memref<128x128xf32, #tpu.memory_space<vmem_shared>>
      %dma_wait3A_45 = arith.constant 0 : i32
      %dma_wait3A_46 = tpu.memref_slice %arg10[%add3A_12, %dma_wait3A_45] : memref<10240x128xf32, #tpu.memory_space<vmem_shared>> -> memref<128x128xf32, #tpu.memory_space<vmem_shared>>
      tpu.wait_dma2 semaphore(%run_scoped3A : memref<!tpu.dma_semaphore, #tpu.memory_space<semaphore_mem>>) src(%arg9 : memref<128x128xf32, #tpu.memory_space<vmem>>) dst(%dma_wait3A_46 : memref<128x128xf32, #tpu.memory_space<vmem_shared>>)
      tpu.yield
    }) : () -> ()
    %mul3A_13 = arith.constant 640 : i32
    %mul3A_14 = arith.muli %arg1, %mul3A_13 : i32
    %add3A_15 = arith.constant 384 : i32
    %add3A_16 = arith.addi %mul3A_14, %add3A_15 : i32
    "tpu.region"() ({
      %run_scoped3A = tpu.sem_alloc : memref<!tpu.dma_semaphore, #tpu.memory_space<semaphore_mem>>
      %dma_start3A_40 = arith.constant 0 : i32
      %dma_start3A_41 = tpu.memref_slice %arg10[%add3A_16, %dma_start3A_40] : memref<10240x128xf32, #tpu.memory_space<vmem_shared>> -> memref<128x128xf32, #tpu.memory_space<vmem_shared>>
      %dma_start3A_42 = arith.constant 0 : i32
      %dma_start3A_43 = tpu.memref_slice %arg10[%add3A_16, %dma_start3A_42] : memref<10240x128xf32, #tpu.memory_space<vmem_shared>> -> memref<128x128xf32, #tpu.memory_space<vmem_shared>>
      tpu.enqueue_dma source(%arg9 : memref<128x128xf32, #tpu.memory_space<vmem>>) target(%dma_start3A_43 : memref<128x128xf32, #tpu.memory_space<vmem_shared>>) target_semaphore(%run_scoped3A : memref<!tpu.dma_semaphore, #tpu.memory_space<semaphore_mem>>)
      %dma_wait3A = arith.constant 0 : i32
      %dma_wait3A_44 = tpu.memref_slice %arg10[%add3A_16, %dma_wait3A] : memref<10240x128xf32, #tpu.memory_space<vmem_shared>> -> memref<128x128xf32, #tpu.memory_space<vmem_shared>>
      %dma_wait3A_45 = arith.constant 0 : i32
      %dma_wait3A_46 = tpu.memref_slice %arg10[%add3A_16, %dma_wait3A_45] : memref<10240x128xf32, #tpu.memory_space<vmem_shared>> -> memref<128x128xf32, #tpu.memory_space<vmem_shared>>
      tpu.wait_dma2 semaphore(%run_scoped3A : memref<!tpu.dma_semaphore, #tpu.memory_space<semaphore_mem>>) src(%arg9 : memref<128x128xf32, #tpu.memory_space<vmem>>) dst(%dma_wait3A_46 : memref<128x128xf32, #tpu.memory_space<vmem_shared>>)
      tpu.yield
    }) : () -> ()
    %mul3A_17 = arith.constant 640 : i32
    %mul3A_18 = arith.muli %arg1, %mul3A_17 : i32
    %add3A_19 = arith.constant 512 : i32
    %add3A_20 = arith.addi %mul3A_18, %add3A_19 : i32
    "tpu.region"() ({
      %run_scoped3A = tpu.sem_alloc : memref<!tpu.dma_semaphore, #tpu.memory_space<semaphore_mem>>
      %dma_start3A_40 = arith.constant 0 : i32
      %dma_start3A_41 = tpu.memref_slice %arg10[%add3A_20, %dma_start3A_40] : memref<10240x128xf32, #tpu.memory_space<vmem_shared>> -> memref<128x128xf32, #tpu.memory_space<vmem_shared>>
      %dma_start3A_42 = arith.constant 0 : i32
      %dma_start3A_43 = tpu.memref_slice %arg10[%add3A_20, %dma_start3A_42] : memref<10240x128xf32, #tpu.memory_space<vmem_shared>> -> memref<128x128xf32, #tpu.memory_space<vmem_shared>>
      tpu.enqueue_dma source(%arg9 : memref<128x128xf32, #tpu.memory_space<vmem>>) target(%dma_start3A_43 : memref<128x128xf32, #tpu.memory_space<vmem_shared>>) target_semaphore(%run_scoped3A : memref<!tpu.dma_semaphore, #tpu.memory_space<semaphore_mem>>)
      %dma_wait3A = arith.constant 0 : i32
      %dma_wait3A_44 = tpu.memref_slice %arg10[%add3A_20, %dma_wait3A] : memref<10240x128xf32, #tpu.memory_space<vmem_shared>> -> memref<128x128xf32, #tpu.memory_space<vmem_shared>>
      %dma_wait3A_45 = arith.constant 0 : i32
      %dma_wait3A_46 = tpu.memref_slice %arg10[%add3A_20, %dma_wait3A_45] : memref<10240x128xf32, #tpu.memory_space<vmem_shared>> -> memref<128x128xf32, #tpu.memory_space<vmem_shared>>
      tpu.wait_dma2 semaphore(%run_scoped3A : memref<!tpu.dma_semaphore, #tpu.memory_space<semaphore_mem>>) src(%arg9 : memref<128x128xf32, #tpu.memory_space<vmem>>) dst(%dma_wait3A_46 : memref<128x128xf32, #tpu.memory_space<vmem_shared>>)
      tpu.yield
    }) : () -> ()
    "tpu.region"() ({
      %run_scoped3A = tpu.sem_alloc : memref<!tpu.dma_semaphore, #tpu.memory_space<semaphore_mem>>
      tpu.enqueue_dma source(%arg3 : memref<128x128xf32, #tpu.memory_space<hbm>>) target(%arg8 : memref<128x128xf32, #tpu.memory_space<vmem>>) target_semaphore(%run_scoped3A : memref<!tpu.dma_semaphore, #tpu.memory_space<semaphore_mem>>)
      tpu.wait_dma2 semaphore(%run_scoped3A : memref<!tpu.dma_semaphore, #tpu.memory_space<semaphore_mem>>) src(%arg3 : memref<128x128xf32, #tpu.memory_space<hbm>>) dst(%arg8 : memref<128x128xf32, #tpu.memory_space<vmem>>)
      tpu.yield
    }) : () -> ()
    %barrier3A = arith.constant 0 : index
    tpu.barrier barrier_id(%barrier3A)
    %mul3A_21 = arith.constant 10240 : i32
    %mul3A_22 = arith.muli %add3A, %mul3A_21 : i32
    "tpu.region"() ({
      %run_scoped3A = tpu.sem_alloc : memref<!tpu.dma_semaphore, #tpu.memory_space<semaphore_mem>>
      %dma_start3A_40 = tpu.memref_slice %arg2[%mul3A_22] : memref<327680xi32, #tpu.memory_space<hbm>> -> memref<128xi32, #tpu.memory_space<hbm>>
      %dma_start3A_41 = tpu.memref_slice %arg2[%mul3A_22] : memref<327680xi32, #tpu.memory_space<hbm>> -> memref<128xi32, #tpu.memory_space<hbm>>
      tpu.enqueue_dma source(%dma_start3A_41 : memref<128xi32, #tpu.memory_space<hbm>>) target(%arg6 : memref<128xi32, #tpu.memory_space<vmem>>) target_semaphore(%run_scoped3A : memref<!tpu.dma_semaphore, #tpu.memory_space<semaphore_mem>>)
      %dma_wait3A = tpu.memref_slice %arg2[%mul3A_22] : memref<327680xi32, #tpu.memory_space<hbm>> -> memref<128xi32, #tpu.memory_space<hbm>>
      %dma_wait3A_42 = tpu.memref_slice %arg2[%mul3A_22] : memref<327680xi32, #tpu.memory_space<hbm>> -> memref<128xi32, #tpu.memory_space<hbm>>
      tpu.wait_dma2 semaphore(%run_scoped3A : memref<!tpu.dma_semaphore, #tpu.memory_space<semaphore_mem>>) src(%dma_wait3A_42 : memref<128xi32, #tpu.memory_space<hbm>>) dst(%arg6 : memref<128xi32, #tpu.memory_space<vmem>>)
      tpu.yield
    }) : () -> ()
    %dma_start3A = arith.constant 0 : i32
    %dma_start3A_23 = arith.constant 0 : i32
    %dma_start3A_24 = tpu.memref_slice %arg10[%dma_start3A, %dma_start3A_23] : memref<10240x128xf32, #tpu.memory_space<vmem_shared>> -> memref<10240x128xf32, #tpu.memory_space<vmem_shared>>
    tpu.enqueue_indirect_dma source(%arg8 : memref<128x128xf32, #tpu.memory_space<vmem>>) target(%dma_start3A_24 : memref<10240x128xf32, #tpu.memory_space<vmem_shared>>) offsets(%arg6 : memref<128xi32, #tpu.memory_space<vmem>>) semaphore(%arg11 : memref<!tpu.dma_semaphore, #tpu.memory_space<semaphore_mem>>) {add = true}
    %add3A_25 = arith.constant 128 : i32
    %add3A_26 = arith.addi %mul3A_22, %add3A_25 : i32
    "tpu.region"() ({
      %run_scoped3A = tpu.sem_alloc : memref<!tpu.dma_semaphore, #tpu.memory_space<semaphore_mem>>
      %dma_start3A_40 = tpu.memref_slice %arg2[%add3A_26] : memref<327680xi32, #tpu.memory_space<hbm>> -> memref<128xi32, #tpu.memory_space<hbm>>
      %dma_start3A_41 = tpu.memref_slice %arg2[%add3A_26] : memref<327680xi32, #tpu.memory_space<hbm>> -> memref<128xi32, #tpu.memory_space<hbm>>
      tpu.enqueue_dma source(%dma_start3A_41 : memref<128xi32, #tpu.memory_space<hbm>>) target(%arg7 : memref<128xi32, #tpu.memory_space<vmem>>) target_semaphore(%run_scoped3A : memref<!tpu.dma_semaphore, #tpu.memory_space<semaphore_mem>>)
      %dma_wait3A = tpu.memref_slice %arg2[%add3A_26] : memref<327680xi32, #tpu.memory_space<hbm>> -> memref<128xi32, #tpu.memory_space<hbm>>
      %dma_wait3A_42 = tpu.memref_slice %arg2[%add3A_26] : memref<327680xi32, #tpu.memory_space<hbm>> -> memref<128xi32, #tpu.memory_space<hbm>>
      tpu.wait_dma2 semaphore(%run_scoped3A : memref<!tpu.dma_semaphore, #tpu.memory_space<semaphore_mem>>) src(%dma_wait3A_42 : memref<128xi32, #tpu.memory_space<hbm>>) dst(%arg7 : memref<128xi32, #tpu.memory_space<vmem>>)
      tpu.yield
    }) : () -> ()
    %dma_start3A_27 = arith.constant 0 : i32
    %dma_start3A_28 = arith.constant 0 : i32
    %dma_start3A_29 = tpu.memref_slice %arg10[%dma_start3A_27, %dma_start3A_28] : memref<10240x128xf32, #tpu.memory_space<vmem_shared>> -> memref<10240x128xf32, #tpu.memory_space<vmem_shared>>
    tpu.enqueue_indirect_dma source(%arg8 : memref<128x128xf32, #tpu.memory_space<vmem>>) target(%dma_start3A_29 : memref<10240x128xf32, #tpu.memory_space<vmem_shared>>) offsets(%arg7 : memref<128xi32, #tpu.memory_space<vmem>>) semaphore(%arg12 : memref<!tpu.dma_semaphore, #tpu.memory_space<semaphore_mem>>) {add = true}
    %scan3A = arith.constant 0 : i32
    %scan3A_30 = arith.constant 0 : i32
    %scan3A_31 = arith.constant 40 : i32
    %scan3A_32 = arith.addi %scan3A_30, %scan3A_31 : i32
    %scan3A_33 = arith.constant 1 : i32
    scf.for %scan3A_40 = %scan3A_30 to %scan3A_32 step %scan3A_33  : i32 {
      %mul3A_41 = arith.constant 2 : i32
      %mul3A_42 = arith.muli %mul3A_41, %scan3A_40 : i32
      %dma_wait3A = arith.constant 0 : i32
      %dma_wait3A_43 = arith.constant 0 : i32
      %dma_wait3A_44 = tpu.memref_slice %arg10[%dma_wait3A, %dma_wait3A_43] : memref<10240x128xf32, #tpu.memory_space<vmem_shared>> -> memref<10240x128xf32, #tpu.memory_space<vmem_shared>>
      tpu.wait_indirect_dma semaphore(%arg11 : memref<!tpu.dma_semaphore, #tpu.memory_space<semaphore_mem>>) src(%arg8 : memref<128x128xf32, #tpu.memory_space<vmem>>) dst(%dma_wait3A_44 : memref<10240x128xf32, #tpu.memory_space<vmem_shared>>)
      %add3A_45 = arith.constant 0 : i32
      %add3A_46 = arith.addi %mul3A_42, %add3A_45 : i32
      %add3A_47 = arith.constant 2 : i32
      %add3A_48 = arith.addi %add3A_46, %add3A_47 : i32
      %lt3A = arith.constant 80 : i32
      %lt3A_49 = arith.cmpi slt, %add3A_48, %lt3A : i32
      %convert_element_type3A = arith.extui %lt3A_49 : i1 to i32
      %cond3A = arith.constant 0 : i32
      %cond3A_50 = arith.cmpi ne, %convert_element_type3A, %cond3A : i32
      scf.if %cond3A_50 {
        %add3A_63 = arith.constant 0 : i32
        %add3A_64 = arith.addi %mul3A_42, %add3A_63 : i32
        %add3A_65 = arith.constant 2 : i32
        %add3A_66 = arith.addi %add3A_64, %add3A_65 : i32
        %mul3A_67 = arith.constant 128 : i32
        %mul3A_68 = arith.muli %add3A_66, %mul3A_67 : i32
        %add3A_69 = arith.addi %mul3A_22, %mul3A_68 : i32
        "tpu.region"() ({
          %run_scoped3A = tpu.sem_alloc : memref<!tpu.dma_semaphore, #tpu.memory_space<semaphore_mem>>
          %dma_start3A_73 = tpu.memref_slice %arg2[%add3A_69] : memref<327680xi32, #tpu.memory_space<hbm>> -> memref<128xi32, #tpu.memory_space<hbm>>
          %dma_start3A_74 = tpu.memref_slice %arg2[%add3A_69] : memref<327680xi32, #tpu.memory_space<hbm>> -> memref<128xi32, #tpu.memory_space<hbm>>
          tpu.enqueue_dma source(%dma_start3A_74 : memref<128xi32, #tpu.memory_space<hbm>>) target(%arg6 : memref<128xi32, #tpu.memory_space<vmem>>) target_semaphore(%run_scoped3A : memref<!tpu.dma_semaphore, #tpu.memory_space<semaphore_mem>>)
          %dma_wait3A_75 = tpu.memref_slice %arg2[%add3A_69] : memref<327680xi32, #tpu.memory_space<hbm>> -> memref<128xi32, #tpu.memory_space<hbm>>
          %dma_wait3A_76 = tpu.memref_slice %arg2[%add3A_69] : memref<327680xi32, #tpu.memory_space<hbm>> -> memref<128xi32, #tpu.memory_space<hbm>>
          tpu.wait_dma2 semaphore(%run_scoped3A : memref<!tpu.dma_semaphore, #tpu.memory_space<semaphore_mem>>) src(%dma_wait3A_76 : memref<128xi32, #tpu.memory_space<hbm>>) dst(%arg6 : memref<128xi32, #tpu.memory_space<vmem>>)
          tpu.yield
        }) : () -> ()
        %dma_start3A_70 = arith.constant 0 : i32
        %dma_start3A_71 = arith.constant 0 : i32
        %dma_start3A_72 = tpu.memref_slice %arg10[%dma_start3A_70, %dma_start3A_71] : memref<10240x128xf32, #tpu.memory_space<vmem_shared>> -> memref<10240x128xf32, #tpu.memory_space<vmem_shared>>
        tpu.enqueue_indirect_dma source(%arg8 : memref<128x128xf32, #tpu.memory_space<vmem>>) target(%dma_start3A_72 : memref<10240x128xf32, #tpu.memory_space<vmem_shared>>) offsets(%arg6 : memref<128xi32, #tpu.memory_space<vmem>>) semaphore(%arg11 : memref<!tpu.dma_semaphore, #tpu.memory_space<semaphore_mem>>) {add = true}
      } else {
      }
      %dma_wait3A_51 = arith.constant 0 : i32
      %dma_wait3A_52 = arith.constant 0 : i32
      %dma_wait3A_53 = tpu.memref_slice %arg10[%dma_wait3A_51, %dma_wait3A_52] : memref<10240x128xf32, #tpu.memory_space<vmem_shared>> -> memref<10240x128xf32, #tpu.memory_space<vmem_shared>>
      tpu.wait_indirect_dma semaphore(%arg12 : memref<!tpu.dma_semaphore, #tpu.memory_space<semaphore_mem>>) src(%arg8 : memref<128x128xf32, #tpu.memory_space<vmem>>) dst(%dma_wait3A_53 : memref<10240x128xf32, #tpu.memory_space<vmem_shared>>)
      %add3A_54 = arith.constant 1 : i32
      %add3A_55 = arith.addi %mul3A_42, %add3A_54 : i32
      %add3A_56 = arith.constant 2 : i32
      %add3A_57 = arith.addi %add3A_55, %add3A_56 : i32
      %lt3A_58 = arith.constant 80 : i32
      %lt3A_59 = arith.cmpi slt, %add3A_57, %lt3A_58 : i32
      %convert_element_type3A_60 = arith.extui %lt3A_59 : i1 to i32
      %cond3A_61 = arith.constant 0 : i32
      %cond3A_62 = arith.cmpi ne, %convert_element_type3A_60, %cond3A_61 : i32
      scf.if %cond3A_62 {
        %add3A_63 = arith.constant 1 : i32
        %add3A_64 = arith.addi %mul3A_42, %add3A_63 : i32
        %add3A_65 = arith.constant 2 : i32
        %add3A_66 = arith.addi %add3A_64, %add3A_65 : i32
        %mul3A_67 = arith.constant 128 : i32
        %mul3A_68 = arith.muli %add3A_66, %mul3A_67 : i32
        %add3A_69 = arith.addi %mul3A_22, %mul3A_68 : i32
        "tpu.region"() ({
          %run_scoped3A = tpu.sem_alloc : memref<!tpu.dma_semaphore, #tpu.memory_space<semaphore_mem>>
          %dma_start3A_73 = tpu.memref_slice %arg2[%add3A_69] : memref<327680xi32, #tpu.memory_space<hbm>> -> memref<128xi32, #tpu.memory_space<hbm>>
          %dma_start3A_74 = tpu.memref_slice %arg2[%add3A_69] : memref<327680xi32, #tpu.memory_space<hbm>> -> memref<128xi32, #tpu.memory_space<hbm>>
          tpu.enqueue_dma source(%dma_start3A_74 : memref<128xi32, #tpu.memory_space<hbm>>) target(%arg7 : memref<128xi32, #tpu.memory_space<vmem>>) target_semaphore(%run_scoped3A : memref<!tpu.dma_semaphore, #tpu.memory_space<semaphore_mem>>)
          %dma_wait3A_75 = tpu.memref_slice %arg2[%add3A_69] : memref<327680xi32, #tpu.memory_space<hbm>> -> memref<128xi32, #tpu.memory_space<hbm>>
          %dma_wait3A_76 = tpu.memref_slice %arg2[%add3A_69] : memref<327680xi32, #tpu.memory_space<hbm>> -> memref<128xi32, #tpu.memory_space<hbm>>
          tpu.wait_dma2 semaphore(%run_scoped3A : memref<!tpu.dma_semaphore, #tpu.memory_space<semaphore_mem>>) src(%dma_wait3A_76 : memref<128xi32, #tpu.memory_space<hbm>>) dst(%arg7 : memref<128xi32, #tpu.memory_space<vmem>>)
          tpu.yield
        }) : () -> ()
        %dma_start3A_70 = arith.constant 0 : i32
        %dma_start3A_71 = arith.constant 0 : i32
        %dma_start3A_72 = tpu.memref_slice %arg10[%dma_start3A_70, %dma_start3A_71] : memref<10240x128xf32, #tpu.memory_space<vmem_shared>> -> memref<10240x128xf32, #tpu.memory_space<vmem_shared>>
        tpu.enqueue_indirect_dma source(%arg8 : memref<128x128xf32, #tpu.memory_space<vmem>>) target(%dma_start3A_72 : memref<10240x128xf32, #tpu.memory_space<vmem_shared>>) offsets(%arg7 : memref<128xi32, #tpu.memory_space<vmem>>) semaphore(%arg12 : memref<!tpu.dma_semaphore, #tpu.memory_space<semaphore_mem>>) {add = true}
      } else {
      }
    }
    %scan3A_34 = arith.constant 40 : i32
    %barrier3A_35 = arith.constant 0 : index
    tpu.barrier barrier_id(%barrier3A_35)
    %mul3A_36 = arith.constant 640 : i32
    %mul3A_37 = arith.muli %arg1, %mul3A_36 : i32
    %mul3A_38 = arith.constant 640 : i32
    %mul3A_39 = arith.muli %arg1, %mul3A_38 : i32
    "tpu.region"() ({
      %run_scoped3A = tpu.sem_alloc : memref<!tpu.dma_semaphore, #tpu.memory_space<semaphore_mem>>
      %dma_start3A_40 = arith.constant 0 : i32
      %dma_start3A_41 = tpu.memref_slice %arg5[%arg0, %mul3A_39, %dma_start3A_40] : memref<2x10240x128xf32, #tpu.memory_space<hbm>> -> memref<1x640x128xf32, #tpu.memory_space<hbm>>
      %dma_start3A_42 = tpu.memref_squeeze %dma_start3A_41 : memref<1x640x128xf32, #tpu.memory_space<hbm>> -> memref<640x128xf32, #tpu.memory_space<hbm>>
      %dma_start3A_43 = arith.constant 0 : i32
      %dma_start3A_44 = tpu.memref_slice %arg10[%mul3A_37, %dma_start3A_43] : memref<10240x128xf32, #tpu.memory_space<vmem_shared>> -> memref<640x128xf32, #tpu.memory_space<vmem_shared>>
      tpu.enqueue_dma source(%dma_start3A_44 : memref<640x128xf32, #tpu.memory_space<vmem_shared>>) target(%dma_start3A_42 : memref<640x128xf32, #tpu.memory_space<hbm>>) target_semaphore(%run_scoped3A : memref<!tpu.dma_semaphore, #tpu.memory_space<semaphore_mem>>)
      %dma_wait3A = arith.constant 0 : i32
      %dma_wait3A_45 = tpu.memref_slice %arg5[%arg0, %mul3A_39, %dma_wait3A] : memref<2x10240x128xf32, #tpu.memory_space<hbm>> -> memref<1x640x128xf32, #tpu.memory_space<hbm>>
      %dma_wait3A_46 = tpu.memref_squeeze %dma_wait3A_45 : memref<1x640x128xf32, #tpu.memory_space<hbm>> -> memref<640x128xf32, #tpu.memory_space<hbm>>
      %dma_wait3A_47 = arith.constant 0 : i32
      %dma_wait3A_48 = tpu.memref_slice %arg10[%mul3A_37, %dma_wait3A_47] : memref<10240x128xf32, #tpu.memory_space<vmem_shared>> -> memref<640x128xf32, #tpu.memory_space<vmem_shared>>
      tpu.wait_dma2 semaphore(%run_scoped3A : memref<!tpu.dma_semaphore, #tpu.memory_space<semaphore_mem>>) src(%dma_wait3A_48 : memref<640x128xf32, #tpu.memory_space<vmem_shared>>) dst(%dma_wait3A_46 : memref<640x128xf32, #tpu.memory_space<hbm>>)
      tpu.yield
    }) : () -> ()
    return
  }
}

#map = affine_map<(d0, d1) -> (0, 0)>
#map1 = affine_map<(d0, d1) -> (0)>
#map2 = affine_map<(d0, d1) -> (0, 0, 0)>
module attributes {stable_mosaic.version = 14 : i64} {
  func.func @_sc_scatter_body(%arg0: i32, %arg1: i32, %arg2: memref<10240x128xf32, #tpu.memory_space<hbm>>, %arg3: memref<327680xi32, #tpu.memory_space<hbm>>, %arg4: memref<327680xi32, #tpu.memory_space<hbm>>, %arg5: memref<128x128xf32, #tpu.memory_space<hbm>>, %arg6: memref<2x10240x128xf32, #tpu.memory_space<hbm>>, %arg7: memref<128xi32, #tpu.memory_space<vmem>>, %arg8: memref<128xi32, #tpu.memory_space<vmem>>, %arg9: memref<128x128xf32, #tpu.memory_space<vmem>>, %arg10: memref<128x128xf32, #tpu.memory_space<vmem>>, %arg11: memref<10240x128xf32, #tpu.memory_space<vmem_shared>>, %arg12: memref<!tpu.dma_semaphore, #tpu.memory_space<semaphore_mem>>) attributes {dimension_semantics = [#tpu.dimension_semantics<core_parallel>, #tpu.dimension_semantics<subcore_parallel>], iteration_bounds = array<i64: 2, 16>, scalar_prefetch = 0 : i64, scratch_operands = 6 : i64, tpu.core_type = #tpu.core_type<sc_vector_subcore>, window_params = [{transform_indices = #map}, {transform_indices = #map1}, {transform_indices = #map1}, {transform_indices = #map}, {transform_indices = #map2}]} {
    %mul3A = arith.constant 16 : i32
    %mul3A_0 = arith.muli %arg0, %mul3A : i32
    %add3A = arith.addi %mul3A_0, %arg1 : i32
    "tpu.region"() ({
      %run_scoped3A = tpu.sem_alloc : memref<!tpu.dma_semaphore, #tpu.memory_space<semaphore_mem>>
      tpu.enqueue_dma source(%arg5 : memref<128x128xf32, #tpu.memory_space<hbm>>) target(%arg10 : memref<128x128xf32, #tpu.memory_space<vmem>>) target_semaphore(%run_scoped3A : memref<!tpu.dma_semaphore, #tpu.memory_space<semaphore_mem>>)
      tpu.wait_dma2 semaphore(%run_scoped3A : memref<!tpu.dma_semaphore, #tpu.memory_space<semaphore_mem>>) src(%arg5 : memref<128x128xf32, #tpu.memory_space<hbm>>) dst(%arg10 : memref<128x128xf32, #tpu.memory_space<vmem>>)
      tpu.yield
    }) : () -> ()
    %mul3A_1 = arith.constant 640 : i32
    %mul3A_2 = arith.muli %arg1, %mul3A_1 : i32
    %add3A_3 = arith.constant 0 : i32
    %add3A_4 = arith.addi %mul3A_2, %add3A_3 : i32
    "tpu.region"() ({
      %run_scoped3A = tpu.sem_alloc : memref<!tpu.dma_semaphore, #tpu.memory_space<semaphore_mem>>
      %dma_start3A = arith.constant 0 : i32
      %dma_start3A_33 = tpu.memref_slice %arg11[%add3A_4, %dma_start3A] : memref<10240x128xf32, #tpu.memory_space<vmem_shared>> -> memref<128x128xf32, #tpu.memory_space<vmem_shared>>
      %dma_start3A_34 = arith.constant 0 : i32
      %dma_start3A_35 = tpu.memref_slice %arg11[%add3A_4, %dma_start3A_34] : memref<10240x128xf32, #tpu.memory_space<vmem_shared>> -> memref<128x128xf32, #tpu.memory_space<vmem_shared>>
      tpu.enqueue_dma source(%arg10 : memref<128x128xf32, #tpu.memory_space<vmem>>) target(%dma_start3A_35 : memref<128x128xf32, #tpu.memory_space<vmem_shared>>) target_semaphore(%run_scoped3A : memref<!tpu.dma_semaphore, #tpu.memory_space<semaphore_mem>>)
      %dma_wait3A = arith.constant 0 : i32
      %dma_wait3A_36 = tpu.memref_slice %arg11[%add3A_4, %dma_wait3A] : memref<10240x128xf32, #tpu.memory_space<vmem_shared>> -> memref<128x128xf32, #tpu.memory_space<vmem_shared>>
      %dma_wait3A_37 = arith.constant 0 : i32
      %dma_wait3A_38 = tpu.memref_slice %arg11[%add3A_4, %dma_wait3A_37] : memref<10240x128xf32, #tpu.memory_space<vmem_shared>> -> memref<128x128xf32, #tpu.memory_space<vmem_shared>>
      tpu.wait_dma2 semaphore(%run_scoped3A : memref<!tpu.dma_semaphore, #tpu.memory_space<semaphore_mem>>) src(%arg10 : memref<128x128xf32, #tpu.memory_space<vmem>>) dst(%dma_wait3A_38 : memref<128x128xf32, #tpu.memory_space<vmem_shared>>)
      tpu.yield
    }) : () -> ()
    %mul3A_5 = arith.constant 640 : i32
    %mul3A_6 = arith.muli %arg1, %mul3A_5 : i32
    %add3A_7 = arith.constant 128 : i32
    %add3A_8 = arith.addi %mul3A_6, %add3A_7 : i32
    "tpu.region"() ({
      %run_scoped3A = tpu.sem_alloc : memref<!tpu.dma_semaphore, #tpu.memory_space<semaphore_mem>>
      %dma_start3A = arith.constant 0 : i32
      %dma_start3A_33 = tpu.memref_slice %arg11[%add3A_8, %dma_start3A] : memref<10240x128xf32, #tpu.memory_space<vmem_shared>> -> memref<128x128xf32, #tpu.memory_space<vmem_shared>>
      %dma_start3A_34 = arith.constant 0 : i32
      %dma_start3A_35 = tpu.memref_slice %arg11[%add3A_8, %dma_start3A_34] : memref<10240x128xf32, #tpu.memory_space<vmem_shared>> -> memref<128x128xf32, #tpu.memory_space<vmem_shared>>
      tpu.enqueue_dma source(%arg10 : memref<128x128xf32, #tpu.memory_space<vmem>>) target(%dma_start3A_35 : memref<128x128xf32, #tpu.memory_space<vmem_shared>>) target_semaphore(%run_scoped3A : memref<!tpu.dma_semaphore, #tpu.memory_space<semaphore_mem>>)
      %dma_wait3A = arith.constant 0 : i32
      %dma_wait3A_36 = tpu.memref_slice %arg11[%add3A_8, %dma_wait3A] : memref<10240x128xf32, #tpu.memory_space<vmem_shared>> -> memref<128x128xf32, #tpu.memory_space<vmem_shared>>
      %dma_wait3A_37 = arith.constant 0 : i32
      %dma_wait3A_38 = tpu.memref_slice %arg11[%add3A_8, %dma_wait3A_37] : memref<10240x128xf32, #tpu.memory_space<vmem_shared>> -> memref<128x128xf32, #tpu.memory_space<vmem_shared>>
      tpu.wait_dma2 semaphore(%run_scoped3A : memref<!tpu.dma_semaphore, #tpu.memory_space<semaphore_mem>>) src(%arg10 : memref<128x128xf32, #tpu.memory_space<vmem>>) dst(%dma_wait3A_38 : memref<128x128xf32, #tpu.memory_space<vmem_shared>>)
      tpu.yield
    }) : () -> ()
    %mul3A_9 = arith.constant 640 : i32
    %mul3A_10 = arith.muli %arg1, %mul3A_9 : i32
    %add3A_11 = arith.constant 256 : i32
    %add3A_12 = arith.addi %mul3A_10, %add3A_11 : i32
    "tpu.region"() ({
      %run_scoped3A = tpu.sem_alloc : memref<!tpu.dma_semaphore, #tpu.memory_space<semaphore_mem>>
      %dma_start3A = arith.constant 0 : i32
      %dma_start3A_33 = tpu.memref_slice %arg11[%add3A_12, %dma_start3A] : memref<10240x128xf32, #tpu.memory_space<vmem_shared>> -> memref<128x128xf32, #tpu.memory_space<vmem_shared>>
      %dma_start3A_34 = arith.constant 0 : i32
      %dma_start3A_35 = tpu.memref_slice %arg11[%add3A_12, %dma_start3A_34] : memref<10240x128xf32, #tpu.memory_space<vmem_shared>> -> memref<128x128xf32, #tpu.memory_space<vmem_shared>>
      tpu.enqueue_dma source(%arg10 : memref<128x128xf32, #tpu.memory_space<vmem>>) target(%dma_start3A_35 : memref<128x128xf32, #tpu.memory_space<vmem_shared>>) target_semaphore(%run_scoped3A : memref<!tpu.dma_semaphore, #tpu.memory_space<semaphore_mem>>)
      %dma_wait3A = arith.constant 0 : i32
      %dma_wait3A_36 = tpu.memref_slice %arg11[%add3A_12, %dma_wait3A] : memref<10240x128xf32, #tpu.memory_space<vmem_shared>> -> memref<128x128xf32, #tpu.memory_space<vmem_shared>>
      %dma_wait3A_37 = arith.constant 0 : i32
      %dma_wait3A_38 = tpu.memref_slice %arg11[%add3A_12, %dma_wait3A_37] : memref<10240x128xf32, #tpu.memory_space<vmem_shared>> -> memref<128x128xf32, #tpu.memory_space<vmem_shared>>
      tpu.wait_dma2 semaphore(%run_scoped3A : memref<!tpu.dma_semaphore, #tpu.memory_space<semaphore_mem>>) src(%arg10 : memref<128x128xf32, #tpu.memory_space<vmem>>) dst(%dma_wait3A_38 : memref<128x128xf32, #tpu.memory_space<vmem_shared>>)
      tpu.yield
    }) : () -> ()
    %mul3A_13 = arith.constant 640 : i32
    %mul3A_14 = arith.muli %arg1, %mul3A_13 : i32
    %add3A_15 = arith.constant 384 : i32
    %add3A_16 = arith.addi %mul3A_14, %add3A_15 : i32
    "tpu.region"() ({
      %run_scoped3A = tpu.sem_alloc : memref<!tpu.dma_semaphore, #tpu.memory_space<semaphore_mem>>
      %dma_start3A = arith.constant 0 : i32
      %dma_start3A_33 = tpu.memref_slice %arg11[%add3A_16, %dma_start3A] : memref<10240x128xf32, #tpu.memory_space<vmem_shared>> -> memref<128x128xf32, #tpu.memory_space<vmem_shared>>
      %dma_start3A_34 = arith.constant 0 : i32
      %dma_start3A_35 = tpu.memref_slice %arg11[%add3A_16, %dma_start3A_34] : memref<10240x128xf32, #tpu.memory_space<vmem_shared>> -> memref<128x128xf32, #tpu.memory_space<vmem_shared>>
      tpu.enqueue_dma source(%arg10 : memref<128x128xf32, #tpu.memory_space<vmem>>) target(%dma_start3A_35 : memref<128x128xf32, #tpu.memory_space<vmem_shared>>) target_semaphore(%run_scoped3A : memref<!tpu.dma_semaphore, #tpu.memory_space<semaphore_mem>>)
      %dma_wait3A = arith.constant 0 : i32
      %dma_wait3A_36 = tpu.memref_slice %arg11[%add3A_16, %dma_wait3A] : memref<10240x128xf32, #tpu.memory_space<vmem_shared>> -> memref<128x128xf32, #tpu.memory_space<vmem_shared>>
      %dma_wait3A_37 = arith.constant 0 : i32
      %dma_wait3A_38 = tpu.memref_slice %arg11[%add3A_16, %dma_wait3A_37] : memref<10240x128xf32, #tpu.memory_space<vmem_shared>> -> memref<128x128xf32, #tpu.memory_space<vmem_shared>>
      tpu.wait_dma2 semaphore(%run_scoped3A : memref<!tpu.dma_semaphore, #tpu.memory_space<semaphore_mem>>) src(%arg10 : memref<128x128xf32, #tpu.memory_space<vmem>>) dst(%dma_wait3A_38 : memref<128x128xf32, #tpu.memory_space<vmem_shared>>)
      tpu.yield
    }) : () -> ()
    %mul3A_17 = arith.constant 640 : i32
    %mul3A_18 = arith.muli %arg1, %mul3A_17 : i32
    %add3A_19 = arith.constant 512 : i32
    %add3A_20 = arith.addi %mul3A_18, %add3A_19 : i32
    "tpu.region"() ({
      %run_scoped3A = tpu.sem_alloc : memref<!tpu.dma_semaphore, #tpu.memory_space<semaphore_mem>>
      %dma_start3A = arith.constant 0 : i32
      %dma_start3A_33 = tpu.memref_slice %arg11[%add3A_20, %dma_start3A] : memref<10240x128xf32, #tpu.memory_space<vmem_shared>> -> memref<128x128xf32, #tpu.memory_space<vmem_shared>>
      %dma_start3A_34 = arith.constant 0 : i32
      %dma_start3A_35 = tpu.memref_slice %arg11[%add3A_20, %dma_start3A_34] : memref<10240x128xf32, #tpu.memory_space<vmem_shared>> -> memref<128x128xf32, #tpu.memory_space<vmem_shared>>
      tpu.enqueue_dma source(%arg10 : memref<128x128xf32, #tpu.memory_space<vmem>>) target(%dma_start3A_35 : memref<128x128xf32, #tpu.memory_space<vmem_shared>>) target_semaphore(%run_scoped3A : memref<!tpu.dma_semaphore, #tpu.memory_space<semaphore_mem>>)
      %dma_wait3A = arith.constant 0 : i32
      %dma_wait3A_36 = tpu.memref_slice %arg11[%add3A_20, %dma_wait3A] : memref<10240x128xf32, #tpu.memory_space<vmem_shared>> -> memref<128x128xf32, #tpu.memory_space<vmem_shared>>
      %dma_wait3A_37 = arith.constant 0 : i32
      %dma_wait3A_38 = tpu.memref_slice %arg11[%add3A_20, %dma_wait3A_37] : memref<10240x128xf32, #tpu.memory_space<vmem_shared>> -> memref<128x128xf32, #tpu.memory_space<vmem_shared>>
      tpu.wait_dma2 semaphore(%run_scoped3A : memref<!tpu.dma_semaphore, #tpu.memory_space<semaphore_mem>>) src(%arg10 : memref<128x128xf32, #tpu.memory_space<vmem>>) dst(%dma_wait3A_38 : memref<128x128xf32, #tpu.memory_space<vmem_shared>>)
      tpu.yield
    }) : () -> ()
    %barrier3A = arith.constant 0 : index
    tpu.barrier barrier_id(%barrier3A)
    %mul3A_21 = arith.constant 10240 : i32
    %mul3A_22 = arith.muli %add3A, %mul3A_21 : i32
    %scan3A = arith.constant 0 : i32
    %scan3A_23 = arith.constant 0 : i32
    %scan3A_24 = arith.constant 80 : i32
    %scan3A_25 = arith.addi %scan3A_23, %scan3A_24 : i32
    %scan3A_26 = arith.constant 1 : i32
    scf.for %scan3A_33 = %scan3A_23 to %scan3A_25 step %scan3A_26  : i32 {
      %mul3A_34 = arith.constant 128 : i32
      %mul3A_35 = arith.muli %scan3A_33, %mul3A_34 : i32
      %add3A_36 = arith.addi %mul3A_22, %mul3A_35 : i32
      "tpu.region"() ({
        %run_scoped3A = tpu.sem_alloc : memref<!tpu.dma_semaphore, #tpu.memory_space<semaphore_mem>>
        %dma_start3A_41 = tpu.memref_slice %arg3[%add3A_36] : memref<327680xi32, #tpu.memory_space<hbm>> -> memref<128xi32, #tpu.memory_space<hbm>>
        %dma_start3A_42 = tpu.memref_slice %arg3[%add3A_36] : memref<327680xi32, #tpu.memory_space<hbm>> -> memref<128xi32, #tpu.memory_space<hbm>>
        tpu.enqueue_dma source(%dma_start3A_42 : memref<128xi32, #tpu.memory_space<hbm>>) target(%arg7 : memref<128xi32, #tpu.memory_space<vmem>>) target_semaphore(%run_scoped3A : memref<!tpu.dma_semaphore, #tpu.memory_space<semaphore_mem>>)
        %dma_wait3A_43 = tpu.memref_slice %arg3[%add3A_36] : memref<327680xi32, #tpu.memory_space<hbm>> -> memref<128xi32, #tpu.memory_space<hbm>>
        %dma_wait3A_44 = tpu.memref_slice %arg3[%add3A_36] : memref<327680xi32, #tpu.memory_space<hbm>> -> memref<128xi32, #tpu.memory_space<hbm>>
        tpu.wait_dma2 semaphore(%run_scoped3A : memref<!tpu.dma_semaphore, #tpu.memory_space<semaphore_mem>>) src(%dma_wait3A_44 : memref<128xi32, #tpu.memory_space<hbm>>) dst(%arg7 : memref<128xi32, #tpu.memory_space<vmem>>)
        tpu.yield
      }) : () -> ()
      "tpu.region"() ({
        %run_scoped3A = tpu.sem_alloc : memref<!tpu.dma_semaphore, #tpu.memory_space<semaphore_mem>>
        %dma_start3A_41 = tpu.memref_slice %arg4[%add3A_36] : memref<327680xi32, #tpu.memory_space<hbm>> -> memref<128xi32, #tpu.memory_space<hbm>>
        %dma_start3A_42 = tpu.memref_slice %arg4[%add3A_36] : memref<327680xi32, #tpu.memory_space<hbm>> -> memref<128xi32, #tpu.memory_space<hbm>>
        tpu.enqueue_dma source(%dma_start3A_42 : memref<128xi32, #tpu.memory_space<hbm>>) target(%arg8 : memref<128xi32, #tpu.memory_space<vmem>>) target_semaphore(%run_scoped3A : memref<!tpu.dma_semaphore, #tpu.memory_space<semaphore_mem>>)
        %dma_wait3A_43 = tpu.memref_slice %arg4[%add3A_36] : memref<327680xi32, #tpu.memory_space<hbm>> -> memref<128xi32, #tpu.memory_space<hbm>>
        %dma_wait3A_44 = tpu.memref_slice %arg4[%add3A_36] : memref<327680xi32, #tpu.memory_space<hbm>> -> memref<128xi32, #tpu.memory_space<hbm>>
        tpu.wait_dma2 semaphore(%run_scoped3A : memref<!tpu.dma_semaphore, #tpu.memory_space<semaphore_mem>>) src(%dma_wait3A_44 : memref<128xi32, #tpu.memory_space<hbm>>) dst(%arg8 : memref<128xi32, #tpu.memory_space<vmem>>)
        tpu.yield
      }) : () -> ()
      %dma_start3A = arith.constant 0 : i32
      %dma_start3A_37 = arith.constant 0 : i32
      %dma_start3A_38 = tpu.memref_slice %arg2[%dma_start3A, %dma_start3A_37] : memref<10240x128xf32, #tpu.memory_space<hbm>> -> memref<10240x128xf32, #tpu.memory_space<hbm>>
      tpu.enqueue_indirect_dma source(%dma_start3A_38 : memref<10240x128xf32, #tpu.memory_space<hbm>>) target(%arg9 : memref<128x128xf32, #tpu.memory_space<vmem>>) offsets(%arg7 : memref<128xi32, #tpu.memory_space<vmem>>) semaphore(%arg12 : memref<!tpu.dma_semaphore, #tpu.memory_space<semaphore_mem>>)
      %dma_wait3A = arith.constant 0 : i32
      %dma_wait3A_39 = arith.constant 0 : i32
      %dma_wait3A_40 = tpu.memref_slice %arg2[%dma_wait3A, %dma_wait3A_39] : memref<10240x128xf32, #tpu.memory_space<hbm>> -> memref<10240x128xf32, #tpu.memory_space<hbm>>
      tpu.wait_indirect_dma semaphore(%arg12 : memref<!tpu.dma_semaphore, #tpu.memory_space<semaphore_mem>>) src(%dma_wait3A_40 : memref<10240x128xf32, #tpu.memory_space<hbm>>) dst(%arg9 : memref<128x128xf32, #tpu.memory_space<vmem>>)
      "tpu.region"() ({
        %run_scoped3A = tpu.sem_alloc : memref<!tpu.dma_semaphore, #tpu.memory_space<semaphore_mem>>
        %dma_start3A_41 = arith.constant 0 : i32
        %dma_start3A_42 = arith.constant 0 : i32
        %dma_start3A_43 = tpu.memref_slice %arg11[%dma_start3A_41, %dma_start3A_42] : memref<10240x128xf32, #tpu.memory_space<vmem_shared>> -> memref<10240x128xf32, #tpu.memory_space<vmem_shared>>
        tpu.enqueue_indirect_dma source(%arg9 : memref<128x128xf32, #tpu.memory_space<vmem>>) target(%dma_start3A_43 : memref<10240x128xf32, #tpu.memory_space<vmem_shared>>) offsets(%arg8 : memref<128xi32, #tpu.memory_space<vmem>>) semaphore(%run_scoped3A : memref<!tpu.dma_semaphore, #tpu.memory_space<semaphore_mem>>) {add = true}
        %dma_wait3A_44 = arith.constant 0 : i32
        %dma_wait3A_45 = arith.constant 0 : i32
        %dma_wait3A_46 = tpu.memref_slice %arg11[%dma_wait3A_44, %dma_wait3A_45] : memref<10240x128xf32, #tpu.memory_space<vmem_shared>> -> memref<10240x128xf32, #tpu.memory_space<vmem_shared>>
        tpu.wait_indirect_dma semaphore(%run_scoped3A : memref<!tpu.dma_semaphore, #tpu.memory_space<semaphore_mem>>) src(%arg9 : memref<128x128xf32, #tpu.memory_space<vmem>>) dst(%dma_wait3A_46 : memref<10240x128xf32, #tpu.memory_space<vmem_shared>>)
        tpu.yield
      }) : () -> ()
    }
    %scan3A_27 = arith.constant 80 : i32
    %barrier3A_28 = arith.constant 0 : index
    tpu.barrier barrier_id(%barrier3A_28)
    %mul3A_29 = arith.constant 640 : i32
    %mul3A_30 = arith.muli %arg1, %mul3A_29 : i32
    %mul3A_31 = arith.constant 640 : i32
    %mul3A_32 = arith.muli %arg1, %mul3A_31 : i32
    "tpu.region"() ({
      %run_scoped3A = tpu.sem_alloc : memref<!tpu.dma_semaphore, #tpu.memory_space<semaphore_mem>>
      %dma_start3A = arith.constant 0 : i32
      %dma_start3A_33 = tpu.memref_slice %arg6[%arg0, %mul3A_32, %dma_start3A] : memref<2x10240x128xf32, #tpu.memory_space<hbm>> -> memref<1x640x128xf32, #tpu.memory_space<hbm>>
      %dma_start3A_34 = tpu.memref_squeeze %dma_start3A_33 : memref<1x640x128xf32, #tpu.memory_space<hbm>> -> memref<640x128xf32, #tpu.memory_space<hbm>>
      %dma_start3A_35 = arith.constant 0 : i32
      %dma_start3A_36 = tpu.memref_slice %arg11[%mul3A_30, %dma_start3A_35] : memref<10240x128xf32, #tpu.memory_space<vmem_shared>> -> memref<640x128xf32, #tpu.memory_space<vmem_shared>>
      tpu.enqueue_dma source(%dma_start3A_36 : memref<640x128xf32, #tpu.memory_space<vmem_shared>>) target(%dma_start3A_34 : memref<640x128xf32, #tpu.memory_space<hbm>>) target_semaphore(%run_scoped3A : memref<!tpu.dma_semaphore, #tpu.memory_space<semaphore_mem>>)
      %dma_wait3A = arith.constant 0 : i32
      %dma_wait3A_37 = tpu.memref_slice %arg6[%arg0, %mul3A_32, %dma_wait3A] : memref<2x10240x128xf32, #tpu.memory_space<hbm>> -> memref<1x640x128xf32, #tpu.memory_space<hbm>>
      %dma_wait3A_38 = tpu.memref_squeeze %dma_wait3A_37 : memref<1x640x128xf32, #tpu.memory_space<hbm>> -> memref<640x128xf32, #tpu.memory_space<hbm>>
      %dma_wait3A_39 = arith.constant 0 : i32
      %dma_wait3A_40 = tpu.memref_slice %arg11[%mul3A_30, %dma_wait3A_39] : memref<10240x128xf32, #tpu.memory_space<vmem_shared>> -> memref<640x128xf32, #tpu.memory_space<vmem_shared>>
      tpu.wait_dma2 semaphore(%run_scoped3A : memref<!tpu.dma_semaphore, #tpu.memory_space<semaphore_mem>>) src(%dma_wait3A_40 : memref<640x128xf32, #tpu.memory_space<vmem_shared>>) dst(%dma_wait3A_38 : memref<640x128xf32, #tpu.memory_space<hbm>>)
      tpu.yield
    }) : () -> ()
    return
  }
}

#map = affine_map<(d0, d1) -> (0, 0)>
#map1 = affine_map<(d0, d1) -> (0)>
#map2 = affine_map<(d0, d1) -> (0, 0, 0)>
module attributes {stable_mosaic.version = 14 : i64} {
  func.func @_sc_scatter_body(%arg0: i32, %arg1: i32, %arg2: memref<10240x128xf32, #tpu.memory_space<hbm>>, %arg3: memref<327680xi32, #tpu.memory_space<hbm>>, %arg4: memref<327680xi32, #tpu.memory_space<hbm>>, %arg5: memref<128x128xf32, #tpu.memory_space<hbm>>, %arg6: memref<2x10240x128xf32, #tpu.memory_space<hbm>>, %arg7: memref<128xi32, #tpu.memory_space<vmem>>, %arg8: memref<128xi32, #tpu.memory_space<vmem>>, %arg9: memref<128x128xf32, #tpu.memory_space<vmem>>, %arg10: memref<128x128xf32, #tpu.memory_space<vmem>>, %arg11: memref<10240x128xf32, #tpu.memory_space<vmem_shared>>, %arg12: memref<!tpu.dma_semaphore, #tpu.memory_space<semaphore_mem>>) attributes {dimension_semantics = [#tpu.dimension_semantics<core_parallel>, #tpu.dimension_semantics<subcore_parallel>], iteration_bounds = array<i64: 2, 16>, scalar_prefetch = 0 : i64, scratch_operands = 6 : i64, tpu.core_type = #tpu.core_type<sc_vector_subcore>, window_params = [{transform_indices = #map}, {transform_indices = #map1}, {transform_indices = #map1}, {transform_indices = #map}, {transform_indices = #map2}]} {
    %mul3A = arith.constant 16 : i32
    %mul3A_0 = arith.muli %arg0, %mul3A : i32
    %add3A = arith.addi %mul3A_0, %arg1 : i32
    "tpu.region"() ({
      %run_scoped3A = tpu.sem_alloc : memref<!tpu.dma_semaphore, #tpu.memory_space<semaphore_mem>>
      tpu.enqueue_dma source(%arg5 : memref<128x128xf32, #tpu.memory_space<hbm>>) target(%arg10 : memref<128x128xf32, #tpu.memory_space<vmem>>) target_semaphore(%run_scoped3A : memref<!tpu.dma_semaphore, #tpu.memory_space<semaphore_mem>>)
      tpu.wait_dma2 semaphore(%run_scoped3A : memref<!tpu.dma_semaphore, #tpu.memory_space<semaphore_mem>>) src(%arg5 : memref<128x128xf32, #tpu.memory_space<hbm>>) dst(%arg10 : memref<128x128xf32, #tpu.memory_space<vmem>>)
      tpu.yield
    }) : () -> ()
    %mul3A_1 = arith.constant 640 : i32
    %mul3A_2 = arith.muli %arg1, %mul3A_1 : i32
    %add3A_3 = arith.constant 0 : i32
    %add3A_4 = arith.addi %mul3A_2, %add3A_3 : i32
    "tpu.region"() ({
      %run_scoped3A = tpu.sem_alloc : memref<!tpu.dma_semaphore, #tpu.memory_space<semaphore_mem>>
      %dma_start3A = arith.constant 0 : i32
      %dma_start3A_33 = tpu.memref_slice %arg11[%add3A_4, %dma_start3A] : memref<10240x128xf32, #tpu.memory_space<vmem_shared>> -> memref<128x128xf32, #tpu.memory_space<vmem_shared>>
      %dma_start3A_34 = arith.constant 0 : i32
      %dma_start3A_35 = tpu.memref_slice %arg11[%add3A_4, %dma_start3A_34] : memref<10240x128xf32, #tpu.memory_space<vmem_shared>> -> memref<128x128xf32, #tpu.memory_space<vmem_shared>>
      tpu.enqueue_dma source(%arg10 : memref<128x128xf32, #tpu.memory_space<vmem>>) target(%dma_start3A_35 : memref<128x128xf32, #tpu.memory_space<vmem_shared>>) target_semaphore(%run_scoped3A : memref<!tpu.dma_semaphore, #tpu.memory_space<semaphore_mem>>)
      %dma_wait3A = arith.constant 0 : i32
      %dma_wait3A_36 = tpu.memref_slice %arg11[%add3A_4, %dma_wait3A] : memref<10240x128xf32, #tpu.memory_space<vmem_shared>> -> memref<128x128xf32, #tpu.memory_space<vmem_shared>>
      %dma_wait3A_37 = arith.constant 0 : i32
      %dma_wait3A_38 = tpu.memref_slice %arg11[%add3A_4, %dma_wait3A_37] : memref<10240x128xf32, #tpu.memory_space<vmem_shared>> -> memref<128x128xf32, #tpu.memory_space<vmem_shared>>
      tpu.wait_dma2 semaphore(%run_scoped3A : memref<!tpu.dma_semaphore, #tpu.memory_space<semaphore_mem>>) src(%arg10 : memref<128x128xf32, #tpu.memory_space<vmem>>) dst(%dma_wait3A_38 : memref<128x128xf32, #tpu.memory_space<vmem_shared>>)
      tpu.yield
    }) : () -> ()
    %mul3A_5 = arith.constant 640 : i32
    %mul3A_6 = arith.muli %arg1, %mul3A_5 : i32
    %add3A_7 = arith.constant 128 : i32
    %add3A_8 = arith.addi %mul3A_6, %add3A_7 : i32
    "tpu.region"() ({
      %run_scoped3A = tpu.sem_alloc : memref<!tpu.dma_semaphore, #tpu.memory_space<semaphore_mem>>
      %dma_start3A = arith.constant 0 : i32
      %dma_start3A_33 = tpu.memref_slice %arg11[%add3A_8, %dma_start3A] : memref<10240x128xf32, #tpu.memory_space<vmem_shared>> -> memref<128x128xf32, #tpu.memory_space<vmem_shared>>
      %dma_start3A_34 = arith.constant 0 : i32
      %dma_start3A_35 = tpu.memref_slice %arg11[%add3A_8, %dma_start3A_34] : memref<10240x128xf32, #tpu.memory_space<vmem_shared>> -> memref<128x128xf32, #tpu.memory_space<vmem_shared>>
      tpu.enqueue_dma source(%arg10 : memref<128x128xf32, #tpu.memory_space<vmem>>) target(%dma_start3A_35 : memref<128x128xf32, #tpu.memory_space<vmem_shared>>) target_semaphore(%run_scoped3A : memref<!tpu.dma_semaphore, #tpu.memory_space<semaphore_mem>>)
      %dma_wait3A = arith.constant 0 : i32
      %dma_wait3A_36 = tpu.memref_slice %arg11[%add3A_8, %dma_wait3A] : memref<10240x128xf32, #tpu.memory_space<vmem_shared>> -> memref<128x128xf32, #tpu.memory_space<vmem_shared>>
      %dma_wait3A_37 = arith.constant 0 : i32
      %dma_wait3A_38 = tpu.memref_slice %arg11[%add3A_8, %dma_wait3A_37] : memref<10240x128xf32, #tpu.memory_space<vmem_shared>> -> memref<128x128xf32, #tpu.memory_space<vmem_shared>>
      tpu.wait_dma2 semaphore(%run_scoped3A : memref<!tpu.dma_semaphore, #tpu.memory_space<semaphore_mem>>) src(%arg10 : memref<128x128xf32, #tpu.memory_space<vmem>>) dst(%dma_wait3A_38 : memref<128x128xf32, #tpu.memory_space<vmem_shared>>)
      tpu.yield
    }) : () -> ()
    %mul3A_9 = arith.constant 640 : i32
    %mul3A_10 = arith.muli %arg1, %mul3A_9 : i32
    %add3A_11 = arith.constant 256 : i32
    %add3A_12 = arith.addi %mul3A_10, %add3A_11 : i32
    "tpu.region"() ({
      %run_scoped3A = tpu.sem_alloc : memref<!tpu.dma_semaphore, #tpu.memory_space<semaphore_mem>>
      %dma_start3A = arith.constant 0 : i32
      %dma_start3A_33 = tpu.memref_slice %arg11[%add3A_12, %dma_start3A] : memref<10240x128xf32, #tpu.memory_space<vmem_shared>> -> memref<128x128xf32, #tpu.memory_space<vmem_shared>>
      %dma_start3A_34 = arith.constant 0 : i32
      %dma_start3A_35 = tpu.memref_slice %arg11[%add3A_12, %dma_start3A_34] : memref<10240x128xf32, #tpu.memory_space<vmem_shared>> -> memref<128x128xf32, #tpu.memory_space<vmem_shared>>
      tpu.enqueue_dma source(%arg10 : memref<128x128xf32, #tpu.memory_space<vmem>>) target(%dma_start3A_35 : memref<128x128xf32, #tpu.memory_space<vmem_shared>>) target_semaphore(%run_scoped3A : memref<!tpu.dma_semaphore, #tpu.memory_space<semaphore_mem>>)
      %dma_wait3A = arith.constant 0 : i32
      %dma_wait3A_36 = tpu.memref_slice %arg11[%add3A_12, %dma_wait3A] : memref<10240x128xf32, #tpu.memory_space<vmem_shared>> -> memref<128x128xf32, #tpu.memory_space<vmem_shared>>
      %dma_wait3A_37 = arith.constant 0 : i32
      %dma_wait3A_38 = tpu.memref_slice %arg11[%add3A_12, %dma_wait3A_37] : memref<10240x128xf32, #tpu.memory_space<vmem_shared>> -> memref<128x128xf32, #tpu.memory_space<vmem_shared>>
      tpu.wait_dma2 semaphore(%run_scoped3A : memref<!tpu.dma_semaphore, #tpu.memory_space<semaphore_mem>>) src(%arg10 : memref<128x128xf32, #tpu.memory_space<vmem>>) dst(%dma_wait3A_38 : memref<128x128xf32, #tpu.memory_space<vmem_shared>>)
      tpu.yield
    }) : () -> ()
    %mul3A_13 = arith.constant 640 : i32
    %mul3A_14 = arith.muli %arg1, %mul3A_13 : i32
    %add3A_15 = arith.constant 384 : i32
    %add3A_16 = arith.addi %mul3A_14, %add3A_15 : i32
    "tpu.region"() ({
      %run_scoped3A = tpu.sem_alloc : memref<!tpu.dma_semaphore, #tpu.memory_space<semaphore_mem>>
      %dma_start3A = arith.constant 0 : i32
      %dma_start3A_33 = tpu.memref_slice %arg11[%add3A_16, %dma_start3A] : memref<10240x128xf32, #tpu.memory_space<vmem_shared>> -> memref<128x128xf32, #tpu.memory_space<vmem_shared>>
      %dma_start3A_34 = arith.constant 0 : i32
      %dma_start3A_35 = tpu.memref_slice %arg11[%add3A_16, %dma_start3A_34] : memref<10240x128xf32, #tpu.memory_space<vmem_shared>> -> memref<128x128xf32, #tpu.memory_space<vmem_shared>>
      tpu.enqueue_dma source(%arg10 : memref<128x128xf32, #tpu.memory_space<vmem>>) target(%dma_start3A_35 : memref<128x128xf32, #tpu.memory_space<vmem_shared>>) target_semaphore(%run_scoped3A : memref<!tpu.dma_semaphore, #tpu.memory_space<semaphore_mem>>)
      %dma_wait3A = arith.constant 0 : i32
      %dma_wait3A_36 = tpu.memref_slice %arg11[%add3A_16, %dma_wait3A] : memref<10240x128xf32, #tpu.memory_space<vmem_shared>> -> memref<128x128xf32, #tpu.memory_space<vmem_shared>>
      %dma_wait3A_37 = arith.constant 0 : i32
      %dma_wait3A_38 = tpu.memref_slice %arg11[%add3A_16, %dma_wait3A_37] : memref<10240x128xf32, #tpu.memory_space<vmem_shared>> -> memref<128x128xf32, #tpu.memory_space<vmem_shared>>
      tpu.wait_dma2 semaphore(%run_scoped3A : memref<!tpu.dma_semaphore, #tpu.memory_space<semaphore_mem>>) src(%arg10 : memref<128x128xf32, #tpu.memory_space<vmem>>) dst(%dma_wait3A_38 : memref<128x128xf32, #tpu.memory_space<vmem_shared>>)
      tpu.yield
    }) : () -> ()
    %mul3A_17 = arith.constant 640 : i32
    %mul3A_18 = arith.muli %arg1, %mul3A_17 : i32
    %add3A_19 = arith.constant 512 : i32
    %add3A_20 = arith.addi %mul3A_18, %add3A_19 : i32
    "tpu.region"() ({
      %run_scoped3A = tpu.sem_alloc : memref<!tpu.dma_semaphore, #tpu.memory_space<semaphore_mem>>
      %dma_start3A = arith.constant 0 : i32
      %dma_start3A_33 = tpu.memref_slice %arg11[%add3A_20, %dma_start3A] : memref<10240x128xf32, #tpu.memory_space<vmem_shared>> -> memref<128x128xf32, #tpu.memory_space<vmem_shared>>
      %dma_start3A_34 = arith.constant 0 : i32
      %dma_start3A_35 = tpu.memref_slice %arg11[%add3A_20, %dma_start3A_34] : memref<10240x128xf32, #tpu.memory_space<vmem_shared>> -> memref<128x128xf32, #tpu.memory_space<vmem_shared>>
      tpu.enqueue_dma source(%arg10 : memref<128x128xf32, #tpu.memory_space<vmem>>) target(%dma_start3A_35 : memref<128x128xf32, #tpu.memory_space<vmem_shared>>) target_semaphore(%run_scoped3A : memref<!tpu.dma_semaphore, #tpu.memory_space<semaphore_mem>>)
      %dma_wait3A = arith.constant 0 : i32
      %dma_wait3A_36 = tpu.memref_slice %arg11[%add3A_20, %dma_wait3A] : memref<10240x128xf32, #tpu.memory_space<vmem_shared>> -> memref<128x128xf32, #tpu.memory_space<vmem_shared>>
      %dma_wait3A_37 = arith.constant 0 : i32
      %dma_wait3A_38 = tpu.memref_slice %arg11[%add3A_20, %dma_wait3A_37] : memref<10240x128xf32, #tpu.memory_space<vmem_shared>> -> memref<128x128xf32, #tpu.memory_space<vmem_shared>>
      tpu.wait_dma2 semaphore(%run_scoped3A : memref<!tpu.dma_semaphore, #tpu.memory_space<semaphore_mem>>) src(%arg10 : memref<128x128xf32, #tpu.memory_space<vmem>>) dst(%dma_wait3A_38 : memref<128x128xf32, #tpu.memory_space<vmem_shared>>)
      tpu.yield
    }) : () -> ()
    %barrier3A = arith.constant 0 : index
    tpu.barrier barrier_id(%barrier3A)
    %mul3A_21 = arith.constant 10240 : i32
    %mul3A_22 = arith.muli %add3A, %mul3A_21 : i32
    %scan3A = arith.constant 0 : i32
    %scan3A_23 = arith.constant 0 : i32
    %scan3A_24 = arith.constant 80 : i32
    %scan3A_25 = arith.addi %scan3A_23, %scan3A_24 : i32
    %scan3A_26 = arith.constant 1 : i32
    scf.for %scan3A_33 = %scan3A_23 to %scan3A_25 step %scan3A_26  : i32 {
      %mul3A_34 = arith.constant 128 : i32
      %mul3A_35 = arith.muli %scan3A_33, %mul3A_34 : i32
      %add3A_36 = arith.addi %mul3A_22, %mul3A_35 : i32
      "tpu.region"() ({
        %run_scoped3A = tpu.sem_alloc : memref<!tpu.dma_semaphore, #tpu.memory_space<semaphore_mem>>
        %dma_start3A_41 = tpu.memref_slice %arg3[%add3A_36] : memref<327680xi32, #tpu.memory_space<hbm>> -> memref<128xi32, #tpu.memory_space<hbm>>
        %dma_start3A_42 = tpu.memref_slice %arg3[%add3A_36] : memref<327680xi32, #tpu.memory_space<hbm>> -> memref<128xi32, #tpu.memory_space<hbm>>
        tpu.enqueue_dma source(%dma_start3A_42 : memref<128xi32, #tpu.memory_space<hbm>>) target(%arg7 : memref<128xi32, #tpu.memory_space<vmem>>) target_semaphore(%run_scoped3A : memref<!tpu.dma_semaphore, #tpu.memory_space<semaphore_mem>>)
        %dma_wait3A_43 = tpu.memref_slice %arg3[%add3A_36] : memref<327680xi32, #tpu.memory_space<hbm>> -> memref<128xi32, #tpu.memory_space<hbm>>
        %dma_wait3A_44 = tpu.memref_slice %arg3[%add3A_36] : memref<327680xi32, #tpu.memory_space<hbm>> -> memref<128xi32, #tpu.memory_space<hbm>>
        tpu.wait_dma2 semaphore(%run_scoped3A : memref<!tpu.dma_semaphore, #tpu.memory_space<semaphore_mem>>) src(%dma_wait3A_44 : memref<128xi32, #tpu.memory_space<hbm>>) dst(%arg7 : memref<128xi32, #tpu.memory_space<vmem>>)
        tpu.yield
      }) : () -> ()
      "tpu.region"() ({
        %run_scoped3A = tpu.sem_alloc : memref<!tpu.dma_semaphore, #tpu.memory_space<semaphore_mem>>
        %dma_start3A_41 = tpu.memref_slice %arg4[%add3A_36] : memref<327680xi32, #tpu.memory_space<hbm>> -> memref<128xi32, #tpu.memory_space<hbm>>
        %dma_start3A_42 = tpu.memref_slice %arg4[%add3A_36] : memref<327680xi32, #tpu.memory_space<hbm>> -> memref<128xi32, #tpu.memory_space<hbm>>
        tpu.enqueue_dma source(%dma_start3A_42 : memref<128xi32, #tpu.memory_space<hbm>>) target(%arg8 : memref<128xi32, #tpu.memory_space<vmem>>) target_semaphore(%run_scoped3A : memref<!tpu.dma_semaphore, #tpu.memory_space<semaphore_mem>>)
        %dma_wait3A_43 = tpu.memref_slice %arg4[%add3A_36] : memref<327680xi32, #tpu.memory_space<hbm>> -> memref<128xi32, #tpu.memory_space<hbm>>
        %dma_wait3A_44 = tpu.memref_slice %arg4[%add3A_36] : memref<327680xi32, #tpu.memory_space<hbm>> -> memref<128xi32, #tpu.memory_space<hbm>>
        tpu.wait_dma2 semaphore(%run_scoped3A : memref<!tpu.dma_semaphore, #tpu.memory_space<semaphore_mem>>) src(%dma_wait3A_44 : memref<128xi32, #tpu.memory_space<hbm>>) dst(%arg8 : memref<128xi32, #tpu.memory_space<vmem>>)
        tpu.yield
      }) : () -> ()
      %dma_start3A = arith.constant 0 : i32
      %dma_start3A_37 = arith.constant 0 : i32
      %dma_start3A_38 = tpu.memref_slice %arg2[%dma_start3A, %dma_start3A_37] : memref<10240x128xf32, #tpu.memory_space<hbm>> -> memref<10240x128xf32, #tpu.memory_space<hbm>>
      tpu.enqueue_indirect_dma source(%dma_start3A_38 : memref<10240x128xf32, #tpu.memory_space<hbm>>) target(%arg9 : memref<128x128xf32, #tpu.memory_space<vmem>>) offsets(%arg7 : memref<128xi32, #tpu.memory_space<vmem>>) semaphore(%arg12 : memref<!tpu.dma_semaphore, #tpu.memory_space<semaphore_mem>>)
      %dma_wait3A = arith.constant 0 : i32
      %dma_wait3A_39 = arith.constant 0 : i32
      %dma_wait3A_40 = tpu.memref_slice %arg2[%dma_wait3A, %dma_wait3A_39] : memref<10240x128xf32, #tpu.memory_space<hbm>> -> memref<10240x128xf32, #tpu.memory_space<hbm>>
      tpu.wait_indirect_dma semaphore(%arg12 : memref<!tpu.dma_semaphore, #tpu.memory_space<semaphore_mem>>) src(%dma_wait3A_40 : memref<10240x128xf32, #tpu.memory_space<hbm>>) dst(%arg9 : memref<128x128xf32, #tpu.memory_space<vmem>>)
      "tpu.region"() ({
        %run_scoped3A = tpu.sem_alloc : memref<!tpu.dma_semaphore, #tpu.memory_space<semaphore_mem>>
        %dma_start3A_41 = arith.constant 0 : i32
        %dma_start3A_42 = arith.constant 0 : i32
        %dma_start3A_43 = tpu.memref_slice %arg11[%dma_start3A_41, %dma_start3A_42] : memref<10240x128xf32, #tpu.memory_space<vmem_shared>> -> memref<10240x128xf32, #tpu.memory_space<vmem_shared>>
        tpu.enqueue_indirect_dma source(%arg9 : memref<128x128xf32, #tpu.memory_space<vmem>>) target(%dma_start3A_43 : memref<10240x128xf32, #tpu.memory_space<vmem_shared>>) offsets(%arg8 : memref<128xi32, #tpu.memory_space<vmem>>) semaphore(%run_scoped3A : memref<!tpu.dma_semaphore, #tpu.memory_space<semaphore_mem>>) {add = true}
        %dma_wait3A_44 = arith.constant 0 : i32
        %dma_wait3A_45 = arith.constant 0 : i32
        %dma_wait3A_46 = tpu.memref_slice %arg11[%dma_wait3A_44, %dma_wait3A_45] : memref<10240x128xf32, #tpu.memory_space<vmem_shared>> -> memref<10240x128xf32, #tpu.memory_space<vmem_shared>>
        tpu.wait_indirect_dma semaphore(%run_scoped3A : memref<!tpu.dma_semaphore, #tpu.memory_space<semaphore_mem>>) src(%arg9 : memref<128x128xf32, #tpu.memory_space<vmem>>) dst(%dma_wait3A_46 : memref<10240x128xf32, #tpu.memory_space<vmem_shared>>)
        tpu.yield
      }) : () -> ()
    }
    %scan3A_27 = arith.constant 80 : i32
    %barrier3A_28 = arith.constant 0 : index
    tpu.barrier barrier_id(%barrier3A_28)
    %mul3A_29 = arith.constant 640 : i32
    %mul3A_30 = arith.muli %arg1, %mul3A_29 : i32
    %mul3A_31 = arith.constant 640 : i32
    %mul3A_32 = arith.muli %arg1, %mul3A_31 : i32
    "tpu.region"() ({
      %run_scoped3A = tpu.sem_alloc : memref<!tpu.dma_semaphore, #tpu.memory_space<semaphore_mem>>
      %dma_start3A = arith.constant 0 : i32
      %dma_start3A_33 = tpu.memref_slice %arg6[%arg0, %mul3A_32, %dma_start3A] : memref<2x10240x128xf32, #tpu.memory_space<hbm>> -> memref<1x640x128xf32, #tpu.memory_space<hbm>>
      %dma_start3A_34 = tpu.memref_squeeze %dma_start3A_33 : memref<1x640x128xf32, #tpu.memory_space<hbm>> -> memref<640x128xf32, #tpu.memory_space<hbm>>
      %dma_start3A_35 = arith.constant 0 : i32
      %dma_start3A_36 = tpu.memref_slice %arg11[%mul3A_30, %dma_start3A_35] : memref<10240x128xf32, #tpu.memory_space<vmem_shared>> -> memref<640x128xf32, #tpu.memory_space<vmem_shared>>
      tpu.enqueue_dma source(%dma_start3A_36 : memref<640x128xf32, #tpu.memory_space<vmem_shared>>) target(%dma_start3A_34 : memref<640x128xf32, #tpu.memory_space<hbm>>) target_semaphore(%run_scoped3A : memref<!tpu.dma_semaphore, #tpu.memory_space<semaphore_mem>>)
      %dma_wait3A = arith.constant 0 : i32
      %dma_wait3A_37 = tpu.memref_slice %arg6[%arg0, %mul3A_32, %dma_wait3A] : memref<2x10240x128xf32, #tpu.memory_space<hbm>> -> memref<1x640x128xf32, #tpu.memory_space<hbm>>
      %dma_wait3A_38 = tpu.memref_squeeze %dma_wait3A_37 : memref<1x640x128xf32, #tpu.memory_space<hbm>> -> memref<640x128xf32, #tpu.memory_space<hbm>>
      %dma_wait3A_39 = arith.constant 0 : i32
      %dma_wait3A_40 = tpu.memref_slice %arg11[%mul3A_30, %dma_wait3A_39] : memref<10240x128xf32, #tpu.memory_space<vmem_shared>> -> memref<640x128xf32, #tpu.memory_space<vmem_shared>>
      tpu.wait_dma2 semaphore(%run_scoped3A : memref<!tpu.dma_semaphore, #tpu.memory_space<semaphore_mem>>) src(%dma_wait3A_40 : memref<640x128xf32, #tpu.memory_space<vmem_shared>>) dst(%dma_wait3A_38 : memref<640x128xf32, #tpu.memory_space<hbm>>)
      tpu.yield
    }) : () -> ()
    return
  }
}

#map = affine_map<(d0, d1) -> (0, 0)>
#map1 = affine_map<(d0, d1) -> (0)>
#map2 = affine_map<(d0, d1) -> (0, 0, 0)>
module attributes {stable_mosaic.version = 14 : i64} {
  func.func @_sc_scatter_body(%arg0: i32, %arg1: i32, %arg2: memref<10240x128xf32, #tpu.memory_space<hbm>>, %arg3: memref<327680xi32, #tpu.memory_space<hbm>>, %arg4: memref<327680xi32, #tpu.memory_space<hbm>>, %arg5: memref<128x128xf32, #tpu.memory_space<hbm>>, %arg6: memref<2x10240x128xf32, #tpu.memory_space<hbm>>, %arg7: memref<128xi32, #tpu.memory_space<vmem>>, %arg8: memref<128xi32, #tpu.memory_space<vmem>>, %arg9: memref<128x128xf32, #tpu.memory_space<vmem>>, %arg10: memref<128x128xf32, #tpu.memory_space<vmem>>, %arg11: memref<10240x128xf32, #tpu.memory_space<vmem_shared>>, %arg12: memref<!tpu.dma_semaphore, #tpu.memory_space<semaphore_mem>>) attributes {dimension_semantics = [#tpu.dimension_semantics<core_parallel>, #tpu.dimension_semantics<subcore_parallel>], iteration_bounds = array<i64: 2, 16>, scalar_prefetch = 0 : i64, scratch_operands = 6 : i64, tpu.core_type = #tpu.core_type<sc_vector_subcore>, window_params = [{transform_indices = #map}, {transform_indices = #map1}, {transform_indices = #map1}, {transform_indices = #map}, {transform_indices = #map2}]} {
    %mul3A = arith.constant 16 : i32
    %mul3A_0 = arith.muli %arg0, %mul3A : i32
    %add3A = arith.addi %mul3A_0, %arg1 : i32
    "tpu.region"() ({
      %run_scoped3A = tpu.sem_alloc : memref<!tpu.dma_semaphore, #tpu.memory_space<semaphore_mem>>
      tpu.enqueue_dma source(%arg5 : memref<128x128xf32, #tpu.memory_space<hbm>>) target(%arg10 : memref<128x128xf32, #tpu.memory_space<vmem>>) target_semaphore(%run_scoped3A : memref<!tpu.dma_semaphore, #tpu.memory_space<semaphore_mem>>)
      tpu.wait_dma2 semaphore(%run_scoped3A : memref<!tpu.dma_semaphore, #tpu.memory_space<semaphore_mem>>) src(%arg5 : memref<128x128xf32, #tpu.memory_space<hbm>>) dst(%arg10 : memref<128x128xf32, #tpu.memory_space<vmem>>)
      tpu.yield
    }) : () -> ()
    %mul3A_1 = arith.constant 640 : i32
    %mul3A_2 = arith.muli %arg1, %mul3A_1 : i32
    %add3A_3 = arith.constant 0 : i32
    %add3A_4 = arith.addi %mul3A_2, %add3A_3 : i32
    "tpu.region"() ({
      %run_scoped3A = tpu.sem_alloc : memref<!tpu.dma_semaphore, #tpu.memory_space<semaphore_mem>>
      %dma_start3A = arith.constant 0 : i32
      %dma_start3A_33 = tpu.memref_slice %arg11[%add3A_4, %dma_start3A] : memref<10240x128xf32, #tpu.memory_space<vmem_shared>> -> memref<128x128xf32, #tpu.memory_space<vmem_shared>>
      %dma_start3A_34 = arith.constant 0 : i32
      %dma_start3A_35 = tpu.memref_slice %arg11[%add3A_4, %dma_start3A_34] : memref<10240x128xf32, #tpu.memory_space<vmem_shared>> -> memref<128x128xf32, #tpu.memory_space<vmem_shared>>
      tpu.enqueue_dma source(%arg10 : memref<128x128xf32, #tpu.memory_space<vmem>>) target(%dma_start3A_35 : memref<128x128xf32, #tpu.memory_space<vmem_shared>>) target_semaphore(%run_scoped3A : memref<!tpu.dma_semaphore, #tpu.memory_space<semaphore_mem>>)
      %dma_wait3A = arith.constant 0 : i32
      %dma_wait3A_36 = tpu.memref_slice %arg11[%add3A_4, %dma_wait3A] : memref<10240x128xf32, #tpu.memory_space<vmem_shared>> -> memref<128x128xf32, #tpu.memory_space<vmem_shared>>
      %dma_wait3A_37 = arith.constant 0 : i32
      %dma_wait3A_38 = tpu.memref_slice %arg11[%add3A_4, %dma_wait3A_37] : memref<10240x128xf32, #tpu.memory_space<vmem_shared>> -> memref<128x128xf32, #tpu.memory_space<vmem_shared>>
      tpu.wait_dma2 semaphore(%run_scoped3A : memref<!tpu.dma_semaphore, #tpu.memory_space<semaphore_mem>>) src(%arg10 : memref<128x128xf32, #tpu.memory_space<vmem>>) dst(%dma_wait3A_38 : memref<128x128xf32, #tpu.memory_space<vmem_shared>>)
      tpu.yield
    }) : () -> ()
    %mul3A_5 = arith.constant 640 : i32
    %mul3A_6 = arith.muli %arg1, %mul3A_5 : i32
    %add3A_7 = arith.constant 128 : i32
    %add3A_8 = arith.addi %mul3A_6, %add3A_7 : i32
    "tpu.region"() ({
      %run_scoped3A = tpu.sem_alloc : memref<!tpu.dma_semaphore, #tpu.memory_space<semaphore_mem>>
      %dma_start3A = arith.constant 0 : i32
      %dma_start3A_33 = tpu.memref_slice %arg11[%add3A_8, %dma_start3A] : memref<10240x128xf32, #tpu.memory_space<vmem_shared>> -> memref<128x128xf32, #tpu.memory_space<vmem_shared>>
      %dma_start3A_34 = arith.constant 0 : i32
      %dma_start3A_35 = tpu.memref_slice %arg11[%add3A_8, %dma_start3A_34] : memref<10240x128xf32, #tpu.memory_space<vmem_shared>> -> memref<128x128xf32, #tpu.memory_space<vmem_shared>>
      tpu.enqueue_dma source(%arg10 : memref<128x128xf32, #tpu.memory_space<vmem>>) target(%dma_start3A_35 : memref<128x128xf32, #tpu.memory_space<vmem_shared>>) target_semaphore(%run_scoped3A : memref<!tpu.dma_semaphore, #tpu.memory_space<semaphore_mem>>)
      %dma_wait3A = arith.constant 0 : i32
      %dma_wait3A_36 = tpu.memref_slice %arg11[%add3A_8, %dma_wait3A] : memref<10240x128xf32, #tpu.memory_space<vmem_shared>> -> memref<128x128xf32, #tpu.memory_space<vmem_shared>>
      %dma_wait3A_37 = arith.constant 0 : i32
      %dma_wait3A_38 = tpu.memref_slice %arg11[%add3A_8, %dma_wait3A_37] : memref<10240x128xf32, #tpu.memory_space<vmem_shared>> -> memref<128x128xf32, #tpu.memory_space<vmem_shared>>
      tpu.wait_dma2 semaphore(%run_scoped3A : memref<!tpu.dma_semaphore, #tpu.memory_space<semaphore_mem>>) src(%arg10 : memref<128x128xf32, #tpu.memory_space<vmem>>) dst(%dma_wait3A_38 : memref<128x128xf32, #tpu.memory_space<vmem_shared>>)
      tpu.yield
    }) : () -> ()
    %mul3A_9 = arith.constant 640 : i32
    %mul3A_10 = arith.muli %arg1, %mul3A_9 : i32
    %add3A_11 = arith.constant 256 : i32
    %add3A_12 = arith.addi %mul3A_10, %add3A_11 : i32
    "tpu.region"() ({
      %run_scoped3A = tpu.sem_alloc : memref<!tpu.dma_semaphore, #tpu.memory_space<semaphore_mem>>
      %dma_start3A = arith.constant 0 : i32
      %dma_start3A_33 = tpu.memref_slice %arg11[%add3A_12, %dma_start3A] : memref<10240x128xf32, #tpu.memory_space<vmem_shared>> -> memref<128x128xf32, #tpu.memory_space<vmem_shared>>
      %dma_start3A_34 = arith.constant 0 : i32
      %dma_start3A_35 = tpu.memref_slice %arg11[%add3A_12, %dma_start3A_34] : memref<10240x128xf32, #tpu.memory_space<vmem_shared>> -> memref<128x128xf32, #tpu.memory_space<vmem_shared>>
      tpu.enqueue_dma source(%arg10 : memref<128x128xf32, #tpu.memory_space<vmem>>) target(%dma_start3A_35 : memref<128x128xf32, #tpu.memory_space<vmem_shared>>) target_semaphore(%run_scoped3A : memref<!tpu.dma_semaphore, #tpu.memory_space<semaphore_mem>>)
      %dma_wait3A = arith.constant 0 : i32
      %dma_wait3A_36 = tpu.memref_slice %arg11[%add3A_12, %dma_wait3A] : memref<10240x128xf32, #tpu.memory_space<vmem_shared>> -> memref<128x128xf32, #tpu.memory_space<vmem_shared>>
      %dma_wait3A_37 = arith.constant 0 : i32
      %dma_wait3A_38 = tpu.memref_slice %arg11[%add3A_12, %dma_wait3A_37] : memref<10240x128xf32, #tpu.memory_space<vmem_shared>> -> memref<128x128xf32, #tpu.memory_space<vmem_shared>>
      tpu.wait_dma2 semaphore(%run_scoped3A : memref<!tpu.dma_semaphore, #tpu.memory_space<semaphore_mem>>) src(%arg10 : memref<128x128xf32, #tpu.memory_space<vmem>>) dst(%dma_wait3A_38 : memref<128x128xf32, #tpu.memory_space<vmem_shared>>)
      tpu.yield
    }) : () -> ()
    %mul3A_13 = arith.constant 640 : i32
    %mul3A_14 = arith.muli %arg1, %mul3A_13 : i32
    %add3A_15 = arith.constant 384 : i32
    %add3A_16 = arith.addi %mul3A_14, %add3A_15 : i32
    "tpu.region"() ({
      %run_scoped3A = tpu.sem_alloc : memref<!tpu.dma_semaphore, #tpu.memory_space<semaphore_mem>>
      %dma_start3A = arith.constant 0 : i32
      %dma_start3A_33 = tpu.memref_slice %arg11[%add3A_16, %dma_start3A] : memref<10240x128xf32, #tpu.memory_space<vmem_shared>> -> memref<128x128xf32, #tpu.memory_space<vmem_shared>>
      %dma_start3A_34 = arith.constant 0 : i32
      %dma_start3A_35 = tpu.memref_slice %arg11[%add3A_16, %dma_start3A_34] : memref<10240x128xf32, #tpu.memory_space<vmem_shared>> -> memref<128x128xf32, #tpu.memory_space<vmem_shared>>
      tpu.enqueue_dma source(%arg10 : memref<128x128xf32, #tpu.memory_space<vmem>>) target(%dma_start3A_35 : memref<128x128xf32, #tpu.memory_space<vmem_shared>>) target_semaphore(%run_scoped3A : memref<!tpu.dma_semaphore, #tpu.memory_space<semaphore_mem>>)
      %dma_wait3A = arith.constant 0 : i32
      %dma_wait3A_36 = tpu.memref_slice %arg11[%add3A_16, %dma_wait3A] : memref<10240x128xf32, #tpu.memory_space<vmem_shared>> -> memref<128x128xf32, #tpu.memory_space<vmem_shared>>
      %dma_wait3A_37 = arith.constant 0 : i32
      %dma_wait3A_38 = tpu.memref_slice %arg11[%add3A_16, %dma_wait3A_37] : memref<10240x128xf32, #tpu.memory_space<vmem_shared>> -> memref<128x128xf32, #tpu.memory_space<vmem_shared>>
      tpu.wait_dma2 semaphore(%run_scoped3A : memref<!tpu.dma_semaphore, #tpu.memory_space<semaphore_mem>>) src(%arg10 : memref<128x128xf32, #tpu.memory_space<vmem>>) dst(%dma_wait3A_38 : memref<128x128xf32, #tpu.memory_space<vmem_shared>>)
      tpu.yield
    }) : () -> ()
    %mul3A_17 = arith.constant 640 : i32
    %mul3A_18 = arith.muli %arg1, %mul3A_17 : i32
    %add3A_19 = arith.constant 512 : i32
    %add3A_20 = arith.addi %mul3A_18, %add3A_19 : i32
    "tpu.region"() ({
      %run_scoped3A = tpu.sem_alloc : memref<!tpu.dma_semaphore, #tpu.memory_space<semaphore_mem>>
      %dma_start3A = arith.constant 0 : i32
      %dma_start3A_33 = tpu.memref_slice %arg11[%add3A_20, %dma_start3A] : memref<10240x128xf32, #tpu.memory_space<vmem_shared>> -> memref<128x128xf32, #tpu.memory_space<vmem_shared>>
      %dma_start3A_34 = arith.constant 0 : i32
      %dma_start3A_35 = tpu.memref_slice %arg11[%add3A_20, %dma_start3A_34] : memref<10240x128xf32, #tpu.memory_space<vmem_shared>> -> memref<128x128xf32, #tpu.memory_space<vmem_shared>>
      tpu.enqueue_dma source(%arg10 : memref<128x128xf32, #tpu.memory_space<vmem>>) target(%dma_start3A_35 : memref<128x128xf32, #tpu.memory_space<vmem_shared>>) target_semaphore(%run_scoped3A : memref<!tpu.dma_semaphore, #tpu.memory_space<semaphore_mem>>)
      %dma_wait3A = arith.constant 0 : i32
      %dma_wait3A_36 = tpu.memref_slice %arg11[%add3A_20, %dma_wait3A] : memref<10240x128xf32, #tpu.memory_space<vmem_shared>> -> memref<128x128xf32, #tpu.memory_space<vmem_shared>>
      %dma_wait3A_37 = arith.constant 0 : i32
      %dma_wait3A_38 = tpu.memref_slice %arg11[%add3A_20, %dma_wait3A_37] : memref<10240x128xf32, #tpu.memory_space<vmem_shared>> -> memref<128x128xf32, #tpu.memory_space<vmem_shared>>
      tpu.wait_dma2 semaphore(%run_scoped3A : memref<!tpu.dma_semaphore, #tpu.memory_space<semaphore_mem>>) src(%arg10 : memref<128x128xf32, #tpu.memory_space<vmem>>) dst(%dma_wait3A_38 : memref<128x128xf32, #tpu.memory_space<vmem_shared>>)
      tpu.yield
    }) : () -> ()
    %barrier3A = arith.constant 0 : index
    tpu.barrier barrier_id(%barrier3A)
    %mul3A_21 = arith.constant 10240 : i32
    %mul3A_22 = arith.muli %add3A, %mul3A_21 : i32
    %scan3A = arith.constant 0 : i32
    %scan3A_23 = arith.constant 0 : i32
    %scan3A_24 = arith.constant 80 : i32
    %scan3A_25 = arith.addi %scan3A_23, %scan3A_24 : i32
    %scan3A_26 = arith.constant 1 : i32
    scf.for %scan3A_33 = %scan3A_23 to %scan3A_25 step %scan3A_26  : i32 {
      %mul3A_34 = arith.constant 128 : i32
      %mul3A_35 = arith.muli %scan3A_33, %mul3A_34 : i32
      %add3A_36 = arith.addi %mul3A_22, %mul3A_35 : i32
      "tpu.region"() ({
        %run_scoped3A = tpu.sem_alloc : memref<!tpu.dma_semaphore, #tpu.memory_space<semaphore_mem>>
        %dma_start3A_41 = tpu.memref_slice %arg3[%add3A_36] : memref<327680xi32, #tpu.memory_space<hbm>> -> memref<128xi32, #tpu.memory_space<hbm>>
        %dma_start3A_42 = tpu.memref_slice %arg3[%add3A_36] : memref<327680xi32, #tpu.memory_space<hbm>> -> memref<128xi32, #tpu.memory_space<hbm>>
        tpu.enqueue_dma source(%dma_start3A_42 : memref<128xi32, #tpu.memory_space<hbm>>) target(%arg7 : memref<128xi32, #tpu.memory_space<vmem>>) target_semaphore(%run_scoped3A : memref<!tpu.dma_semaphore, #tpu.memory_space<semaphore_mem>>)
        %dma_wait3A_43 = tpu.memref_slice %arg3[%add3A_36] : memref<327680xi32, #tpu.memory_space<hbm>> -> memref<128xi32, #tpu.memory_space<hbm>>
        %dma_wait3A_44 = tpu.memref_slice %arg3[%add3A_36] : memref<327680xi32, #tpu.memory_space<hbm>> -> memref<128xi32, #tpu.memory_space<hbm>>
        tpu.wait_dma2 semaphore(%run_scoped3A : memref<!tpu.dma_semaphore, #tpu.memory_space<semaphore_mem>>) src(%dma_wait3A_44 : memref<128xi32, #tpu.memory_space<hbm>>) dst(%arg7 : memref<128xi32, #tpu.memory_space<vmem>>)
        tpu.yield
      }) : () -> ()
      "tpu.region"() ({
        %run_scoped3A = tpu.sem_alloc : memref<!tpu.dma_semaphore, #tpu.memory_space<semaphore_mem>>
        %dma_start3A_41 = tpu.memref_slice %arg4[%add3A_36] : memref<327680xi32, #tpu.memory_space<hbm>> -> memref<128xi32, #tpu.memory_space<hbm>>
        %dma_start3A_42 = tpu.memref_slice %arg4[%add3A_36] : memref<327680xi32, #tpu.memory_space<hbm>> -> memref<128xi32, #tpu.memory_space<hbm>>
        tpu.enqueue_dma source(%dma_start3A_42 : memref<128xi32, #tpu.memory_space<hbm>>) target(%arg8 : memref<128xi32, #tpu.memory_space<vmem>>) target_semaphore(%run_scoped3A : memref<!tpu.dma_semaphore, #tpu.memory_space<semaphore_mem>>)
        %dma_wait3A_43 = tpu.memref_slice %arg4[%add3A_36] : memref<327680xi32, #tpu.memory_space<hbm>> -> memref<128xi32, #tpu.memory_space<hbm>>
        %dma_wait3A_44 = tpu.memref_slice %arg4[%add3A_36] : memref<327680xi32, #tpu.memory_space<hbm>> -> memref<128xi32, #tpu.memory_space<hbm>>
        tpu.wait_dma2 semaphore(%run_scoped3A : memref<!tpu.dma_semaphore, #tpu.memory_space<semaphore_mem>>) src(%dma_wait3A_44 : memref<128xi32, #tpu.memory_space<hbm>>) dst(%arg8 : memref<128xi32, #tpu.memory_space<vmem>>)
        tpu.yield
      }) : () -> ()
      %dma_start3A = arith.constant 0 : i32
      %dma_start3A_37 = arith.constant 0 : i32
      %dma_start3A_38 = tpu.memref_slice %arg2[%dma_start3A, %dma_start3A_37] : memref<10240x128xf32, #tpu.memory_space<hbm>> -> memref<10240x128xf32, #tpu.memory_space<hbm>>
      tpu.enqueue_indirect_dma source(%dma_start3A_38 : memref<10240x128xf32, #tpu.memory_space<hbm>>) target(%arg9 : memref<128x128xf32, #tpu.memory_space<vmem>>) offsets(%arg7 : memref<128xi32, #tpu.memory_space<vmem>>) semaphore(%arg12 : memref<!tpu.dma_semaphore, #tpu.memory_space<semaphore_mem>>)
      %dma_wait3A = arith.constant 0 : i32
      %dma_wait3A_39 = arith.constant 0 : i32
      %dma_wait3A_40 = tpu.memref_slice %arg2[%dma_wait3A, %dma_wait3A_39] : memref<10240x128xf32, #tpu.memory_space<hbm>> -> memref<10240x128xf32, #tpu.memory_space<hbm>>
      tpu.wait_indirect_dma semaphore(%arg12 : memref<!tpu.dma_semaphore, #tpu.memory_space<semaphore_mem>>) src(%dma_wait3A_40 : memref<10240x128xf32, #tpu.memory_space<hbm>>) dst(%arg9 : memref<128x128xf32, #tpu.memory_space<vmem>>)
      "tpu.region"() ({
        %run_scoped3A = tpu.sem_alloc : memref<!tpu.dma_semaphore, #tpu.memory_space<semaphore_mem>>
        %dma_start3A_41 = arith.constant 0 : i32
        %dma_start3A_42 = arith.constant 0 : i32
        %dma_start3A_43 = tpu.memref_slice %arg11[%dma_start3A_41, %dma_start3A_42] : memref<10240x128xf32, #tpu.memory_space<vmem_shared>> -> memref<10240x128xf32, #tpu.memory_space<vmem_shared>>
        tpu.enqueue_indirect_dma source(%arg9 : memref<128x128xf32, #tpu.memory_space<vmem>>) target(%dma_start3A_43 : memref<10240x128xf32, #tpu.memory_space<vmem_shared>>) offsets(%arg8 : memref<128xi32, #tpu.memory_space<vmem>>) semaphore(%run_scoped3A : memref<!tpu.dma_semaphore, #tpu.memory_space<semaphore_mem>>) {add = true}
        %dma_wait3A_44 = arith.constant 0 : i32
        %dma_wait3A_45 = arith.constant 0 : i32
        %dma_wait3A_46 = tpu.memref_slice %arg11[%dma_wait3A_44, %dma_wait3A_45] : memref<10240x128xf32, #tpu.memory_space<vmem_shared>> -> memref<10240x128xf32, #tpu.memory_space<vmem_shared>>
        tpu.wait_indirect_dma semaphore(%run_scoped3A : memref<!tpu.dma_semaphore, #tpu.memory_space<semaphore_mem>>) src(%arg9 : memref<128x128xf32, #tpu.memory_space<vmem>>) dst(%dma_wait3A_46 : memref<10240x128xf32, #tpu.memory_space<vmem_shared>>)
        tpu.yield
      }) : () -> ()
    }
    %scan3A_27 = arith.constant 80 : i32
    %barrier3A_28 = arith.constant 0 : index
    tpu.barrier barrier_id(%barrier3A_28)
    %mul3A_29 = arith.constant 640 : i32
    %mul3A_30 = arith.muli %arg1, %mul3A_29 : i32
    %mul3A_31 = arith.constant 640 : i32
    %mul3A_32 = arith.muli %arg1, %mul3A_31 : i32
    "tpu.region"() ({
      %run_scoped3A = tpu.sem_alloc : memref<!tpu.dma_semaphore, #tpu.memory_space<semaphore_mem>>
      %dma_start3A = arith.constant 0 : i32
      %dma_start3A_33 = tpu.memref_slice %arg6[%arg0, %mul3A_32, %dma_start3A] : memref<2x10240x128xf32, #tpu.memory_space<hbm>> -> memref<1x640x128xf32, #tpu.memory_space<hbm>>
      %dma_start3A_34 = tpu.memref_squeeze %dma_start3A_33 : memref<1x640x128xf32, #tpu.memory_space<hbm>> -> memref<640x128xf32, #tpu.memory_space<hbm>>
      %dma_start3A_35 = arith.constant 0 : i32
      %dma_start3A_36 = tpu.memref_slice %arg11[%mul3A_30, %dma_start3A_35] : memref<10240x128xf32, #tpu.memory_space<vmem_shared>> -> memref<640x128xf32, #tpu.memory_space<vmem_shared>>
      tpu.enqueue_dma source(%dma_start3A_36 : memref<640x128xf32, #tpu.memory_space<vmem_shared>>) target(%dma_start3A_34 : memref<640x128xf32, #tpu.memory_space<hbm>>) target_semaphore(%run_scoped3A : memref<!tpu.dma_semaphore, #tpu.memory_space<semaphore_mem>>)
      %dma_wait3A = arith.constant 0 : i32
      %dma_wait3A_37 = tpu.memref_slice %arg6[%arg0, %mul3A_32, %dma_wait3A] : memref<2x10240x128xf32, #tpu.memory_space<hbm>> -> memref<1x640x128xf32, #tpu.memory_space<hbm>>
      %dma_wait3A_38 = tpu.memref_squeeze %dma_wait3A_37 : memref<1x640x128xf32, #tpu.memory_space<hbm>> -> memref<640x128xf32, #tpu.memory_space<hbm>>
      %dma_wait3A_39 = arith.constant 0 : i32
      %dma_wait3A_40 = tpu.memref_slice %arg11[%mul3A_30, %dma_wait3A_39] : memref<10240x128xf32, #tpu.memory_space<vmem_shared>> -> memref<640x128xf32, #tpu.memory_space<vmem_shared>>
      tpu.wait_dma2 semaphore(%run_scoped3A : memref<!tpu.dma_semaphore, #tpu.memory_space<semaphore_mem>>) src(%dma_wait3A_40 : memref<640x128xf32, #tpu.memory_space<vmem_shared>>) dst(%dma_wait3A_38 : memref<640x128xf32, #tpu.memory_space<hbm>>)
      tpu.yield
    }) : () -> ()
    return
  }
}

#map = affine_map<(d0, d1) -> (0, 0)>
#map1 = affine_map<(d0, d1) -> (0)>
#map2 = affine_map<(d0, d1) -> (0, 0, 0)>
module attributes {stable_mosaic.version = 14 : i64} {
  func.func @_sc_scatter_body(%arg0: i32, %arg1: i32, %arg2: memref<10240x128xf32, #tpu.memory_space<hbm>>, %arg3: memref<327680xi32, #tpu.memory_space<hbm>>, %arg4: memref<327680xi32, #tpu.memory_space<hbm>>, %arg5: memref<128x128xf32, #tpu.memory_space<hbm>>, %arg6: memref<2x10240x128xf32, #tpu.memory_space<hbm>>, %arg7: memref<128xi32, #tpu.memory_space<vmem>>, %arg8: memref<128xi32, #tpu.memory_space<vmem>>, %arg9: memref<128x128xf32, #tpu.memory_space<vmem>>, %arg10: memref<128x128xf32, #tpu.memory_space<vmem>>, %arg11: memref<10240x128xf32, #tpu.memory_space<vmem_shared>>, %arg12: memref<!tpu.dma_semaphore, #tpu.memory_space<semaphore_mem>>) attributes {dimension_semantics = [#tpu.dimension_semantics<core_parallel>, #tpu.dimension_semantics<subcore_parallel>], iteration_bounds = array<i64: 2, 16>, scalar_prefetch = 0 : i64, scratch_operands = 6 : i64, tpu.core_type = #tpu.core_type<sc_vector_subcore>, window_params = [{transform_indices = #map}, {transform_indices = #map1}, {transform_indices = #map1}, {transform_indices = #map}, {transform_indices = #map2}]} {
    %mul3A = arith.constant 16 : i32
    %mul3A_0 = arith.muli %arg0, %mul3A : i32
    %add3A = arith.addi %mul3A_0, %arg1 : i32
    "tpu.region"() ({
      %run_scoped3A = tpu.sem_alloc : memref<!tpu.dma_semaphore, #tpu.memory_space<semaphore_mem>>
      tpu.enqueue_dma source(%arg5 : memref<128x128xf32, #tpu.memory_space<hbm>>) target(%arg10 : memref<128x128xf32, #tpu.memory_space<vmem>>) target_semaphore(%run_scoped3A : memref<!tpu.dma_semaphore, #tpu.memory_space<semaphore_mem>>)
      tpu.wait_dma2 semaphore(%run_scoped3A : memref<!tpu.dma_semaphore, #tpu.memory_space<semaphore_mem>>) src(%arg5 : memref<128x128xf32, #tpu.memory_space<hbm>>) dst(%arg10 : memref<128x128xf32, #tpu.memory_space<vmem>>)
      tpu.yield
    }) : () -> ()
    %mul3A_1 = arith.constant 640 : i32
    %mul3A_2 = arith.muli %arg1, %mul3A_1 : i32
    %add3A_3 = arith.constant 0 : i32
    %add3A_4 = arith.addi %mul3A_2, %add3A_3 : i32
    "tpu.region"() ({
      %run_scoped3A = tpu.sem_alloc : memref<!tpu.dma_semaphore, #tpu.memory_space<semaphore_mem>>
      %dma_start3A = arith.constant 0 : i32
      %dma_start3A_33 = tpu.memref_slice %arg11[%add3A_4, %dma_start3A] : memref<10240x128xf32, #tpu.memory_space<vmem_shared>> -> memref<128x128xf32, #tpu.memory_space<vmem_shared>>
      %dma_start3A_34 = arith.constant 0 : i32
      %dma_start3A_35 = tpu.memref_slice %arg11[%add3A_4, %dma_start3A_34] : memref<10240x128xf32, #tpu.memory_space<vmem_shared>> -> memref<128x128xf32, #tpu.memory_space<vmem_shared>>
      tpu.enqueue_dma source(%arg10 : memref<128x128xf32, #tpu.memory_space<vmem>>) target(%dma_start3A_35 : memref<128x128xf32, #tpu.memory_space<vmem_shared>>) target_semaphore(%run_scoped3A : memref<!tpu.dma_semaphore, #tpu.memory_space<semaphore_mem>>)
      %dma_wait3A = arith.constant 0 : i32
      %dma_wait3A_36 = tpu.memref_slice %arg11[%add3A_4, %dma_wait3A] : memref<10240x128xf32, #tpu.memory_space<vmem_shared>> -> memref<128x128xf32, #tpu.memory_space<vmem_shared>>
      %dma_wait3A_37 = arith.constant 0 : i32
      %dma_wait3A_38 = tpu.memref_slice %arg11[%add3A_4, %dma_wait3A_37] : memref<10240x128xf32, #tpu.memory_space<vmem_shared>> -> memref<128x128xf32, #tpu.memory_space<vmem_shared>>
      tpu.wait_dma2 semaphore(%run_scoped3A : memref<!tpu.dma_semaphore, #tpu.memory_space<semaphore_mem>>) src(%arg10 : memref<128x128xf32, #tpu.memory_space<vmem>>) dst(%dma_wait3A_38 : memref<128x128xf32, #tpu.memory_space<vmem_shared>>)
      tpu.yield
    }) : () -> ()
    %mul3A_5 = arith.constant 640 : i32
    %mul3A_6 = arith.muli %arg1, %mul3A_5 : i32
    %add3A_7 = arith.constant 128 : i32
    %add3A_8 = arith.addi %mul3A_6, %add3A_7 : i32
    "tpu.region"() ({
      %run_scoped3A = tpu.sem_alloc : memref<!tpu.dma_semaphore, #tpu.memory_space<semaphore_mem>>
      %dma_start3A = arith.constant 0 : i32
      %dma_start3A_33 = tpu.memref_slice %arg11[%add3A_8, %dma_start3A] : memref<10240x128xf32, #tpu.memory_space<vmem_shared>> -> memref<128x128xf32, #tpu.memory_space<vmem_shared>>
      %dma_start3A_34 = arith.constant 0 : i32
      %dma_start3A_35 = tpu.memref_slice %arg11[%add3A_8, %dma_start3A_34] : memref<10240x128xf32, #tpu.memory_space<vmem_shared>> -> memref<128x128xf32, #tpu.memory_space<vmem_shared>>
      tpu.enqueue_dma source(%arg10 : memref<128x128xf32, #tpu.memory_space<vmem>>) target(%dma_start3A_35 : memref<128x128xf32, #tpu.memory_space<vmem_shared>>) target_semaphore(%run_scoped3A : memref<!tpu.dma_semaphore, #tpu.memory_space<semaphore_mem>>)
      %dma_wait3A = arith.constant 0 : i32
      %dma_wait3A_36 = tpu.memref_slice %arg11[%add3A_8, %dma_wait3A] : memref<10240x128xf32, #tpu.memory_space<vmem_shared>> -> memref<128x128xf32, #tpu.memory_space<vmem_shared>>
      %dma_wait3A_37 = arith.constant 0 : i32
      %dma_wait3A_38 = tpu.memref_slice %arg11[%add3A_8, %dma_wait3A_37] : memref<10240x128xf32, #tpu.memory_space<vmem_shared>> -> memref<128x128xf32, #tpu.memory_space<vmem_shared>>
      tpu.wait_dma2 semaphore(%run_scoped3A : memref<!tpu.dma_semaphore, #tpu.memory_space<semaphore_mem>>) src(%arg10 : memref<128x128xf32, #tpu.memory_space<vmem>>) dst(%dma_wait3A_38 : memref<128x128xf32, #tpu.memory_space<vmem_shared>>)
      tpu.yield
    }) : () -> ()
    %mul3A_9 = arith.constant 640 : i32
    %mul3A_10 = arith.muli %arg1, %mul3A_9 : i32
    %add3A_11 = arith.constant 256 : i32
    %add3A_12 = arith.addi %mul3A_10, %add3A_11 : i32
    "tpu.region"() ({
      %run_scoped3A = tpu.sem_alloc : memref<!tpu.dma_semaphore, #tpu.memory_space<semaphore_mem>>
      %dma_start3A = arith.constant 0 : i32
      %dma_start3A_33 = tpu.memref_slice %arg11[%add3A_12, %dma_start3A] : memref<10240x128xf32, #tpu.memory_space<vmem_shared>> -> memref<128x128xf32, #tpu.memory_space<vmem_shared>>
      %dma_start3A_34 = arith.constant 0 : i32
      %dma_start3A_35 = tpu.memref_slice %arg11[%add3A_12, %dma_start3A_34] : memref<10240x128xf32, #tpu.memory_space<vmem_shared>> -> memref<128x128xf32, #tpu.memory_space<vmem_shared>>
      tpu.enqueue_dma source(%arg10 : memref<128x128xf32, #tpu.memory_space<vmem>>) target(%dma_start3A_35 : memref<128x128xf32, #tpu.memory_space<vmem_shared>>) target_semaphore(%run_scoped3A : memref<!tpu.dma_semaphore, #tpu.memory_space<semaphore_mem>>)
      %dma_wait3A = arith.constant 0 : i32
      %dma_wait3A_36 = tpu.memref_slice %arg11[%add3A_12, %dma_wait3A] : memref<10240x128xf32, #tpu.memory_space<vmem_shared>> -> memref<128x128xf32, #tpu.memory_space<vmem_shared>>
      %dma_wait3A_37 = arith.constant 0 : i32
      %dma_wait3A_38 = tpu.memref_slice %arg11[%add3A_12, %dma_wait3A_37] : memref<10240x128xf32, #tpu.memory_space<vmem_shared>> -> memref<128x128xf32, #tpu.memory_space<vmem_shared>>
      tpu.wait_dma2 semaphore(%run_scoped3A : memref<!tpu.dma_semaphore, #tpu.memory_space<semaphore_mem>>) src(%arg10 : memref<128x128xf32, #tpu.memory_space<vmem>>) dst(%dma_wait3A_38 : memref<128x128xf32, #tpu.memory_space<vmem_shared>>)
      tpu.yield
    }) : () -> ()
    %mul3A_13 = arith.constant 640 : i32
    %mul3A_14 = arith.muli %arg1, %mul3A_13 : i32
    %add3A_15 = arith.constant 384 : i32
    %add3A_16 = arith.addi %mul3A_14, %add3A_15 : i32
    "tpu.region"() ({
      %run_scoped3A = tpu.sem_alloc : memref<!tpu.dma_semaphore, #tpu.memory_space<semaphore_mem>>
      %dma_start3A = arith.constant 0 : i32
      %dma_start3A_33 = tpu.memref_slice %arg11[%add3A_16, %dma_start3A] : memref<10240x128xf32, #tpu.memory_space<vmem_shared>> -> memref<128x128xf32, #tpu.memory_space<vmem_shared>>
      %dma_start3A_34 = arith.constant 0 : i32
      %dma_start3A_35 = tpu.memref_slice %arg11[%add3A_16, %dma_start3A_34] : memref<10240x128xf32, #tpu.memory_space<vmem_shared>> -> memref<128x128xf32, #tpu.memory_space<vmem_shared>>
      tpu.enqueue_dma source(%arg10 : memref<128x128xf32, #tpu.memory_space<vmem>>) target(%dma_start3A_35 : memref<128x128xf32, #tpu.memory_space<vmem_shared>>) target_semaphore(%run_scoped3A : memref<!tpu.dma_semaphore, #tpu.memory_space<semaphore_mem>>)
      %dma_wait3A = arith.constant 0 : i32
      %dma_wait3A_36 = tpu.memref_slice %arg11[%add3A_16, %dma_wait3A] : memref<10240x128xf32, #tpu.memory_space<vmem_shared>> -> memref<128x128xf32, #tpu.memory_space<vmem_shared>>
      %dma_wait3A_37 = arith.constant 0 : i32
      %dma_wait3A_38 = tpu.memref_slice %arg11[%add3A_16, %dma_wait3A_37] : memref<10240x128xf32, #tpu.memory_space<vmem_shared>> -> memref<128x128xf32, #tpu.memory_space<vmem_shared>>
      tpu.wait_dma2 semaphore(%run_scoped3A : memref<!tpu.dma_semaphore, #tpu.memory_space<semaphore_mem>>) src(%arg10 : memref<128x128xf32, #tpu.memory_space<vmem>>) dst(%dma_wait3A_38 : memref<128x128xf32, #tpu.memory_space<vmem_shared>>)
      tpu.yield
    }) : () -> ()
    %mul3A_17 = arith.constant 640 : i32
    %mul3A_18 = arith.muli %arg1, %mul3A_17 : i32
    %add3A_19 = arith.constant 512 : i32
    %add3A_20 = arith.addi %mul3A_18, %add3A_19 : i32
    "tpu.region"() ({
      %run_scoped3A = tpu.sem_alloc : memref<!tpu.dma_semaphore, #tpu.memory_space<semaphore_mem>>
      %dma_start3A = arith.constant 0 : i32
      %dma_start3A_33 = tpu.memref_slice %arg11[%add3A_20, %dma_start3A] : memref<10240x128xf32, #tpu.memory_space<vmem_shared>> -> memref<128x128xf32, #tpu.memory_space<vmem_shared>>
      %dma_start3A_34 = arith.constant 0 : i32
      %dma_start3A_35 = tpu.memref_slice %arg11[%add3A_20, %dma_start3A_34] : memref<10240x128xf32, #tpu.memory_space<vmem_shared>> -> memref<128x128xf32, #tpu.memory_space<vmem_shared>>
      tpu.enqueue_dma source(%arg10 : memref<128x128xf32, #tpu.memory_space<vmem>>) target(%dma_start3A_35 : memref<128x128xf32, #tpu.memory_space<vmem_shared>>) target_semaphore(%run_scoped3A : memref<!tpu.dma_semaphore, #tpu.memory_space<semaphore_mem>>)
      %dma_wait3A = arith.constant 0 : i32
      %dma_wait3A_36 = tpu.memref_slice %arg11[%add3A_20, %dma_wait3A] : memref<10240x128xf32, #tpu.memory_space<vmem_shared>> -> memref<128x128xf32, #tpu.memory_space<vmem_shared>>
      %dma_wait3A_37 = arith.constant 0 : i32
      %dma_wait3A_38 = tpu.memref_slice %arg11[%add3A_20, %dma_wait3A_37] : memref<10240x128xf32, #tpu.memory_space<vmem_shared>> -> memref<128x128xf32, #tpu.memory_space<vmem_shared>>
      tpu.wait_dma2 semaphore(%run_scoped3A : memref<!tpu.dma_semaphore, #tpu.memory_space<semaphore_mem>>) src(%arg10 : memref<128x128xf32, #tpu.memory_space<vmem>>) dst(%dma_wait3A_38 : memref<128x128xf32, #tpu.memory_space<vmem_shared>>)
      tpu.yield
    }) : () -> ()
    %barrier3A = arith.constant 0 : index
    tpu.barrier barrier_id(%barrier3A)
    %mul3A_21 = arith.constant 10240 : i32
    %mul3A_22 = arith.muli %add3A, %mul3A_21 : i32
    %scan3A = arith.constant 0 : i32
    %scan3A_23 = arith.constant 0 : i32
    %scan3A_24 = arith.constant 80 : i32
    %scan3A_25 = arith.addi %scan3A_23, %scan3A_24 : i32
    %scan3A_26 = arith.constant 1 : i32
    scf.for %scan3A_33 = %scan3A_23 to %scan3A_25 step %scan3A_26  : i32 {
      %mul3A_34 = arith.constant 128 : i32
      %mul3A_35 = arith.muli %scan3A_33, %mul3A_34 : i32
      %add3A_36 = arith.addi %mul3A_22, %mul3A_35 : i32
      "tpu.region"() ({
        %run_scoped3A = tpu.sem_alloc : memref<!tpu.dma_semaphore, #tpu.memory_space<semaphore_mem>>
        %dma_start3A_41 = tpu.memref_slice %arg3[%add3A_36] : memref<327680xi32, #tpu.memory_space<hbm>> -> memref<128xi32, #tpu.memory_space<hbm>>
        %dma_start3A_42 = tpu.memref_slice %arg3[%add3A_36] : memref<327680xi32, #tpu.memory_space<hbm>> -> memref<128xi32, #tpu.memory_space<hbm>>
        tpu.enqueue_dma source(%dma_start3A_42 : memref<128xi32, #tpu.memory_space<hbm>>) target(%arg7 : memref<128xi32, #tpu.memory_space<vmem>>) target_semaphore(%run_scoped3A : memref<!tpu.dma_semaphore, #tpu.memory_space<semaphore_mem>>)
        %dma_wait3A_43 = tpu.memref_slice %arg3[%add3A_36] : memref<327680xi32, #tpu.memory_space<hbm>> -> memref<128xi32, #tpu.memory_space<hbm>>
        %dma_wait3A_44 = tpu.memref_slice %arg3[%add3A_36] : memref<327680xi32, #tpu.memory_space<hbm>> -> memref<128xi32, #tpu.memory_space<hbm>>
        tpu.wait_dma2 semaphore(%run_scoped3A : memref<!tpu.dma_semaphore, #tpu.memory_space<semaphore_mem>>) src(%dma_wait3A_44 : memref<128xi32, #tpu.memory_space<hbm>>) dst(%arg7 : memref<128xi32, #tpu.memory_space<vmem>>)
        tpu.yield
      }) : () -> ()
      "tpu.region"() ({
        %run_scoped3A = tpu.sem_alloc : memref<!tpu.dma_semaphore, #tpu.memory_space<semaphore_mem>>
        %dma_start3A_41 = tpu.memref_slice %arg4[%add3A_36] : memref<327680xi32, #tpu.memory_space<hbm>> -> memref<128xi32, #tpu.memory_space<hbm>>
        %dma_start3A_42 = tpu.memref_slice %arg4[%add3A_36] : memref<327680xi32, #tpu.memory_space<hbm>> -> memref<128xi32, #tpu.memory_space<hbm>>
        tpu.enqueue_dma source(%dma_start3A_42 : memref<128xi32, #tpu.memory_space<hbm>>) target(%arg8 : memref<128xi32, #tpu.memory_space<vmem>>) target_semaphore(%run_scoped3A : memref<!tpu.dma_semaphore, #tpu.memory_space<semaphore_mem>>)
        %dma_wait3A_43 = tpu.memref_slice %arg4[%add3A_36] : memref<327680xi32, #tpu.memory_space<hbm>> -> memref<128xi32, #tpu.memory_space<hbm>>
        %dma_wait3A_44 = tpu.memref_slice %arg4[%add3A_36] : memref<327680xi32, #tpu.memory_space<hbm>> -> memref<128xi32, #tpu.memory_space<hbm>>
        tpu.wait_dma2 semaphore(%run_scoped3A : memref<!tpu.dma_semaphore, #tpu.memory_space<semaphore_mem>>) src(%dma_wait3A_44 : memref<128xi32, #tpu.memory_space<hbm>>) dst(%arg8 : memref<128xi32, #tpu.memory_space<vmem>>)
        tpu.yield
      }) : () -> ()
      %dma_start3A = arith.constant 0 : i32
      %dma_start3A_37 = arith.constant 0 : i32
      %dma_start3A_38 = tpu.memref_slice %arg2[%dma_start3A, %dma_start3A_37] : memref<10240x128xf32, #tpu.memory_space<hbm>> -> memref<10240x128xf32, #tpu.memory_space<hbm>>
      tpu.enqueue_indirect_dma source(%dma_start3A_38 : memref<10240x128xf32, #tpu.memory_space<hbm>>) target(%arg9 : memref<128x128xf32, #tpu.memory_space<vmem>>) offsets(%arg7 : memref<128xi32, #tpu.memory_space<vmem>>) semaphore(%arg12 : memref<!tpu.dma_semaphore, #tpu.memory_space<semaphore_mem>>)
      %dma_wait3A = arith.constant 0 : i32
      %dma_wait3A_39 = arith.constant 0 : i32
      %dma_wait3A_40 = tpu.memref_slice %arg2[%dma_wait3A, %dma_wait3A_39] : memref<10240x128xf32, #tpu.memory_space<hbm>> -> memref<10240x128xf32, #tpu.memory_space<hbm>>
      tpu.wait_indirect_dma semaphore(%arg12 : memref<!tpu.dma_semaphore, #tpu.memory_space<semaphore_mem>>) src(%dma_wait3A_40 : memref<10240x128xf32, #tpu.memory_space<hbm>>) dst(%arg9 : memref<128x128xf32, #tpu.memory_space<vmem>>)
      "tpu.region"() ({
        %run_scoped3A = tpu.sem_alloc : memref<!tpu.dma_semaphore, #tpu.memory_space<semaphore_mem>>
        %dma_start3A_41 = arith.constant 0 : i32
        %dma_start3A_42 = arith.constant 0 : i32
        %dma_start3A_43 = tpu.memref_slice %arg11[%dma_start3A_41, %dma_start3A_42] : memref<10240x128xf32, #tpu.memory_space<vmem_shared>> -> memref<10240x128xf32, #tpu.memory_space<vmem_shared>>
        tpu.enqueue_indirect_dma source(%arg9 : memref<128x128xf32, #tpu.memory_space<vmem>>) target(%dma_start3A_43 : memref<10240x128xf32, #tpu.memory_space<vmem_shared>>) offsets(%arg8 : memref<128xi32, #tpu.memory_space<vmem>>) semaphore(%run_scoped3A : memref<!tpu.dma_semaphore, #tpu.memory_space<semaphore_mem>>) {add = true}
        %dma_wait3A_44 = arith.constant 0 : i32
        %dma_wait3A_45 = arith.constant 0 : i32
        %dma_wait3A_46 = tpu.memref_slice %arg11[%dma_wait3A_44, %dma_wait3A_45] : memref<10240x128xf32, #tpu.memory_space<vmem_shared>> -> memref<10240x128xf32, #tpu.memory_space<vmem_shared>>
        tpu.wait_indirect_dma semaphore(%run_scoped3A : memref<!tpu.dma_semaphore, #tpu.memory_space<semaphore_mem>>) src(%arg9 : memref<128x128xf32, #tpu.memory_space<vmem>>) dst(%dma_wait3A_46 : memref<10240x128xf32, #tpu.memory_space<vmem_shared>>)
        tpu.yield
      }) : () -> ()
    }
    %scan3A_27 = arith.constant 80 : i32
    %barrier3A_28 = arith.constant 0 : index
    tpu.barrier barrier_id(%barrier3A_28)
    %mul3A_29 = arith.constant 640 : i32
    %mul3A_30 = arith.muli %arg1, %mul3A_29 : i32
    %mul3A_31 = arith.constant 640 : i32
    %mul3A_32 = arith.muli %arg1, %mul3A_31 : i32
    "tpu.region"() ({
      %run_scoped3A = tpu.sem_alloc : memref<!tpu.dma_semaphore, #tpu.memory_space<semaphore_mem>>
      %dma_start3A = arith.constant 0 : i32
      %dma_start3A_33 = tpu.memref_slice %arg6[%arg0, %mul3A_32, %dma_start3A] : memref<2x10240x128xf32, #tpu.memory_space<hbm>> -> memref<1x640x128xf32, #tpu.memory_space<hbm>>
      %dma_start3A_34 = tpu.memref_squeeze %dma_start3A_33 : memref<1x640x128xf32, #tpu.memory_space<hbm>> -> memref<640x128xf32, #tpu.memory_space<hbm>>
      %dma_start3A_35 = arith.constant 0 : i32
      %dma_start3A_36 = tpu.memref_slice %arg11[%mul3A_30, %dma_start3A_35] : memref<10240x128xf32, #tpu.memory_space<vmem_shared>> -> memref<640x128xf32, #tpu.memory_space<vmem_shared>>
      tpu.enqueue_dma source(%dma_start3A_36 : memref<640x128xf32, #tpu.memory_space<vmem_shared>>) target(%dma_start3A_34 : memref<640x128xf32, #tpu.memory_space<hbm>>) target_semaphore(%run_scoped3A : memref<!tpu.dma_semaphore, #tpu.memory_space<semaphore_mem>>)
      %dma_wait3A = arith.constant 0 : i32
      %dma_wait3A_37 = tpu.memref_slice %arg6[%arg0, %mul3A_32, %dma_wait3A] : memref<2x10240x128xf32, #tpu.memory_space<hbm>> -> memref<1x640x128xf32, #tpu.memory_space<hbm>>
      %dma_wait3A_38 = tpu.memref_squeeze %dma_wait3A_37 : memref<1x640x128xf32, #tpu.memory_space<hbm>> -> memref<640x128xf32, #tpu.memory_space<hbm>>
      %dma_wait3A_39 = arith.constant 0 : i32
      %dma_wait3A_40 = tpu.memref_slice %arg11[%mul3A_30, %dma_wait3A_39] : memref<10240x128xf32, #tpu.memory_space<vmem_shared>> -> memref<640x128xf32, #tpu.memory_space<vmem_shared>>
      tpu.wait_dma2 semaphore(%run_scoped3A : memref<!tpu.dma_semaphore, #tpu.memory_space<semaphore_mem>>) src(%dma_wait3A_40 : memref<640x128xf32, #tpu.memory_space<vmem_shared>>) dst(%dma_wait3A_38 : memref<640x128xf32, #tpu.memory_space<hbm>>)
      tpu.yield
    }) : () -> ()
    return
  }
}

module attributes {stable_mosaic.version = 14 : i64} {
  func.func @_tc_layer_body(%arg0: i32, %arg1: memref<1024x128xf32, #tpu.memory_space<vmem>>, %arg2: memref<1024x128xf32, #tpu.memory_space<vmem>>, %arg3: memref<2x1024x128xf32, #tpu.memory_space<vmem>>, %arg4: memref<1024x1xf32, #tpu.memory_space<vmem>>, %arg5: memref<1x128xf32, #tpu.memory_space<vmem>>, %arg6: memref<1x128xf32, #tpu.memory_space<vmem>>, %arg7: memref<1x128xf32, #tpu.memory_space<vmem>>, %arg8: memref<128x128xf32, #tpu.memory_space<vmem>>, %arg9: memref<1024x128xf32, #tpu.memory_space<vmem>>, %arg10: memref<1024x128xf32, #tpu.memory_space<vmem>>) attributes {dimension_semantics = [#tpu.dimension_semantics<arbitrary>], iteration_bounds = array<i64: 10>, scalar_prefetch = 0 : i64, scratch_operands = 0 : i64, tpu.core_type = #tpu.core_type<tc>, window_params = [{transform_indices = @transform_0, window_bounds = array<i64: 1024, 128>}, {transform_indices = @transform_1, window_bounds = array<i64: 1024, 128>}, {transform_indices = @transform_2, window_bounds = array<i64: 2, 1024, 128>}, {transform_indices = @transform_3, window_bounds = array<i64: 1024, 1>}, {pipeline_mode = #tpu.pipeline_mode<synchronous>, transform_indices = @transform_4, window_bounds = array<i64: 1, 128>}, {pipeline_mode = #tpu.pipeline_mode<synchronous>, transform_indices = @transform_5, window_bounds = array<i64: 1, 128>}, {pipeline_mode = #tpu.pipeline_mode<synchronous>, transform_indices = @transform_6, window_bounds = array<i64: 1, 128>}, {pipeline_mode = #tpu.pipeline_mode<synchronous>, transform_indices = @transform_7, window_bounds = array<i64: 128, 128>}, {transform_indices = @transform_8, window_bounds = array<i64: 1024, 128>}, {transform_indices = @transform_9, window_bounds = array<i64: 1024, 128>}]} {
    %get3A = arith.constant 0 : index
    %get3A_0 = arith.constant 0 : index
    %get3A_1 = vector.load %arg4[%get3A, %get3A_0] : memref<1024x1xf32, #tpu.memory_space<vmem>>, vector<1024x1xf32>
    %get3A_2 = arith.constant 0 : index
    %get3A_3 = arith.constant 0 : index
    %get3A_4 = arith.constant 0 : index
    %get3A_5 = vector.load %arg3[%get3A_2, %get3A_3, %get3A_4] : memref<2x1024x128xf32, #tpu.memory_space<vmem>>, vector<1x1024x128xf32>
    %get3A_6 = vector.shape_cast %get3A_5 : vector<1x1024x128xf32> to vector<1024x128xf32>
    %get3A_7 = arith.constant 1 : index
    %get3A_8 = arith.constant 0 : index
    %get3A_9 = arith.constant 0 : index
    %get3A_10 = vector.load %arg3[%get3A_7, %get3A_8, %get3A_9] : memref<2x1024x128xf32, #tpu.memory_space<vmem>>, vector<1x1024x128xf32>
    %get3A_11 = vector.shape_cast %get3A_10 : vector<1x1024x128xf32> to vector<1024x128xf32>
    %add3A = arith.addf %get3A_6, %get3A_11 : vector<1024x128xf32>
    %get3A_12 = arith.constant 0 : index
    %get3A_13 = arith.constant 0 : index
    %get3A_14 = vector.load %arg2[%get3A_12, %get3A_13] : memref<1024x128xf32, #tpu.memory_space<vmem>>, vector<1024x128xf32>
    %add3A_15 = arith.addf %add3A, %get3A_14 : vector<1024x128xf32>
    %mul3A = vector.broadcast %get3A_1 : vector<1024x1xf32> to vector<1024x128xf32>
    %mul3A_16 = arith.mulf %mul3A, %add3A_15 : vector<1024x128xf32>
    %get3A_17 = arith.constant 0 : index
    %get3A_18 = arith.constant 0 : index
    %get3A_19 = vector.load %arg5[%get3A_17, %get3A_18] : memref<1x128xf32, #tpu.memory_space<vmem>>, vector<1x128xf32>
    %add3A_20 = vector.broadcast %get3A_19 : vector<1x128xf32> to vector<1024x128xf32>
    %add3A_21 = arith.addf %mul3A_16, %add3A_20 : vector<1024x128xf32>
    %get3A_22 = arith.constant 0 : index
    %get3A_23 = arith.constant 0 : index
    %get3A_24 = vector.load %arg1[%get3A_22, %get3A_23] : memref<1024x128xf32, #tpu.memory_space<vmem>>, vector<1024x128xf32>
    %add3A_25 = arith.addf %get3A_24, %add3A_21 : vector<1024x128xf32>
    %max3A = arith.constant 0.000000e+00 : f32
    %max3A_26 = vector.broadcast %max3A : f32 to vector<1024x128xf32>
    %max3A_27 = arith.maximumf %add3A_25, %max3A_26 : vector<1024x128xf32>
    %reduce_sum3A = arith.constant dense<0.000000e+00> : vector<1024xf32>
    %reduce_sum3A_28 = vector.multi_reduction <add>, %max3A_27, %reduce_sum3A [1] : vector<1024x128xf32> to vector<1024xf32>
    %broadcast_in_dim3A = vector.shape_cast %reduce_sum3A_28 : vector<1024xf32> to vector<1024x1xf32>
    %div3A = arith.constant 1.280000e+02 : f32
    %div3A_29 = vector.broadcast %div3A : f32 to vector<1024x1xf32>
    %div3A_30 = arith.divf %broadcast_in_dim3A, %div3A_29 : vector<1024x1xf32>
    %sub3A = vector.broadcast %div3A_30 : vector<1024x1xf32> to vector<1024x128xf32>
    %sub3A_31 = arith.subf %max3A_27, %sub3A : vector<1024x128xf32>
    %integer_pow3A = arith.mulf %sub3A_31, %sub3A_31 : vector<1024x128xf32>
    %reduce_sum3A_32 = arith.constant dense<0.000000e+00> : vector<1024xf32>
    %reduce_sum3A_33 = vector.multi_reduction <add>, %integer_pow3A, %reduce_sum3A_32 [1] : vector<1024x128xf32> to vector<1024xf32>
    %broadcast_in_dim3A_34 = vector.shape_cast %reduce_sum3A_33 : vector<1024xf32> to vector<1024x1xf32>
    %div3A_35 = arith.constant 1.280000e+02 : f32
    %div3A_36 = vector.broadcast %div3A_35 : f32 to vector<1024x1xf32>
    %div3A_37 = arith.divf %broadcast_in_dim3A_34, %div3A_36 : vector<1024x1xf32>
    %sub3A_38 = vector.broadcast %div3A_30 : vector<1024x1xf32> to vector<1024x128xf32>
    %sub3A_39 = arith.subf %max3A_27, %sub3A_38 : vector<1024x128xf32>
    %add3A_40 = arith.constant 9.99999974E-6 : f32
    %add3A_41 = vector.broadcast %add3A_40 : f32 to vector<1024x1xf32>
    %add3A_42 = arith.addf %div3A_37, %add3A_41 : vector<1024x1xf32>
    %rsqrt3A = math.rsqrt %add3A_42 : vector<1024x1xf32>
    %mul3A_43 = vector.broadcast %rsqrt3A : vector<1024x1xf32> to vector<1024x128xf32>
    %mul3A_44 = arith.mulf %sub3A_39, %mul3A_43 : vector<1024x128xf32>
    %get3A_45 = arith.constant 0 : index
    %get3A_46 = arith.constant 0 : index
    %get3A_47 = vector.load %arg6[%get3A_45, %get3A_46] : memref<1x128xf32, #tpu.memory_space<vmem>>, vector<1x128xf32>
    %mul3A_48 = vector.broadcast %get3A_47 : vector<1x128xf32> to vector<1024x128xf32>
    %mul3A_49 = arith.mulf %mul3A_44, %mul3A_48 : vector<1024x128xf32>
    %get3A_50 = arith.constant 0 : index
    %get3A_51 = arith.constant 0 : index
    %get3A_52 = vector.load %arg7[%get3A_50, %get3A_51] : memref<1x128xf32, #tpu.memory_space<vmem>>, vector<1x128xf32>
    %add3A_53 = vector.broadcast %get3A_52 : vector<1x128xf32> to vector<1024x128xf32>
    %add3A_54 = arith.addf %mul3A_49, %add3A_53 : vector<1024x128xf32>
    %swap3A = arith.constant 0 : index
    %swap3A_55 = arith.constant 0 : index
    %swap3A_56 = vector.load %arg9[%swap3A, %swap3A_55] : memref<1024x128xf32, #tpu.memory_space<vmem>>, vector<1024x128xf32>
    tpu.vector_store %arg9[%swap3A, %swap3A_55], %add3A_54 {strides = array<i32>} : memref<1024x128xf32, #tpu.memory_space<vmem>>, vector<1024x128xf32>,
    %get3A_57 = arith.constant 0 : index
    %get3A_58 = arith.constant 0 : index
    %get3A_59 = vector.load %arg8[%get3A_57, %get3A_58] : memref<128x128xf32, #tpu.memory_space<vmem>>, vector<128x128xf32>
    %dot_general3A = arith.constant dense<0.000000e+00> : vector<1024x128xf32>
    %dot_general3A_60 = tpu.matmul %add3A_54, %get3A_59, %dot_general3A {dimension_numbers = #tpu.dot_dimension_numbers<[1], [0], [0], [1], [0, 0, 1, 1], [], []>, precision = #tpu.contract_precision<fp32>, transpose_lhs_hint = false} : vector<1024x128xf32>, vector<128x128xf32>, vector<1024x128xf32> -> vector<1024x128xf32>
    %mul3A_61 = vector.broadcast %get3A_1 : vector<1024x1xf32> to vector<1024x128xf32>
    %mul3A_62 = arith.mulf %dot_general3A_60, %mul3A_61 : vector<1024x128xf32>
    %swap3A_63 = arith.constant 0 : index
    %swap3A_64 = arith.constant 0 : index
    %swap3A_65 = vector.load %arg10[%swap3A_63, %swap3A_64] : memref<1024x128xf32, #tpu.memory_space<vmem>>, vector<1024x128xf32>
    tpu.vector_store %arg10[%swap3A_63, %swap3A_64], %mul3A_62 {strides = array<i32>} : memref<1024x128xf32, #tpu.memory_space<vmem>>, vector<1024x128xf32>,
    return
  }
  func.func @transform_0(%arg0: i32) -> (i32, i32) {
    %c0_i32 = arith.constant 0 : i32
    %c0_i32_0 = arith.constant 0 : i32
    return %arg0, %c0_i32 : i32, i32
  }
  func.func @transform_1(%arg0: i32) -> (i32, i32) {
    %c0_i32 = arith.constant 0 : i32
    %c0_i32_0 = arith.constant 0 : i32
    return %arg0, %c0_i32 : i32, i32
  }
  func.func @transform_2(%arg0: i32) -> (i32, i32, i32) {
    %c0_i32 = arith.constant 0 : i32
    %c0_i32_0 = arith.constant 0 : i32
    %c0_i32_1 = arith.constant 0 : i32
    return %c0_i32, %arg0, %c0_i32_0 : i32, i32, i32
  }
  func.func @transform_3(%arg0: i32) -> (i32, i32) {
    %c0_i32 = arith.constant 0 : i32
    %c0_i32_0 = arith.constant 0 : i32
    return %arg0, %c0_i32 : i32, i32
  }
  func.func @transform_4(%arg0: i32) -> (i32, i32) {
    %c0_i32 = arith.constant 0 : i32
    %c0_i32_0 = arith.constant 0 : i32
    %c0_i32_1 = arith.constant 0 : i32
    return %c0_i32, %c0_i32_0 : i32, i32
  }
  func.func @transform_5(%arg0: i32) -> (i32, i32) {
    %c0_i32 = arith.constant 0 : i32
    %c0_i32_0 = arith.constant 0 : i32
    %c0_i32_1 = arith.constant 0 : i32
    return %c0_i32, %c0_i32_0 : i32, i32
  }
  func.func @transform_6(%arg0: i32) -> (i32, i32) {
    %c0_i32 = arith.constant 0 : i32
    %c0_i32_0 = arith.constant 0 : i32
    %c0_i32_1 = arith.constant 0 : i32
    return %c0_i32, %c0_i32_0 : i32, i32
  }
  func.func @transform_7(%arg0: i32) -> (i32, i32) {
    %c0_i32 = arith.constant 0 : i32
    %c0_i32_0 = arith.constant 0 : i32
    %c0_i32_1 = arith.constant 0 : i32
    return %c0_i32, %c0_i32_0 : i32, i32
  }
  func.func @transform_8(%arg0: i32) -> (i32, i32) {
    %c0_i32 = arith.constant 0 : i32
    %c0_i32_0 = arith.constant 0 : i32
    return %arg0, %c0_i32 : i32, i32
  }
  func.func @transform_9(%arg0: i32) -> (i32, i32) {
    %c0_i32 = arith.constant 0 : i32
    %c0_i32_0 = arith.constant 0 : i32
    return %arg0, %c0_i32 : i32, i32
  }
}

module attributes {stable_mosaic.version = 14 : i64} {
  func.func @_tc_embed_body(%arg0: i32, %arg1: memref<1024x1xi32, #tpu.memory_space<vmem>>, %arg2: memref<20x128xf32, #tpu.memory_space<vmem>>, %arg3: memref<2x1024x128xf32, #tpu.memory_space<vmem>>, %arg4: memref<128x128xf32, #tpu.memory_space<vmem>>, %arg5: memref<1024x128xf32, #tpu.memory_space<vmem>>, %arg6: memref<1024x128xf32, #tpu.memory_space<vmem>>, %arg7: memref<1024x1xf32, #tpu.memory_space<vmem>>) attributes {dimension_semantics = [#tpu.dimension_semantics<arbitrary>], iteration_bounds = array<i64: 10>, scalar_prefetch = 0 : i64, scratch_operands = 0 : i64, tpu.core_type = #tpu.core_type<tc>, window_params = [{transform_indices = @transform_0, window_bounds = array<i64: 1024, 1>}, {pipeline_mode = #tpu.pipeline_mode<synchronous>, transform_indices = @transform_1, window_bounds = array<i64: 20, 128>}, {transform_indices = @transform_2, window_bounds = array<i64: 2, 1024, 128>}, {pipeline_mode = #tpu.pipeline_mode<synchronous>, transform_indices = @transform_3, window_bounds = array<i64: 128, 128>}, {transform_indices = @transform_4, window_bounds = array<i64: 1024, 128>}, {transform_indices = @transform_5, window_bounds = array<i64: 1024, 128>}, {transform_indices = @transform_6, window_bounds = array<i64: 1024, 1>}]} {
    %get3A = arith.constant 0 : index
    %get3A_0 = arith.constant 0 : index
    %get3A_1 = vector.load %arg1[%get3A, %get3A_0] : memref<1024x1xi32, #tpu.memory_space<vmem>>, vector<1024x1xi32>
    %iota3A = tpu.iota {dimensions = array<i32: 1>} : vector<1x20xi32>
    %eq3A = vector.broadcast %get3A_1 : vector<1024x1xi32> to vector<1024x20xi32>
    %eq3A_2 = vector.broadcast %iota3A : vector<1x20xi32> to vector<1024x20xi32>
    %eq3A_3 = arith.cmpi eq, %eq3A, %eq3A_2 : vector<1024x20xi32>
    %convert_element_type3A = arith.extui %eq3A_3 : vector<1024x20xi1> to vector<1024x20xi32>
    %convert_element_type3A_4 = arith.sitofp %convert_element_type3A : vector<1024x20xi32> to vector<1024x20xf32>
    %get3A_5 = arith.constant 0 : index
    %get3A_6 = arith.constant 0 : index
    %get3A_7 = vector.load %arg2[%get3A_5, %get3A_6] : memref<20x128xf32, #tpu.memory_space<vmem>>, vector<20x128xf32>
    %dot_general3A = arith.constant dense<0.000000e+00> : vector<1024x128xf32>
    %dot_general3A_8 = tpu.matmul %convert_element_type3A_4, %get3A_7, %dot_general3A {dimension_numbers = #tpu.dot_dimension_numbers<[1], [0], [0], [1], [0, 0, 1, 1], [], []>, precision = #tpu.contract_precision<fp32>, transpose_lhs_hint = false} : vector<1024x20xf32>, vector<20x128xf32>, vector<1024x128xf32> -> vector<1024x128xf32>
    %get3A_9 = arith.constant 0 : index
    %get3A_10 = arith.constant 0 : index
    %get3A_11 = arith.constant 0 : index
    %get3A_12 = vector.load %arg3[%get3A_9, %get3A_10, %get3A_11] : memref<2x1024x128xf32, #tpu.memory_space<vmem>>, vector<1x1024x1xf32>
    %get3A_13 = vector.shape_cast %get3A_12 : vector<1x1024x1xf32> to vector<1024x1xf32>
    %get3A_14 = arith.constant 1 : index
    %get3A_15 = arith.constant 0 : index
    %get3A_16 = arith.constant 0 : index
    %get3A_17 = vector.load %arg3[%get3A_14, %get3A_15, %get3A_16] : memref<2x1024x128xf32, #tpu.memory_space<vmem>>, vector<1x1024x1xf32>
    %get3A_18 = vector.shape_cast %get3A_17 : vector<1x1024x1xf32> to vector<1024x1xf32>
    %add3A = arith.addf %get3A_13, %get3A_18 : vector<1024x1xf32>
    %add3A_19 = arith.constant 1.000000e+00 : f32
    %add3A_20 = vector.broadcast %add3A_19 : f32 to vector<1024x1xf32>
    %add3A_21 = arith.addf %add3A, %add3A_20 : vector<1024x1xf32>
    %rsqrt3A = math.rsqrt %add3A_21 : vector<1024x1xf32>
    %swap3A = arith.constant 0 : index
    %swap3A_22 = arith.constant 0 : index
    %swap3A_23 = vector.load %arg5[%swap3A, %swap3A_22] : memref<1024x128xf32, #tpu.memory_space<vmem>>, vector<1024x128xf32>
    tpu.vector_store %arg5[%swap3A, %swap3A_22], %dot_general3A_8 {strides = array<i32>} : memref<1024x128xf32, #tpu.memory_space<vmem>>, vector<1024x128xf32>,
    %swap3A_24 = arith.constant 0 : index
    %swap3A_25 = arith.constant 0 : index
    %swap3A_26 = vector.load %arg7[%swap3A_24, %swap3A_25] : memref<1024x1xf32, #tpu.memory_space<vmem>>, vector<1024x1xf32>
    tpu.vector_store %arg7[%swap3A_24, %swap3A_25], %rsqrt3A {strides = array<i32>} : memref<1024x1xf32, #tpu.memory_space<vmem>>, vector<1024x1xf32>,
    %get3A_27 = arith.constant 0 : index
    %get3A_28 = arith.constant 0 : index
    %get3A_29 = vector.load %arg4[%get3A_27, %get3A_28] : memref<128x128xf32, #tpu.memory_space<vmem>>, vector<128x128xf32>
    %dot_general3A_30 = arith.constant dense<0.000000e+00> : vector<1024x128xf32>
    %dot_general3A_31 = tpu.matmul %dot_general3A_8, %get3A_29, %dot_general3A_30 {dimension_numbers = #tpu.dot_dimension_numbers<[1], [0], [0], [1], [0, 0, 1, 1], [], []>, precision = #tpu.contract_precision<fp32>, transpose_lhs_hint = false} : vector<1024x128xf32>, vector<128x128xf32>, vector<1024x128xf32> -> vector<1024x128xf32>
    %mul3A = vector.broadcast %rsqrt3A : vector<1024x1xf32> to vector<1024x128xf32>
    %mul3A_32 = arith.mulf %dot_general3A_31, %mul3A : vector<1024x128xf32>
    %swap3A_33 = arith.constant 0 : index
    %swap3A_34 = arith.constant 0 : index
    %swap3A_35 = vector.load %arg6[%swap3A_33, %swap3A_34] : memref<1024x128xf32, #tpu.memory_space<vmem>>, vector<1024x128xf32>
    tpu.vector_store %arg6[%swap3A_33, %swap3A_34], %mul3A_32 {strides = array<i32>} : memref<1024x128xf32, #tpu.memory_space<vmem>>, vector<1024x128xf32>,
    return
  }
  func.func @transform_0(%arg0: i32) -> (i32, i32) {
    %c0_i32 = arith.constant 0 : i32
    %c0_i32_0 = arith.constant 0 : i32
    return %arg0, %c0_i32 : i32, i32
  }
  func.func @transform_1(%arg0: i32) -> (i32, i32) {
    %c0_i32 = arith.constant 0 : i32
    %c0_i32_0 = arith.constant 0 : i32
    %c0_i32_1 = arith.constant 0 : i32
    return %c0_i32, %c0_i32_0 : i32, i32
  }
  func.func @transform_2(%arg0: i32) -> (i32, i32, i32) {
    %c0_i32 = arith.constant 0 : i32
    %c0_i32_0 = arith.constant 0 : i32
    %c0_i32_1 = arith.constant 0 : i32
    return %c0_i32, %arg0, %c0_i32_0 : i32, i32, i32
  }
  func.func @transform_3(%arg0: i32) -> (i32, i32) {
    %c0_i32 = arith.constant 0 : i32
    %c0_i32_0 = arith.constant 0 : i32
    %c0_i32_1 = arith.constant 0 : i32
    return %c0_i32, %c0_i32_0 : i32, i32
  }
  func.func @transform_4(%arg0: i32) -> (i32, i32) {
    %c0_i32 = arith.constant 0 : i32
    %c0_i32_0 = arith.constant 0 : i32
    return %arg0, %c0_i32 : i32, i32
  }
  func.func @transform_5(%arg0: i32) -> (i32, i32) {
    %c0_i32 = arith.constant 0 : i32
    %c0_i32_0 = arith.constant 0 : i32
    return %arg0, %c0_i32 : i32, i32
  }
  func.func @transform_6(%arg0: i32) -> (i32, i32) {
    %c0_i32 = arith.constant 0 : i32
    %c0_i32_0 = arith.constant 0 : i32
    return %arg0, %c0_i32 : i32, i32
  }
}

module attributes {stable_mosaic.version = 14 : i64} {
  func.func @_tc_final_body(%arg0: i32, %arg1: memref<1024x128xf32, #tpu.memory_space<vmem>>, %arg2: memref<1024x128xf32, #tpu.memory_space<vmem>>, %arg3: memref<2x1024x128xf32, #tpu.memory_space<vmem>>, %arg4: memref<1024x1xf32, #tpu.memory_space<vmem>>, %arg5: memref<1x128xf32, #tpu.memory_space<vmem>>, %arg6: memref<128x128xf32, #tpu.memory_space<vmem>>, %arg7: memref<1x128xf32, #tpu.memory_space<vmem>>, %arg8: memref<128x128xf32, #tpu.memory_space<vmem>>, %arg9: memref<1x128xf32, #tpu.memory_space<vmem>>, %arg10: memref<128x1xf32, #tpu.memory_space<vmem>>, %arg11: memref<1x1xf32, #tpu.memory_space<vmem>>, %arg12: memref<1024x1xf32, #tpu.memory_space<vmem>>) attributes {dimension_semantics = [#tpu.dimension_semantics<arbitrary>], iteration_bounds = array<i64: 10>, scalar_prefetch = 0 : i64, scratch_operands = 0 : i64, tpu.core_type = #tpu.core_type<tc>, window_params = [{transform_indices = @transform_0, window_bounds = array<i64: 1024, 128>}, {transform_indices = @transform_1, window_bounds = array<i64: 1024, 128>}, {transform_indices = @transform_2, window_bounds = array<i64: 2, 1024, 128>}, {transform_indices = @transform_3, window_bounds = array<i64: 1024, 1>}, {pipeline_mode = #tpu.pipeline_mode<synchronous>, transform_indices = @transform_4, window_bounds = array<i64: 1, 128>}, {pipeline_mode = #tpu.pipeline_mode<synchronous>, transform_indices = @transform_5, window_bounds = array<i64: 128, 128>}, {pipeline_mode = #tpu.pipeline_mode<synchronous>, transform_indices = @transform_6, window_bounds = array<i64: 1, 128>}, {pipeline_mode = #tpu.pipeline_mode<synchronous>, transform_indices = @transform_7, window_bounds = array<i64: 128, 128>}, {pipeline_mode = #tpu.pipeline_mode<synchronous>, transform_indices = @transform_8, window_bounds = array<i64: 1, 128>}, {pipeline_mode = #tpu.pipeline_mode<synchronous>, transform_indices = @transform_9, window_bounds = array<i64: 128, 1>}, {pipeline_mode = #tpu.pipeline_mode<synchronous>, transform_indices = @transform_10, window_bounds = array<i64: 1, 1>}, {transform_indices = @transform_11, window_bounds = array<i64: 1024, 1>}]} {
    %get3A = arith.constant 0 : index
    %get3A_0 = arith.constant 0 : index
    %get3A_1 = vector.load %arg4[%get3A, %get3A_0] : memref<1024x1xf32, #tpu.memory_space<vmem>>, vector<1024x1xf32>
    %get3A_2 = arith.constant 0 : index
    %get3A_3 = arith.constant 0 : index
    %get3A_4 = arith.constant 0 : index
    %get3A_5 = vector.load %arg3[%get3A_2, %get3A_3, %get3A_4] : memref<2x1024x128xf32, #tpu.memory_space<vmem>>, vector<1x1024x128xf32>
    %get3A_6 = vector.shape_cast %get3A_5 : vector<1x1024x128xf32> to vector<1024x128xf32>
    %get3A_7 = arith.constant 1 : index
    %get3A_8 = arith.constant 0 : index
    %get3A_9 = arith.constant 0 : index
    %get3A_10 = vector.load %arg3[%get3A_7, %get3A_8, %get3A_9] : memref<2x1024x128xf32, #tpu.memory_space<vmem>>, vector<1x1024x128xf32>
    %get3A_11 = vector.shape_cast %get3A_10 : vector<1x1024x128xf32> to vector<1024x128xf32>
    %add3A = arith.addf %get3A_6, %get3A_11 : vector<1024x128xf32>
    %get3A_12 = arith.constant 0 : index
    %get3A_13 = arith.constant 0 : index
    %get3A_14 = vector.load %arg2[%get3A_12, %get3A_13] : memref<1024x128xf32, #tpu.memory_space<vmem>>, vector<1024x128xf32>
    %add3A_15 = arith.addf %add3A, %get3A_14 : vector<1024x128xf32>
    %mul3A = vector.broadcast %get3A_1 : vector<1024x1xf32> to vector<1024x128xf32>
    %mul3A_16 = arith.mulf %mul3A, %add3A_15 : vector<1024x128xf32>
    %get3A_17 = arith.constant 0 : index
    %get3A_18 = arith.constant 0 : index
    %get3A_19 = vector.load %arg5[%get3A_17, %get3A_18] : memref<1x128xf32, #tpu.memory_space<vmem>>, vector<1x128xf32>
    %add3A_20 = vector.broadcast %get3A_19 : vector<1x128xf32> to vector<1024x128xf32>
    %add3A_21 = arith.addf %mul3A_16, %add3A_20 : vector<1024x128xf32>
    %get3A_22 = arith.constant 0 : index
    %get3A_23 = arith.constant 0 : index
    %get3A_24 = vector.load %arg1[%get3A_22, %get3A_23] : memref<1024x128xf32, #tpu.memory_space<vmem>>, vector<1024x128xf32>
    %add3A_25 = arith.addf %get3A_24, %add3A_21 : vector<1024x128xf32>
    %max3A = arith.constant 0.000000e+00 : f32
    %max3A_26 = vector.broadcast %max3A : f32 to vector<1024x128xf32>
    %max3A_27 = arith.maximumf %add3A_25, %max3A_26 : vector<1024x128xf32>
    %get3A_28 = arith.constant 0 : index
    %get3A_29 = arith.constant 0 : index
    %get3A_30 = vector.load %arg6[%get3A_28, %get3A_29] : memref<128x128xf32, #tpu.memory_space<vmem>>, vector<128x128xf32>
    %dot_general3A = arith.constant dense<0.000000e+00> : vector<1024x128xf32>
    %dot_general3A_31 = tpu.matmul %max3A_27, %get3A_30, %dot_general3A {dimension_numbers = #tpu.dot_dimension_numbers<[1], [0], [0], [1], [0, 0, 1, 1], [], []>, precision = #tpu.contract_precision<fp32>, transpose_lhs_hint = false} : vector<1024x128xf32>, vector<128x128xf32>, vector<1024x128xf32> -> vector<1024x128xf32>
    %get3A_32 = arith.constant 0 : index
    %get3A_33 = arith.constant 0 : index
    %get3A_34 = vector.load %arg7[%get3A_32, %get3A_33] : memref<1x128xf32, #tpu.memory_space<vmem>>, vector<1x128xf32>
    %add3A_35 = vector.broadcast %get3A_34 : vector<1x128xf32> to vector<1024x128xf32>
    %add3A_36 = arith.addf %dot_general3A_31, %add3A_35 : vector<1024x128xf32>
    %max3A_37 = arith.constant 0.000000e+00 : f32
    %max3A_38 = vector.broadcast %max3A_37 : f32 to vector<1024x128xf32>
    %max3A_39 = arith.maximumf %add3A_36, %max3A_38 : vector<1024x128xf32>
    %get3A_40 = arith.constant 0 : index
    %get3A_41 = arith.constant 0 : index
    %get3A_42 = vector.load %arg8[%get3A_40, %get3A_41] : memref<128x128xf32, #tpu.memory_space<vmem>>, vector<128x128xf32>
    %dot_general3A_43 = arith.constant dense<0.000000e+00> : vector<1024x128xf32>
    %dot_general3A_44 = tpu.matmul %max3A_39, %get3A_42, %dot_general3A_43 {dimension_numbers = #tpu.dot_dimension_numbers<[1], [0], [0], [1], [0, 0, 1, 1], [], []>, precision = #tpu.contract_precision<fp32>, transpose_lhs_hint = false} : vector<1024x128xf32>, vector<128x128xf32>, vector<1024x128xf32> -> vector<1024x128xf32>
    %get3A_45 = arith.constant 0 : index
    %get3A_46 = arith.constant 0 : index
    %get3A_47 = vector.load %arg9[%get3A_45, %get3A_46] : memref<1x128xf32, #tpu.memory_space<vmem>>, vector<1x128xf32>
    %add3A_48 = vector.broadcast %get3A_47 : vector<1x128xf32> to vector<1024x128xf32>
    %add3A_49 = arith.addf %dot_general3A_44, %add3A_48 : vector<1024x128xf32>
    %max3A_50 = arith.constant 0.000000e+00 : f32
    %max3A_51 = vector.broadcast %max3A_50 : f32 to vector<1024x128xf32>
    %max3A_52 = arith.maximumf %add3A_49, %max3A_51 : vector<1024x128xf32>
    %get3A_53 = arith.constant 0 : index
    %get3A_54 = arith.constant 0 : index
    %get3A_55 = vector.load %arg10[%get3A_53, %get3A_54] : memref<128x1xf32, #tpu.memory_space<vmem>>, vector<128x1xf32>
    %dot_general3A_56 = arith.constant dense<0.000000e+00> : vector<1024x1xf32>
    %dot_general3A_57 = tpu.matmul %max3A_52, %get3A_55, %dot_general3A_56 {dimension_numbers = #tpu.dot_dimension_numbers<[1], [0], [0], [1], [0, 0, 1, 1], [], []>, precision = #tpu.contract_precision<fp32>, transpose_lhs_hint = false} : vector<1024x128xf32>, vector<128x1xf32>, vector<1024x1xf32> -> vector<1024x1xf32>
    %get3A_58 = arith.constant 0 : index
    %get3A_59 = arith.constant 0 : index
    %get3A_60 = vector.load %arg11[%get3A_58, %get3A_59] : memref<1x1xf32, #tpu.memory_space<vmem>>, vector<1x1xf32>
    %get3A_61 = vector.extract %get3A_60[0, 0] : f32 from vector<1x1xf32>
    %add3A_62 = vector.broadcast %get3A_61 : f32 to vector<1024x1xf32>
    %add3A_63 = arith.addf %dot_general3A_57, %add3A_62 : vector<1024x1xf32>
    %swap3A = arith.constant 0 : index
    %swap3A_64 = arith.constant 0 : index
    %swap3A_65 = vector.load %arg12[%swap3A, %swap3A_64] : memref<1024x1xf32, #tpu.memory_space<vmem>>, vector<1024x1xf32>
    tpu.vector_store %arg12[%swap3A, %swap3A_64], %add3A_63 {strides = array<i32>} : memref<1024x1xf32, #tpu.memory_space<vmem>>, vector<1024x1xf32>,
    return
  }
  func.func @transform_0(%arg0: i32) -> (i32, i32) {
    %c0_i32 = arith.constant 0 : i32
    %c0_i32_0 = arith.constant 0 : i32
    return %arg0, %c0_i32 : i32, i32
  }
  func.func @transform_1(%arg0: i32) -> (i32, i32) {
    %c0_i32 = arith.constant 0 : i32
    %c0_i32_0 = arith.constant 0 : i32
    return %arg0, %c0_i32 : i32, i32
  }
  func.func @transform_2(%arg0: i32) -> (i32, i32, i32) {
    %c0_i32 = arith.constant 0 : i32
    %c0_i32_0 = arith.constant 0 : i32
    %c0_i32_1 = arith.constant 0 : i32
    return %c0_i32, %arg0, %c0_i32_0 : i32, i32, i32
  }
  func.func @transform_3(%arg0: i32) -> (i32, i32) {
    %c0_i32 = arith.constant 0 : i32
    %c0_i32_0 = arith.constant 0 : i32
    return %arg0, %c0_i32 : i32, i32
  }
  func.func @transform_4(%arg0: i32) -> (i32, i32) {
    %c0_i32 = arith.constant 0 : i32
    %c0_i32_0 = arith.constant 0 : i32
    %c0_i32_1 = arith.constant 0 : i32
    return %c0_i32, %c0_i32_0 : i32, i32
  }
  func.func @transform_5(%arg0: i32) -> (i32, i32) {
    %c0_i32 = arith.constant 0 : i32
    %c0_i32_0 = arith.constant 0 : i32
    %c0_i32_1 = arith.constant 0 : i32
    return %c0_i32, %c0_i32_0 : i32, i32
  }
  func.func @transform_6(%arg0: i32) -> (i32, i32) {
    %c0_i32 = arith.constant 0 : i32
    %c0_i32_0 = arith.constant 0 : i32
    %c0_i32_1 = arith.constant 0 : i32
    return %c0_i32, %c0_i32_0 : i32, i32
  }
  func.func @transform_7(%arg0: i32) -> (i32, i32) {
    %c0_i32 = arith.constant 0 : i32
    %c0_i32_0 = arith.constant 0 : i32
    %c0_i32_1 = arith.constant 0 : i32
    return %c0_i32, %c0_i32_0 : i32, i32
  }
  func.func @transform_8(%arg0: i32) -> (i32, i32) {
    %c0_i32 = arith.constant 0 : i32
    %c0_i32_0 = arith.constant 0 : i32
    %c0_i32_1 = arith.constant 0 : i32
    return %c0_i32, %c0_i32_0 : i32, i32
  }
  func.func @transform_9(%arg0: i32) -> (i32, i32) {
    %c0_i32 = arith.constant 0 : i32
    %c0_i32_0 = arith.constant 0 : i32
    %c0_i32_1 = arith.constant 0 : i32
    return %c0_i32, %c0_i32_0 : i32, i32
  }
  func.func @transform_10(%arg0: i32) -> (i32, i32) {
    %c0_i32 = arith.constant 0 : i32
    %c0_i32_0 = arith.constant 0 : i32
    %c0_i32_1 = arith.constant 0 : i32
    return %c0_i32, %c0_i32_0 : i32, i32
  }
  func.func @transform_11(%arg0: i32) -> (i32, i32) {
    %c0_i32 = arith.constant 0 : i32
    %c0_i32_0 = arith.constant 0 : i32
    return %arg0, %c0_i32 : i32, i32
  }
}

</mosaic_0001>

<sc_bundles>
// kernel: kernel.12.cloned.1.call-start
scs
__scs_entry_jumppad:
0x0: {  	(pc) =	sbr.rel $0x88, $3  }
0x1: {  	(tag) =	ssettag $0x0;
	lr =	simm.s32 $0x1  }
0x2: {  	[smem:$0x3F96] =	sst lr;
	_ =	strace $0xD0000000  }
0x3: {  	_ = 	snop  }
0x4: {  	_ = 	snop  }
0x5: {  	_ = 	snop  }
0x6: {  	_ = 	snop  }
0x7: {  	_ = 	snop  }
__scs_overlays_trampoline_lowered:
0x8: {  	[smem:$0x3FA5] =	sst s0  }
0x9: {  	[smem:$0x3FA6] =	sst s1  }
0xa: {  	[smem:$0x3FA7] =	sst s2  }
0xb: {  	[smem:$0x3FA8] =	sst s3  }
0xc: {  	[smem:$0x3FA9] =	sst s4  }
0xd: {  	[smem:$0x3FAA] =	sst s5  }
0xe: {  	[smem:$0x3FAB] =	sst s6  }
0xf: {  	[smem:$0x3FAC] =	sst s7  }
0x10: {  	[smem:$0x3FAD] =	sst s8  }
0x11: {  	[smem:$0x3FAE] =	sst s9;
	s0 =	simm.s32 @!p0 $0x0  }
0x12: {  	s1 =	sld [smem:$0x3F94];
	s0 =	simm.s32 @p0 $0x1  }
0x13: {  	[smem:$0x3FAF] =	sst s0;
	s0 =	simm.s32 @!p1 $0x0  }
0x14: {  	s2 =	sld [smem:$0x3F93];
	s0 =	simm.s32 @p1 $0x1  }
0x15: {  	[smem:$0x3FB0] =	sst s0;
	s0 =	simm.s32 @!p2 $0x0  }
0x16: {  	s3 =	sld [smem:$0x3FDB];
	s0 =	simm.s32 @p2 $0x1  }
0x17: {  	s4 =	simm.s32 $0x1BF5;
	[smem:$0x3FB2] =	sst s0  }
0x18: {  	s0 =	sld [smem:$0x3F95];
	_ =	swait.ge [sflag:s4], $0x0  }
0x19: {  	s7 =	sld [smem:$0x3F96]  }
0x1a: {  	s8 =	sadd.s32 $0xFFFFE003, lr  }
0x1b: {  	s9 =	sadd.s32 $0xFFFFFEF7, lr;
	s5 =	simm.s32 $0xFFFFFFFF;
	p2 =	slt.u32 s8, $0xFFFFF086  }
0x1c: {  	p1 =	slt.u32 s9, $0xF7A;
	s5 =	simm.s32 @!p2 $0x0  }
0x1d: {  	s5 =	simm.s32 @p1 $0x1;
	p0 =	seq.s32 s7, s2  }
0x1e: {  	s7 =	smul.u32 @!p0 $0xF7A, s2;
	p2 =	seq.s32 @!p0 s5, $0x0  }
0x1f: {  	s9 =	smul.u32 $0xF7A, s1;
	s8 =	simm.s32 @!p0 $0x1BF5;
	p2 =	por !p2, p0  }
0x20: {  	[sflag:s8] =	ssyncset.s32 @!p0 $0xFFFFF086;
	s6 =	sadd.s32 @!p0 s3, s7;
	s7 =	simm.s32 @!p0 $0x108  }
0x21: {  	s3 =	sadd.s32 s3, s9;
	s6 =	sadd.s32 @!p0 $0x88, s6;
	s7 =	simm.s32 @p2 $0x1082  }
0x22: {  	[simem:s7], [sflag:s8] =	dma.local @!p0 [hbm:s6], $0xF7A  }
0x23: {  	s9 =	sor.u32 $0xD0000000, s2;
	s6 =	simm.s32 $0x108;
	_ =	swait.ge @!p0 [sflag:s8], $0x0  }
0x24: {  	s3 =	sadd.s32 $0x88, s3;
	s6 =	simm.s32 @!p1 $0x1082;
	[sflag:s4] =	ssyncset.s32 $0xFFFFF086  }
0x25: {  	[simem:s6], [sflag:s4] =	dma.local [hbm:s3], $0xF7A  }
0x26: {  	[smem:$0x3F96] =	sst s1;
	(tag) =	ssettag s2;
	_ =	strace s9  }
0x27: {  	s1 =	sld [smem:$0x3FA6]  }
0x28: {  	s2 =	sld [smem:$0x3FA7]  }
0x29: {  	s4 =	sld [smem:$0x3FA9]  }
0x2a: {  	p0 =	seq.s32 s5, $0x0;
	s5 =	sld [smem:$0x3FAA]  }
0x2b: {  	s6 =	sld [smem:$0x3FAB]  }
0x2c: {  	s7 =	sld [smem:$0x3FAC]  }
0x2d: {  	s3 =	simm.s32 $0x108;
	s8 =	sld [smem:$0x3FAD]  }
0x2e: {  	s3 =	simm.s32 @!p0 $0x1082;
	s9 =	sld [smem:$0x3FAE]  }
0x2f: {  	lr =	sadd.s32 s0, s3;
	s0 =	sld [smem:$0x3FA5]  }
0x30: {  	s3 =	sld [smem:$0x3FA8]  }
0x31: {  	[smem:$0x3FB1] =	sst s10  }
0x32: {  	s10 =	sld [smem:$0x3FAF];
	_ =	sdelay $0x3  }
0x33: {  	p0 =	seq.s32 s10, $0x1;
	s10 =	sld [smem:$0x3FB1];
	_ =	sdelay $0x3  }
0x34: {  	[smem:$0x3FB1] =	sst s10  }
0x35: {  	s10 =	sld [smem:$0x3FB0];
	_ =	sdelay $0x3  }
0x36: {  	p1 =	seq.s32 s10, $0x1;
	s10 =	sld [smem:$0x3FB1];
	_ =	sdelay $0x3  }
0x37: {  	[smem:$0x3FB1] =	sst s10  }
0x38: {  	s10 =	sld [smem:$0x3FB2]  }
0x39: {  	_ = 	snop;
	(pc) =	sbr.ind lr, $3  }
0x3a: {  	_ = 	snop  }
0x3b: {  	_ = 	snop  }
0x3c: {  	p2 =	seq.s32 s10, $0x1;
	s10 =	sld [smem:$0x3FB1]  }
0x3d: {  	_ =	shalt  }
0x3e: {  	_ =	shalt  }
0x3f: {  	_ =	shalt  }
0x40: {  	_ =	shalt  }
0x41: {  	_ =	shalt  }
0x42: {  	_ =	shalt  }
0x43: {  	_ =	shalt  }
0x44: {  	_ =	shalt  }
0x45: {  	_ =	shalt  }
0x46: {  	_ =	shalt  }
0x47: {  	_ =	shalt  }
0x48: {  	_ =	shalt  }
0x49: {  	_ =	shalt  }
0x4a: {  	_ =	shalt  }
0x4b: {  	_ =	shalt  }
0x4c: {  	_ =	shalt  }
0x4d: {  	_ =	shalt  }
0x4e: {  	_ =	shalt  }
0x4f: {  	_ =	shalt  }
0x50: {  	_ =	shalt  }
0x51: {  	_ =	shalt  }
0x52: {  	_ =	shalt  }
0x53: {  	_ =	shalt  }
0x54: {  	_ =	shalt  }
0x55: {  	_ =	shalt  }
0x56: {  	_ =	shalt  }
0x57: {  	_ =	shalt  }
0x58: {  	_ =	shalt  }
0x59: {  	_ =	shalt  }
0x5a: {  	_ =	shalt  }
0x5b: {  	_ =	shalt  }
0x5c: {  	_ =	shalt  }
0x5d: {  	_ =	shalt  }
0x5e: {  	_ =	shalt  }
0x5f: {  	_ =	shalt  }
0x60: {  	_ =	shalt  }
0x61: {  	_ =	shalt  }
0x62: {  	_ =	shalt  }
0x63: {  	_ =	shalt  }
0x64: {  	_ =	shalt  }
0x65: {  	_ =	shalt  }
0x66: {  	_ =	shalt  }
0x67: {  	_ =	shalt  }
0x68: {  	_ =	shalt  }
0x69: {  	_ =	shalt  }
0x6a: {  	_ =	shalt  }
0x6b: {  	_ =	shalt  }
0x6c: {  	_ =	shalt  }
0x6d: {  	_ =	shalt  }
0x6e: {  	_ =	shalt  }
0x6f: {  	_ =	shalt  }
0x70: {  	_ =	shalt  }
0x71: {  	_ =	shalt  }
0x72: {  	_ =	shalt  }
0x73: {  	_ =	shalt  }
0x74: {  	_ =	shalt  }
0x75: {  	_ =	shalt  }
0x76: {  	_ =	shalt  }
0x77: {  	_ =	shalt  }
0x78: {  	_ =	shalt  }
0x79: {  	_ =	shalt  }
0x7a: {  	_ =	shalt  }
0x7b: {  	_ =	shalt  }
0x7c: {  	_ =	shalt  }
0x7d: {  	_ =	shalt  }
0x7e: {  	_ =	shalt  }
0x7f: {  	_ =	shalt  }
0x80: {  	_ =	shalt  }
0x81: {  	_ =	shalt  }
0x82: {  	_ =	shalt  }
0x83: {  	_ =	shalt  }
0x84: {  	_ =	shalt  }
0x85: {  	_ =	shalt  }
0x86: {  	_ =	shalt  }
0x87: {  	_ =	shalt  }
.Lfunc_end0:
.L_simem_size_0:
called_computation_lowered:
.L_overlay_start_0:
0x88: {  	s2 =	sld [smem:$0x3FD9]  }
0x89: {  	s3 =	sld [smem:$0x3FFE];
	_ =	sdelay $0x1  }
0x8a: {  	s1 =	srdreg.scid  }
0x8b: {  	s0 =	sand.u32 $0x1, s1  }
0x8c: {  	s16 =	sshll.u32 s0, $0xA;
	s2 =	sadd.s32 s3, s2  }
0x8d: {  	s2 =	sadd.s32 s2, s16  }
0x8e: {  	[smem:$0x3FBD] =	sst s2  }
0x8f: {  	_ = 	snop  }
0x90: {  	(tm) =	ssettm $0x1  }
0x91: {  	s17 =	sld [smem:$0x3FFB];
	_ =	sdelay $0x3  }
0x92: {  	_ =	strace s17  }
0x93: {  	s2 =	sld [smem:$0x3FFC];
	_ =	sdelay $0x3  }
0x94: {  	_ =	strace s2  }
0x95: {  	s2 =	sld [smem:$0x3FFD];
	_ =	sdelay $0x3  }
0x96: {  	_ =	strace s2  }
0x97: {  	_ =	strace $0x8FFFFFFF  }
0x98: {  	s18 =	sld [smem:$0x3FDB];
	_ =	sdelay $0x1  }
0x99: {  	s19 =	simm.s32 $_scs_section_size  }
0x9a: {  	s4 =	simm.s32 $_size__tile_overlayer_lowered;
	s5 =	simm.s32 $_tile_overlayer_lowered  }
0x9b: {  	s22 =	simm.s32 $0x1BFF;
	s21 =	sshll.u32 s5, $0x1;
	s2 =	sadd.s32 s19, s18  }
0x9c: {  	s6 =	simm.s32 $0x0;
	s20 =	sshll.u32 s4, $0x1;
	s4 =	sadd.s32 s21, s2  }
0x9d: {  	[timem:s6], [sflag:s22] =	dma.local [hbm:s4], s20  }
0x9e: {  	_ =	swait.ge [sflag:s22], s20  }
0x9f: {  	s3 =	ssub.s32 $0x0, s20;
	[sflag:s22] =	ssyncset.done $0x0  }
0xa0: {  	[sflag:s22] =	ssyncadd.s32 s3;
	_ =	sdelay $0x1  }
0xa1: {  	s23 =	simm.s32 $0x1B8B  }
0xa2: {  	_ =	swait.ge [sflag:s23], $0x1  }
0xa3: {  	[sflag:s23] =	ssyncset.done $0x0  }
0xa4: {  	s25 =	simm.s32 $0x1B8E;
	s24 =	sld [smem:$0x3FFE];
	[sflag:s23] =	ssyncadd.s32 $0xFFFFFFFF  }
0xa5: {  	s26 =	simm.s32 $execute0_lowered;
	[smem:$0x3FD2] =	sst s25  }
0xa6: {  	s4 =	sshll.u32 s26, $0x1;
	_ =	strace $0x80000046;
	[dreg:$0x1] =	wrdreg $0xFFFFFFFF  }
0xa7: {  	s28 =	simm.s32 $_size_execute0_lowered;
	s2 =	sadd.s32 s2, s4;
	[dreg:$0x0] =	wrdreg $0x0  }
0xa8: {  	s4 =	sshll.u32 s28, $0x1;
	[dreg:$0x2] =	wrdreg s2  }
0xa9: {  	[dreg:$0x3] =	wrdreg s4  }
0xaa: {  	[dreg:$0x4] =	wrdreg $0xC0  }
0xab: {  	_ =	task [dreg:s6], $0x5FFFF  }
0xac: {  	[dreg:$0x1] =	wrdreg $0xFFFFFFFF  }
0xad: {  	[dreg:$0x0] =	wrdreg $0x60  }
0xae: {  	[dreg:$0x2] =	wrdreg s24  }
0xaf: {  	[dreg:$0x3] =	wrdreg $0x81000  }
0xb0: {  	[dreg:$0x4] =	wrdreg $0x9  }
0xb1: {  	_ =	task.clear_ibuf [dreg:s6], $0x5FFFF;
	_ =	strace $0x90000046  }
0xb2: {  	s29 =	simm.s32 $0x9;
	_ =	strace $0x80000048  }
0xb3: {  	_ =	swait.ge [sflag:s29], $0x1  }
0xb4: {  	[sflag:s29] =	ssyncadd.s32 $0xFFFFFFFF  }
0xb5: {  	_ =	strace $0x90000048  }
0xb6: {  	_ =	sfence  }
0xb7: {  	s30 =	sld [smem:$0x0];
	_ =	sdelay $0x2  }
0xb8: {  	s31 =	sshll.u32 s1, $0xD;
	s1 =	sshrl.u32 s1, $0x2  }
0xb9: {  	s3 =	sand.u32 $0x4000, s31;
	s1 =	sadd.s32 s1, s30  }
0xba: {  	s0 =	sor.u32 s3, s0;
	s1 =	sshll.u32 s1, $0x11  }
0xbb: {  	s0 =	sor.u32 s1, s0  }
0xbc: {  	s0 =	sadd.s32 $0x8F2B, s0  }
0xbd: {  	[sflag:s0] =	ssyncadd.remote.s32 $0x1  }
0xbe: {  	_ =	sfence.sel $0xFFFF  }
0xbf: {  	[dreg:$0x0] =	wrdreg $0xFFFFFFFF;
	(pc) =	sbr.abs _section_cstart, $3  }
0xc0: {  	[dreg:$0x1] =	wrdreg $0xFFFFFFFF  }
0xc1: {  	_ =	task.clear_ibuf [dreg:s6], $0x2FFFF;
	_ =	strace $0x9FFFFFFF  }
0xc2: {  	(tm) =	ssettm $0x7FFFFFFF  }
0xc3: {  	_ =	shalt  }
tec
execute0_lowered:
.L_overlay_start_1:
0x0: {  	(tag) =	ssettag $0x1  }
0x1: {  	s6 =	rddreg [dreg:$0x0]  }
0x2: {  	s1 =	rddreg [dreg:$0x1];
	s2 =	srdreg.scid  }
0x3: {  	s0 =	rddreg [dreg:$0x2];
	s3 =	simm.s32 $0x0;
	s19 =	simm.s32 $0x100  }
0x4: {  	s20 =	simm.s32 $0x80;
	s21 =	simm.s32 $0x1;
	s7 =	sand.u32 $0x1, s2  }
0x5: {  	s22 =	simm.s32 $0x2;
	s2 =	stileid.u32;
	s8 =	smul.u32 $0x140000, s7  }
0x6: {  	s25 =	simm.s32 $0x0;
	[smem:$0x7FF] =	sst s3;
	s9 =	smul.u32 $0x14000, s2  }
0x7: {  	s16 =	sadd.s32 $0x4400, s6;
	s4 =	sadd.s32 $0xEC00, s6;
	s10 =	smul.u32 $0x50000, s2  }
0x8: {  	s5 =	sadd.s32 $0xE400, s6;
	_ =	strace $0x80000047;
	s15 =	smul.u32 $0x28000, s7  }
0x9: {  	s26 =	sshll.u32 s7, $0x4;
	s28 =	ssub.s32 $0x2, s7;
	s17 =	smul.u32 $0x2800, s2  }
0xa: {  	s23 =	sshll.u32 s2, $0x6;
	s29 =	sor.u32 s2, s26;
	s30 =	sshrl.u32 s28, $0x1  }
0xb: {  	s23 =	sor.u32 $0x1C03, s23;
	s8 =	sadd.s32 s9, s8;
	s10 =	sshrl.u32 s10, $0x2  }
0xc: {  	s14 =	ssub.s32 s28, s30;
	s15 =	sadd.s32 s17, s15;
	s8 =	sshrl.u32 s8, $0x3  }
0xd: {  	s17 =	sor.u32 $0x180, s15;
	s15 =	sor.u32 $0x100, s15;
	s14 =	smax.u32 s14, $0x1  }
0xe: {  	s13 =	sadd.s32 s8, s6;
	s8 =	smul.u32 $0x2800, s29;
	s6 =	sadd.s32 s10, s1  }
0xf: {  	s17 =	sshrl.u32 s17, $0x3;
	s18 =	sshrl.u32 s15, $0x3;
	s7 =	sadd.s32 $0x4000, s6  }
0x10: {  	s9 =	sadd.s32 $0xC000, s6;
	s11 =	sadd.s32 $0x10000, s6;
	s13 =	sadd.s32 $0xF400, s13  }
0x11: {  	s15 =	sadd.s32 s17, s16;
	s17 =	simm.s32 $0x4100;
	s31 =	sshrl.u32 s8, $0x3  }
0x12: {  	s24 =	sshrl.u32 s6, $0x3;
	s8 =	sadd.s32 $0x8000, s6;
	s10 =	sadd.s32 s16, s31  }
0x13: {  	s16 =	sadd.s32 s18, s16;
	s18 =	simm.s32 $0x3;
	s12 =	sadd.s32 $0x10, s10  }
.LBB2_1:
0x14: {  	[tilespmem:s17], [sflag:$0x3] =	stream.linear.gather [hbm4b:s5+s3], $0x4000, $0x38;
	[tilespmem:$0x1C100] =	vst v63  }
0x15: {  	_ =	swait.ge [sflag:s18], $0x4000  }
0x16: {  	[sflag:s18] =	ssyncset.done $0x0  }
0x17: {  	[sflag:s18] =	ssyncadd.s32 $0xFFFFC000  }
0x18: {  	[spmem:s6] =	stream.linear.scatter [tilespmem:s17], [sflag:$0x3], $0x4000, $0x38;
	[tilespmem:$0x1C100] =	vst v63  }
0x19: {  	_ =	swait.ge [sflag:s18], $0x4000  }
0x1a: {  	[sflag:s18] =	ssyncset.done $0x0  }
0x1b: {  	[sflag:s18] =	ssyncadd.s32 $0xFFFFC000  }
0x1c: {  	[spmem:s7] =	stream.linear.scatter [tilespmem:s17], [sflag:$0x3], $0x4000, $0x38;
	[tilespmem:$0x1C100] =	vst v63  }
0x1d: {  	_ =	swait.ge [sflag:s18], $0x4000  }
0x1e: {  	[sflag:s18] =	ssyncset.done $0x0  }
0x1f: {  	[sflag:s18] =	ssyncadd.s32 $0xFFFFC000  }
0x20: {  	[spmem:s8] =	stream.linear.scatter [tilespmem:s17], [sflag:$0x3], $0x4000, $0x38;
	[tilespmem:$0x1C100] =	vst v63  }
0x21: {  	_ =	swait.ge [sflag:s18], $0x4000  }
0x22: {  	[sflag:s18] =	ssyncset.done $0x0  }
0x23: {  	[sflag:s18] =	ssyncadd.s32 $0xFFFFC000  }
0x24: {  	[spmem:s9] =	stream.linear.scatter [tilespmem:s17], [sflag:$0x3], $0x4000, $0x38;
	[tilespmem:$0x1C100] =	vst v63  }
0x25: {  	_ =	swait.ge [sflag:s18], $0x4000  }
0x26: {  	[sflag:s18] =	ssyncset.done $0x0  }
0x27: {  	[sflag:s18] =	ssyncadd.s32 $0xFFFFC000  }
0x28: {  	[spmem:s11] =	stream.linear.scatter [tilespmem:s17], [sflag:$0x3], $0x4000, $0x38;
	[tilespmem:$0x1C100] =	vst v63  }
0x29: {  	_ =	swait.ge [sflag:s18], $0x4000  }
0x2a: {  	[sflag:s18] =	ssyncset.done $0x0  }
0x2b: {  	[sflag:s18] =	ssyncadd.s32 $0xFFFFC000  }
0x2c: {  	[tilespmem:s19], [sflag:$0x3] =	stream.linear.gather [hbm4b:s4+s3], $0x4000, $0x38;
	[tilespmem:$0x1C100] =	vst v63  }
0x2d: {  	_ =	swait.ge [sflag:s18], $0x4000  }
0x2e: {  	[sflag:s18] =	ssyncset.done $0x0  }
0x2f: {  	[sflag:s18] =	ssyncadd.s32 $0xFFFFC000  }
0x30: {  	[bflag:$0x0] =	sbarrier.arrive $0xFFFF  }
0x31: {  	[tilespmem:s3], [sflag:$0x3] =	stream.linear.gather [hbm4b:s10+s3], $0x80, $0x38;
	[tilespmem:$0x1C100] =	vst v63  }
0x32: {  	_ =	swait.ge [sflag:s18], $0x80  }
0x33: {  	[sflag:s18] =	ssyncset.done $0x0  }
0x34: {  	[sflag:s18] =	ssyncadd.s32 $0xFFFFFF80  }
0x35: {  	[spmem:s1] =	stream.indirect.scatter.add.f32 [tilespmem:s19], [sflag:$0x1], $0x80, s3, s20, $0xb8;
	[tilespmem:$0x1C100] =	vst v63  }
0x36: {  	_ = 	snop  }
0x37: {  	[tilespmem:s20], [sflag:$0x3] =	stream.linear.gather [hbm4b:s12+s3], $0x80, $0x38;
	[tilespmem:$0x1C100] =	vst v63  }
0x38: {  	_ =	swait.ge [sflag:s18], $0x80  }
0x39: {  	[sflag:s18] =	ssyncset.done $0x0  }
0x3a: {  	[sflag:s18] =	ssyncadd.s32 $0xFFFFFF80  }
0x3b: {  	[spmem:s1] =	stream.indirect.scatter.add.f32 [tilespmem:s19], [sflag:$0x2], $0x80, s20, s20, $0xb8;
	[tilespmem:$0x1C100] =	vst v63  }
0x3c: {  	_ =	swait.ge [sflag:s21], $0x4000  }
0x3d: {  	[sflag:s21] =	ssyncset.done $0x0  }
0x3e: {  	s26 =	sadd.s32 $0x0, s16;
	[sflag:s21] =	ssyncadd.s32 $0xFFFFC000  }
0x3f: {  	[tilespmem:s3], [sflag:$0x3] =	stream.linear.gather [hbm4b:s26+s3], $0x80, $0x38;
	[tilespmem:$0x1C100] =	vst v63  }
0x40: {  	_ =	swait.ge [sflag:s18], $0x80  }
0x41: {  	[sflag:s18] =	ssyncset.done $0x0  }
0x42: {  	[sflag:s18] =	ssyncadd.s32 $0xFFFFFF80  }
0x43: {  	[spmem:s1] =	stream.indirect.scatter.add.f32 [tilespmem:s19], [sflag:$0x1], $0x80, s3, s20, $0xb8;
	[tilespmem:$0x1C100] =	vst v63  }
0x44: {  	_ =	swait.ge [sflag:s22], $0x4000  }
0x45: {  	[sflag:s22] =	ssyncset.done $0x0  }
0x46: {  	s31 =	sadd.s32 $0x0, s15;
	[sflag:s22] =	ssyncadd.s32 $0xFFFFC000  }
0x47: {  	[tilespmem:s20], [sflag:$0x3] =	stream.linear.gather [hbm4b:s31+s3], $0x80, $0x38;
	[tilespmem:$0x1C100] =	vst v63  }
0x48: {  	_ =	swait.ge [sflag:s18], $0x80  }
0x49: {  	[sflag:s18] =	ssyncset.done $0x0  }
0x4a: {  	s26 =	simm.s32 $0x20;
	[sflag:s18] =	ssyncadd.s32 $0xFFFFFF80  }
.LBB2_2:
0x4b: {  	[spmem:s1] =	stream.indirect.scatter.add.f32 [tilespmem:s19], [sflag:$0x2], $0x80, s20, s20, $0xb8;
	[tilespmem:$0x1C100] =	vst v63  }
0x4c: {  	s28 =	smov.u32 s26  }
0x4d: {  	p0 =	sne.s32 s26, $0x4C0;
	s26 =	sadd.s32 $0x20, s26;
	_ =	swait.ge [sflag:s21], $0x4000  }
0x4e: {  	[sflag:s21] =	ssyncset.done $0x0  }
0x4f: {  	s29 =	sadd.s32 s28, s16;
	[sflag:s21] =	ssyncadd.s32 $0xFFFFC000  }
0x50: {  	[tilespmem:s3], [sflag:$0x3] =	stream.linear.gather [hbm4b:s29+s3], $0x80, $0x38;
	[tilespmem:$0x1C100] =	vst v63  }
0x51: {  	_ =	swait.ge [sflag:s18], $0x80  }
0x52: {  	[sflag:s18] =	ssyncset.done $0x0  }
0x53: {  	[sflag:s18] =	ssyncadd.s32 $0xFFFFFF80  }
0x54: {  	[spmem:s1] =	stream.indirect.scatter.add.f32 [tilespmem:s19], [sflag:$0x1], $0x80, s3, s20, $0xb8;
	[tilespmem:$0x1C100] =	vst v63  }
0x55: {  	_ =	swait.ge [sflag:s22], $0x4000  }
0x56: {  	[sflag:s22] =	ssyncset.done $0x0  }
.Ltmp0:
0x57: {  	s28 =	sadd.s32 s28, s15;
	[sflag:s22] =	ssyncadd.s32 $0xFFFFC000;
	(pc) =	sbr.rel @p0 .LBB2_2-.Ltmp0, $4  }
0x58: {  	[tilespmem:s20], [sflag:$0x3] =	stream.linear.gather [hbm4b:s28+s3], $0x80, $0x38;
	[tilespmem:$0x1C100] =	vst v63  }
0x59: {  	_ =	swait.ge [sflag:s18], $0x80  }
0x5a: {  	[sflag:s18] =	ssyncset.done $0x0  }
0x5b: {  	[sflag:s18] =	ssyncadd.s32 $0xFFFFFF80  }
0x5c: {  	[spmem:s1] =	stream.indirect.scatter.add.f32 [tilespmem:s19], [sflag:$0x2], $0x80, s20, s20, $0xb8;
	[tilespmem:$0x1C100] =	vst v63  }
0x5d: {  	_ =	swait.ge [sflag:s21], $0x4000  }
0x5e: {  	[sflag:s21] =	ssyncset.done $0x0  }
0x5f: {  	[sflag:s21] =	ssyncadd.s32 $0xFFFFC000  }
0x60: {  	_ =	swait.ge [sflag:s22], $0x4000  }
0x61: {  	s25 =	sadd.s32 $0x1, s25;
	[sflag:s22] =	ssyncset.done $0x0  }
0x62: {  	p0 =	sne.s32 s25, s14;
	[sflag:s22] =	ssyncadd.s32 $0xFFFFC000  }
.Ltmp1:
0x63: {  	[bflag:$0x0] =	sbarrier.arrive $0xFFFF;
	(pc) =	sbr.rel @p0 .LBB2_1-.Ltmp1, $4  }
0x64: {  	[hbm:s13], [sflag:s23] =	dma.local [spmem:s24], $0x2800  }
0x65: {  	_ =	swait.ge [sflag:s18], $0x2800  }
0x66: {  	[sflag:s18] =	ssyncset.done $0x0  }
0x67: {  	[sflag:s18] =	ssyncadd.s32 $0xFFFFD800  }
0x68: {  	_ =	sfence.sel $0x180000  }
0x69: {  	[bflag:$0x0] =	sbarrier.arrive $0xFFFF  }
0x6a: {  	p0 =	sne.s32 s2, $0x0;
	_ =	strace $0x90000047  }
0x6b: {  	s0 =	sadd.s32 @!p0 $0x100000, s0;
	[bflag:$0x2] =	sbarrier.arrive $0xFFFF  }
0x6c: {  	[sflag:s0] =	ssyncadd.tile.s32 @!p0 $0x1;
	_ =	shalt  }
.Lfunc_end2:
_tile_overlayer_lowered:
.L_overlay_start_2:
0x6d: {  	(tag) =	ssettag $0x2  }
0x6e: {  	s0 =	rddreg [dreg:$0x0];
	s2 =	stileid.u32  }
0x6f: {  	s1 =	rddreg [dreg:$0x1];
	p0 =	sne.s32 s2, $0x0  }
0x70: {  	s3 =	rddreg [dreg:$0x2];
	[bflag:$0x3] =	sbarrier.arrive $0xFFFF;
	s2 =	simm.s32 @!p0 $0x1C03  }
0x71: {  	[timem:s3], [sflag:s2] =	dma.local @!p0 [hbm:s0], s1  }
0x72: {  	s0 =	simm.s32 @!p0 $0x3  }
0x73: {  	_ =	swait.ge @!p0 [sflag:s0], s1  }
0x74: {  	s1 =	ssub.s32 @!p0 $0x0, s1;
	[sflag:s0] =	ssyncset.done @!p0 $0x0  }
0x75: {  	[sflag:s0] =	ssyncadd.s32 @!p0 s1  }
0x76: {  	[bflag:$0x3] =	sbarrier.arrive $0xFFFF  }
0x77: {  	_ =	shalt  }

// kernel: kernel.15.cloned.1.call-start
scs
__scs_entry_jumppad:
0x0: {  	(pc) =	sbr.rel $0x88, $3  }
0x1: {  	(tag) =	ssettag $0x0;
	lr =	simm.s32 $0x1  }
0x2: {  	[smem:$0x3F96] =	sst lr;
	_ =	strace $0xD0000000  }
0x3: {  	_ = 	snop  }
0x4: {  	_ = 	snop  }
0x5: {  	_ = 	snop  }
0x6: {  	_ = 	snop  }
0x7: {  	_ = 	snop  }
__scs_overlays_trampoline_lowered:
0x8: {  	[smem:$0x3FA5] =	sst s0  }
0x9: {  	[smem:$0x3FA6] =	sst s1  }
0xa: {  	[smem:$0x3FA7] =	sst s2  }
0xb: {  	[smem:$0x3FA8] =	sst s3  }
0xc: {  	[smem:$0x3FA9] =	sst s4  }
0xd: {  	[smem:$0x3FAA] =	sst s5  }
0xe: {  	[smem:$0x3FAB] =	sst s6  }
0xf: {  	[smem:$0x3FAC] =	sst s7  }
0x10: {  	[smem:$0x3FAD] =	sst s8  }
0x11: {  	[smem:$0x3FAE] =	sst s9;
	s0 =	simm.s32 @!p0 $0x0  }
0x12: {  	s1 =	sld [smem:$0x3F94];
	s0 =	simm.s32 @p0 $0x1  }
0x13: {  	[smem:$0x3FAF] =	sst s0;
	s0 =	simm.s32 @!p1 $0x0  }
0x14: {  	s2 =	sld [smem:$0x3F93];
	s0 =	simm.s32 @p1 $0x1  }
0x15: {  	[smem:$0x3FB0] =	sst s0;
	s0 =	simm.s32 @!p2 $0x0  }
0x16: {  	s3 =	sld [smem:$0x3FDB];
	s0 =	simm.s32 @p2 $0x1  }
0x17: {  	s4 =	simm.s32 $0x1BF5;
	[smem:$0x3FB2] =	sst s0  }
0x18: {  	s0 =	sld [smem:$0x3F95];
	_ =	swait.ge [sflag:s4], $0x0  }
0x19: {  	s7 =	sld [smem:$0x3F96]  }
0x1a: {  	s8 =	sadd.s32 $0xFFFFE003, lr  }
0x1b: {  	s9 =	sadd.s32 $0xFFFFFEF7, lr;
	s5 =	simm.s32 $0xFFFFFFFF;
	p2 =	slt.u32 s8, $0xFFFFF086  }
0x1c: {  	p1 =	slt.u32 s9, $0xF7A;
	s5 =	simm.s32 @!p2 $0x0  }
0x1d: {  	s5 =	simm.s32 @p1 $0x1;
	p0 =	seq.s32 s7, s2  }
0x1e: {  	s7 =	smul.u32 @!p0 $0xF7A, s2;
	p2 =	seq.s32 @!p0 s5, $0x0  }
0x1f: {  	s9 =	smul.u32 $0xF7A, s1;
	s8 =	simm.s32 @!p0 $0x1BF5;
	p2 =	por !p2, p0  }
0x20: {  	[sflag:s8] =	ssyncset.s32 @!p0 $0xFFFFF086;
	s6 =	sadd.s32 @!p0 s3, s7;
	s7 =	simm.s32 @!p0 $0x108  }
0x21: {  	s3 =	sadd.s32 s3, s9;
	s6 =	sadd.s32 @!p0 $0x88, s6;
	s7 =	simm.s32 @p2 $0x1082  }
0x22: {  	[simem:s7], [sflag:s8] =	dma.local @!p0 [hbm:s6], $0xF7A  }
0x23: {  	s9 =	sor.u32 $0xD0000000, s2;
	s6 =	simm.s32 $0x108;
	_ =	swait.ge @!p0 [sflag:s8], $0x0  }
0x24: {  	s3 =	sadd.s32 $0x88, s3;
	s6 =	simm.s32 @!p1 $0x1082;
	[sflag:s4] =	ssyncset.s32 $0xFFFFF086  }
0x25: {  	[simem:s6], [sflag:s4] =	dma.local [hbm:s3], $0xF7A  }
0x26: {  	[smem:$0x3F96] =	sst s1;
	(tag) =	ssettag s2;
	_ =	strace s9  }
0x27: {  	s1 =	sld [smem:$0x3FA6]  }
0x28: {  	s2 =	sld [smem:$0x3FA7]  }
0x29: {  	s4 =	sld [smem:$0x3FA9]  }
0x2a: {  	p0 =	seq.s32 s5, $0x0;
	s5 =	sld [smem:$0x3FAA]  }
0x2b: {  	s6 =	sld [smem:$0x3FAB]  }
0x2c: {  	s7 =	sld [smem:$0x3FAC]  }
0x2d: {  	s3 =	simm.s32 $0x108;
	s8 =	sld [smem:$0x3FAD]  }
0x2e: {  	s3 =	simm.s32 @!p0 $0x1082;
	s9 =	sld [smem:$0x3FAE]  }
0x2f: {  	lr =	sadd.s32 s0, s3;
	s0 =	sld [smem:$0x3FA5]  }
0x30: {  	s3 =	sld [smem:$0x3FA8]  }
0x31: {  	[smem:$0x3FB1] =	sst s10  }
0x32: {  	s10 =	sld [smem:$0x3FAF];
	_ =	sdelay $0x3  }
0x33: {  	p0 =	seq.s32 s10, $0x1;
	s10 =	sld [smem:$0x3FB1];
	_ =	sdelay $0x3  }
0x34: {  	[smem:$0x3FB1] =	sst s10  }
0x35: {  	s10 =	sld [smem:$0x3FB0];
	_ =	sdelay $0x3  }
0x36: {  	p1 =	seq.s32 s10, $0x1;
	s10 =	sld [smem:$0x3FB1];
	_ =	sdelay $0x3  }
0x37: {  	[smem:$0x3FB1] =	sst s10  }
0x38: {  	s10 =	sld [smem:$0x3FB2]  }
0x39: {  	_ = 	snop;
	(pc) =	sbr.ind lr, $3  }
0x3a: {  	_ = 	snop  }
0x3b: {  	_ = 	snop  }
0x3c: {  	p2 =	seq.s32 s10, $0x1;
	s10 =	sld [smem:$0x3FB1]  }
0x3d: {  	_ =	shalt  }
0x3e: {  	_ =	shalt  }
0x3f: {  	_ =	shalt  }
0x40: {  	_ =	shalt  }
0x41: {  	_ =	shalt  }
0x42: {  	_ =	shalt  }
0x43: {  	_ =	shalt  }
0x44: {  	_ =	shalt  }
0x45: {  	_ =	shalt  }
0x46: {  	_ =	shalt  }
0x47: {  	_ =	shalt  }
0x48: {  	_ =	shalt  }
0x49: {  	_ =	shalt  }
0x4a: {  	_ =	shalt  }
0x4b: {  	_ =	shalt  }
0x4c: {  	_ =	shalt  }
0x4d: {  	_ =	shalt  }
0x4e: {  	_ =	shalt  }
0x4f: {  	_ =	shalt  }
0x50: {  	_ =	shalt  }
0x51: {  	_ =	shalt  }
0x52: {  	_ =	shalt  }
0x53: {  	_ =	shalt  }
0x54: {  	_ =	shalt  }
0x55: {  	_ =	shalt  }
0x56: {  	_ =	shalt  }
0x57: {  	_ =	shalt  }
0x58: {  	_ =	shalt  }
0x59: {  	_ =	shalt  }
0x5a: {  	_ =	shalt  }
0x5b: {  	_ =	shalt  }
0x5c: {  	_ =	shalt  }
0x5d: {  	_ =	shalt  }
0x5e: {  	_ =	shalt  }
0x5f: {  	_ =	shalt  }
0x60: {  	_ =	shalt  }
0x61: {  	_ =	shalt  }
0x62: {  	_ =	shalt  }
0x63: {  	_ =	shalt  }
0x64: {  	_ =	shalt  }
0x65: {  	_ =	shalt  }
0x66: {  	_ =	shalt  }
0x67: {  	_ =	shalt  }
0x68: {  	_ =	shalt  }
0x69: {  	_ =	shalt  }
0x6a: {  	_ =	shalt  }
0x6b: {  	_ =	shalt  }
0x6c: {  	_ =	shalt  }
0x6d: {  	_ =	shalt  }
0x6e: {  	_ =	shalt  }
0x6f: {  	_ =	shalt  }
0x70: {  	_ =	shalt  }
0x71: {  	_ =	shalt  }
0x72: {  	_ =	shalt  }
0x73: {  	_ =	shalt  }
0x74: {  	_ =	shalt  }
0x75: {  	_ =	shalt  }
0x76: {  	_ =	shalt  }
0x77: {  	_ =	shalt  }
0x78: {  	_ =	shalt  }
0x79: {  	_ =	shalt  }
0x7a: {  	_ =	shalt  }
0x7b: {  	_ =	shalt  }
0x7c: {  	_ =	shalt  }
0x7d: {  	_ =	shalt  }
0x7e: {  	_ =	shalt  }
0x7f: {  	_ =	shalt  }
0x80: {  	_ =	shalt  }
0x81: {  	_ =	shalt  }
0x82: {  	_ =	shalt  }
0x83: {  	_ =	shalt  }
0x84: {  	_ =	shalt  }
0x85: {  	_ =	shalt  }
0x86: {  	_ =	shalt  }
0x87: {  	_ =	shalt  }
.Lfunc_end0:
.L_simem_size_0:
called_computation.1_lowered:
.L_overlay_start_0:
0x88: {  	s2 =	sld [smem:$0x3FD9]  }
0x89: {  	s3 =	sld [smem:$0x3FFE];
	_ =	sdelay $0x1  }
0x8a: {  	s1 =	srdreg.scid  }
0x8b: {  	s0 =	sand.u32 $0x1, s1  }
0x8c: {  	s16 =	sshll.u32 s0, $0xA;
	s2 =	sadd.s32 s3, s2  }
0x8d: {  	s2 =	sadd.s32 s2, s16  }
0x8e: {  	[smem:$0x3FBD] =	sst s2  }
0x8f: {  	_ = 	snop  }
0x90: {  	(tm) =	ssettm $0x1  }
0x91: {  	s17 =	sld [smem:$0x3FFB];
	_ =	sdelay $0x3  }
0x92: {  	_ =	strace s17  }
0x93: {  	s2 =	sld [smem:$0x3FFC];
	_ =	sdelay $0x3  }
0x94: {  	_ =	strace s2  }
0x95: {  	s2 =	sld [smem:$0x3FFD];
	_ =	sdelay $0x3  }
0x96: {  	_ =	strace s2  }
0x97: {  	_ =	strace $0x8FFFFFFF  }
0x98: {  	s18 =	sld [smem:$0x3FDB];
	_ =	sdelay $0x1  }
0x99: {  	s19 =	simm.s32 $_scs_section_size  }
0x9a: {  	s4 =	simm.s32 $_size__tile_overlayer_lowered;
	s5 =	simm.s32 $_tile_overlayer_lowered  }
0x9b: {  	s22 =	simm.s32 $0x1BFF;
	s21 =	sshll.u32 s5, $0x1;
	s2 =	sadd.s32 s19, s18  }
0x9c: {  	s6 =	simm.s32 $0x0;
	s20 =	sshll.u32 s4, $0x1;
	s4 =	sadd.s32 s21, s2  }
0x9d: {  	[timem:s6], [sflag:s22] =	dma.local [hbm:s4], s20  }
0x9e: {  	_ =	swait.ge [sflag:s22], s20  }
0x9f: {  	s3 =	ssub.s32 $0x0, s20;
	[sflag:s22] =	ssyncset.done $0x0  }
0xa0: {  	[sflag:s22] =	ssyncadd.s32 s3;
	_ =	sdelay $0x1  }
0xa1: {  	s23 =	simm.s32 $0x1B8B  }
0xa2: {  	_ =	swait.ge [sflag:s23], $0x1  }
0xa3: {  	[sflag:s23] =	ssyncset.done $0x0  }
0xa4: {  	s25 =	simm.s32 $0x1B8E;
	s24 =	sld [smem:$0x3FFE];
	[sflag:s23] =	ssyncadd.s32 $0xFFFFFFFF  }
0xa5: {  	s26 =	simm.s32 $execute0_lowered;
	[smem:$0x3FD2] =	sst s25  }
0xa6: {  	s4 =	sshll.u32 s26, $0x1;
	_ =	strace $0x80000049;
	[dreg:$0x1] =	wrdreg $0xFFFFFFFF  }
0xa7: {  	s28 =	simm.s32 $_size_execute0_lowered;
	s2 =	sadd.s32 s2, s4;
	[dreg:$0x0] =	wrdreg $0x0  }
0xa8: {  	s4 =	sshll.u32 s28, $0x1;
	[dreg:$0x2] =	wrdreg s2  }
0xa9: {  	[dreg:$0x3] =	wrdreg s4  }
0xaa: {  	[dreg:$0x4] =	wrdreg $0xC0  }
0xab: {  	_ =	task [dreg:s6], $0x5FFFF  }
0xac: {  	[dreg:$0x1] =	wrdreg $0xFFFFFFFF  }
0xad: {  	[dreg:$0x0] =	wrdreg $0x60  }
0xae: {  	[dreg:$0x2] =	wrdreg s24  }
0xaf: {  	[dreg:$0x3] =	wrdreg $0x81000  }
0xb0: {  	[dreg:$0x4] =	wrdreg $0x9  }
0xb1: {  	_ =	task.clear_ibuf [dreg:s6], $0x5FFFF;
	_ =	strace $0x90000049  }
0xb2: {  	s29 =	simm.s32 $0x9;
	_ =	strace $0x8000004B  }
0xb3: {  	_ =	swait.ge [sflag:s29], $0x1  }
0xb4: {  	[sflag:s29] =	ssyncadd.s32 $0xFFFFFFFF  }
0xb5: {  	_ =	strace $0x9000004B  }
0xb6: {  	_ =	sfence  }
0xb7: {  	s30 =	sld [smem:$0x0];
	_ =	sdelay $0x2  }
0xb8: {  	s31 =	sshll.u32 s1, $0xD;
	s1 =	sshrl.u32 s1, $0x2  }
0xb9: {  	s3 =	sand.u32 $0x4000, s31;
	s1 =	sadd.s32 s1, s30  }
0xba: {  	s0 =	sor.u32 s3, s0;
	s1 =	sshll.u32 s1, $0x11  }
0xbb: {  	s0 =	sor.u32 s1, s0  }
0xbc: {  	s0 =	sadd.s32 $0x8F2B, s0  }
0xbd: {  	[sflag:s0] =	ssyncadd.remote.s32 $0x1  }
0xbe: {  	_ =	sfence.sel $0xFFFF  }
0xbf: {  	[dreg:$0x0] =	wrdreg $0xFFFFFFFF;
	(pc) =	sbr.abs _section_cstart, $3  }
0xc0: {  	[dreg:$0x1] =	wrdreg $0xFFFFFFFF  }
0xc1: {  	_ =	task.clear_ibuf [dreg:s6], $0x2FFFF;
	_ =	strace $0x9FFFFFFF  }
0xc2: {  	(tm) =	ssettm $0x7FFFFFFF  }
0xc3: {  	_ =	shalt  }
tec
execute0_lowered:
.L_overlay_start_1:
0x0: {  	(tag) =	ssettag $0x1  }
0x1: {  	s6 =	rddreg [dreg:$0x0]  }
0x2: {  	s0 =	srdreg.scid;
	s1 =	rddreg [dreg:$0x1];
	s3 =	simm.s32 $0x0  }
0x3: {  	s2 =	stileid.u32;
	s15 =	simm.s32 $0x4100;
	s16 =	simm.s32 $0x2  }
0x4: {  	s17 =	simm.s32 $0x80;
	s18 =	simm.s32 $0x100;
	s9 =	smul.u32 $0x14000, s2  }
0x5: {  	s19 =	simm.s32 $0x1;
	s22 =	simm.s32 $0x0;
	s29 =	smul.u32 $0x50000, s2  }
0x6: {  	s7 =	sand.u32 $0x1, s0;
	s0 =	rddreg [dreg:$0x2];
	s14 =	smul.u32 $0x500, s2  }
0x7: {  	[smem:$0x7FF] =	sst s3;
	s4 =	sadd.s32 $0xEC00, s6;
	s5 =	smul.u32 $0x5000, s7  }
0x8: {  	s20 =	sshll.u32 s2, $0x6;
	s8 =	smul.u32 $0x140000, s7;
	s7 =	ssub.s32 $0x2, s7  }
0x9: {  	_ =	strace $0x8000004A;
	s20 =	sor.u32 $0x1C02, s20;
	s30 =	sshrl.u32 s7, $0x1  }
0xa: {  	s31 =	sshrl.u32 s29, $0x2;
	s12 =	sadd.s32 s5, s6;
	s8 =	sadd.s32 s9, s8  }
0xb: {  	s5 =	sadd.s32 $0xE400, s6;
	s13 =	ssub.s32 s7, s30;
	s8 =	sshrl.u32 s8, $0x3  }
0xc: {  	s14 =	sadd.s32 s14, s12;
	s12 =	smax.u32 s13, $0x1;
	s11 =	sadd.s32 s8, s6  }
0xd: {  	s6 =	sadd.s32 s31, s1;
	s13 =	sadd.s32 $0x4400, s14;
	s14 =	sadd.s32 $0x5F400, s14  }
0xe: {  	s7 =	sadd.s32 $0x4000, s6;
	s8 =	sadd.s32 $0x8000, s6;
	s9 =	sadd.s32 $0xC000, s6  }
0xf: {  	s10 =	sadd.s32 $0x10000, s6;
	s11 =	sadd.s32 $0x69400, s11;
	s21 =	sshrl.u32 s6, $0x3  }
.LBB2_1:
0x10: {  	[tilespmem:s15], [sflag:$0x2] =	stream.linear.gather [hbm4b:s5+s3], $0x4000, $0x38;
	[tilespmem:$0x1C100] =	vst v63  }
0x11: {  	_ =	swait.ge [sflag:s16], $0x4000  }
0x12: {  	[sflag:s16] =	ssyncset.done $0x0  }
0x13: {  	[sflag:s16] =	ssyncadd.s32 $0xFFFFC000  }
0x14: {  	[spmem:s6] =	stream.linear.scatter [tilespmem:s15], [sflag:$0x2], $0x4000, $0x38;
	[tilespmem:$0x1C100] =	vst v63  }
0x15: {  	_ =	swait.ge [sflag:s16], $0x4000  }
0x16: {  	[sflag:s16] =	ssyncset.done $0x0  }
0x17: {  	[sflag:s16] =	ssyncadd.s32 $0xFFFFC000  }
0x18: {  	[spmem:s7] =	stream.linear.scatter [tilespmem:s15], [sflag:$0x2], $0x4000, $0x38;
	[tilespmem:$0x1C100] =	vst v63  }
0x19: {  	_ =	swait.ge [sflag:s16], $0x4000  }
0x1a: {  	[sflag:s16] =	ssyncset.done $0x0  }
0x1b: {  	[sflag:s16] =	ssyncadd.s32 $0xFFFFC000  }
0x1c: {  	[spmem:s8] =	stream.linear.scatter [tilespmem:s15], [sflag:$0x2], $0x4000, $0x38;
	[tilespmem:$0x1C100] =	vst v63  }
0x1d: {  	_ =	swait.ge [sflag:s16], $0x4000  }
0x1e: {  	[sflag:s16] =	ssyncset.done $0x0  }
0x1f: {  	[sflag:s16] =	ssyncadd.s32 $0xFFFFC000  }
0x20: {  	[spmem:s9] =	stream.linear.scatter [tilespmem:s15], [sflag:$0x2], $0x4000, $0x38;
	[tilespmem:$0x1C100] =	vst v63  }
0x21: {  	_ =	swait.ge [sflag:s16], $0x4000  }
0x22: {  	[sflag:s16] =	ssyncset.done $0x0  }
0x23: {  	[sflag:s16] =	ssyncadd.s32 $0xFFFFC000  }
0x24: {  	[spmem:s10] =	stream.linear.scatter [tilespmem:s15], [sflag:$0x2], $0x4000, $0x38;
	[tilespmem:$0x1C100] =	vst v63  }
0x25: {  	_ =	swait.ge [sflag:s16], $0x4000  }
0x26: {  	[sflag:s16] =	ssyncset.done $0x0  }
0x27: {  	[sflag:s16] =	ssyncadd.s32 $0xFFFFC000  }
0x28: {  	s23 =	sadd.s32 $0x0, s14;
	[bflag:$0x0] =	sbarrier.arrive $0xFFFF  }
0x29: {  	[tilespmem:s3], [sflag:$0x2] =	stream.linear.gather [hbm4b:s23+s3], $0x80, $0x38;
	[tilespmem:$0x1C100] =	vst v63  }
0x2a: {  	_ =	swait.ge [sflag:s16], $0x80  }
0x2b: {  	[sflag:s16] =	ssyncset.done $0x0  }
0x2c: {  	s31 =	sadd.s32 $0x0, s13;
	[sflag:s16] =	ssyncadd.s32 $0xFFFFFF80  }
0x2d: {  	[tilespmem:s17], [sflag:$0x2] =	stream.linear.gather [hbm4b:s31+s3], $0x80, $0x38;
	[tilespmem:$0x1C100] =	vst v63  }
0x2e: {  	_ =	swait.ge [sflag:s16], $0x80  }
0x2f: {  	[sflag:s16] =	ssyncset.done $0x0  }
0x30: {  	[sflag:s16] =	ssyncadd.s32 $0xFFFFFF80  }
0x31: {  	[tilespmem:s18], [sflag:$0x1] =	stream.indirect.gather [hbm4b:s4+s17], $0x80, s3, s17, $0xb8;
	[tilespmem:$0x1C100] =	vst v63  }
0x32: {  	_ =	swait.ge [sflag:s19], $0x4000  }
0x33: {  	[sflag:s19] =	ssyncset.done $0x0  }
0x34: {  	[sflag:s19] =	ssyncadd.s32 $0xFFFFC000  }
0x35: {  	[spmem:s1] =	stream.indirect.scatter.add.f32 [tilespmem:s18], [sflag:$0x2], $0x80, s17, s17, $0xb8;
	[tilespmem:$0x1C100] =	vst v63  }
0x36: {  	_ =	swait.ge [sflag:s16], $0x4000  }
0x37: {  	s24 =	simm.s32 $0x20;
	s23 =	simm.s32 $0x10;
	[sflag:s16] =	ssyncset.done $0x0  }
.LBB2_2:
0x38: {  	s25 =	sadd.s32 s23, s14  }
0x39: {  	[sflag:s16] =	ssyncadd.s32 $0xFFFFC000;
	s26 =	smov.u32 s24;
	s28 =	sadd.s32 $0x10, s24  }
0x3a: {  	[tilespmem:s3], [sflag:$0x2] =	stream.linear.gather [hbm4b:s25+s3], $0x80, $0x38;
	[tilespmem:$0x1C100] =	vst v63  }
0x3b: {  	p0 =	sne.s32 s24, $0x4F0;
	_ =	swait.ge [sflag:s16], $0x80  }
0x3c: {  	[sflag:s16] =	ssyncset.done $0x0  }
0x3d: {  	s24 =	sadd.s32 s23, s13;
	s23 =	smov.u32 s26;
	[sflag:s16] =	ssyncadd.s32 $0xFFFFFF80  }
0x3e: {  	[tilespmem:s17], [sflag:$0x2] =	stream.linear.gather [hbm4b:s24+s3], $0x80, $0x38;
	[tilespmem:$0x1C100] =	vst v63  }
0x3f: {  	_ =	swait.ge [sflag:s16], $0x80  }
0x40: {  	[sflag:s16] =	ssyncset.done $0x0  }
0x41: {  	[sflag:s16] =	ssyncadd.s32 $0xFFFFFF80  }
0x42: {  	[tilespmem:s18], [sflag:$0x1] =	stream.indirect.gather [hbm4b:s4+s17], $0x80, s3, s17, $0xb8;
	[tilespmem:$0x1C100] =	vst v63  }
0x43: {  	_ =	swait.ge [sflag:s19], $0x4000  }
.Ltmp0:
0x44: {  	[sflag:s19] =	ssyncset.done $0x0;
	(pc) =	sbr.rel @p0 .LBB2_2-.Ltmp0, $4  }
0x45: {  	[sflag:s19] =	ssyncadd.s32 $0xFFFFC000  }
0x46: {  	[spmem:s1] =	stream.indirect.scatter.add.f32 [tilespmem:s18], [sflag:$0x2], $0x80, s17, s17, $0xb8;
	[tilespmem:$0x1C100] =	vst v63  }
0x47: {  	_ =	swait.ge [sflag:s16], $0x4000  }
0x48: {  	s24 =	smov.u32 s28;
	[sflag:s16] =	ssyncset.done $0x0  }
0x49: {  	s24 =	sadd.s32 s23, s14;
	[sflag:s16] =	ssyncadd.s32 $0xFFFFC000  }
0x4a: {  	[tilespmem:s3], [sflag:$0x2] =	stream.linear.gather [hbm4b:s24+s3], $0x80, $0x38;
	[tilespmem:$0x1C100] =	vst v63  }
0x4b: {  	_ =	swait.ge [sflag:s16], $0x80  }
0x4c: {  	[sflag:s16] =	ssyncset.done $0x0  }
0x4d: {  	s31 =	sadd.s32 s23, s13;
	[sflag:s16] =	ssyncadd.s32 $0xFFFFFF80  }
0x4e: {  	[tilespmem:s17], [sflag:$0x2] =	stream.linear.gather [hbm4b:s31+s3], $0x80, $0x38;
	[tilespmem:$0x1C100] =	vst v63  }
0x4f: {  	_ =	swait.ge [sflag:s16], $0x80  }
0x50: {  	[sflag:s16] =	ssyncset.done $0x0  }
0x51: {  	[sflag:s16] =	ssyncadd.s32 $0xFFFFFF80  }
0x52: {  	[tilespmem:s18], [sflag:$0x1] =	stream.indirect.gather [hbm4b:s4+s17], $0x80, s3, s17, $0xb8;
	[tilespmem:$0x1C100] =	vst v63  }
0x53: {  	_ =	swait.ge [sflag:s19], $0x4000  }
0x54: {  	[sflag:s19] =	ssyncset.done $0x0  }
0x55: {  	[sflag:s19] =	ssyncadd.s32 $0xFFFFC000  }
0x56: {  	[spmem:s1] =	stream.indirect.scatter.add.f32 [tilespmem:s18], [sflag:$0x2], $0x80, s17, s17, $0xb8;
	[tilespmem:$0x1C100] =	vst v63  }
0x57: {  	_ =	swait.ge [sflag:s16], $0x4000  }
0x58: {  	s22 =	sadd.s32 $0x1, s22;
	[sflag:s16] =	ssyncset.done $0x0  }
0x59: {  	p0 =	sne.s32 s22, s12;
	[sflag:s16] =	ssyncadd.s32 $0xFFFFC000  }
.Ltmp1:
0x5a: {  	[bflag:$0x0] =	sbarrier.arrive $0xFFFF;
	(pc) =	sbr.rel @p0 .LBB2_1-.Ltmp1, $4  }
0x5b: {  	[hbm:s11], [sflag:s20] =	dma.local [spmem:s21], $0x2800  }
0x5c: {  	_ =	swait.ge [sflag:s16], $0x2800  }
0x5d: {  	[sflag:s16] =	ssyncset.done $0x0  }
0x5e: {  	[sflag:s16] =	ssyncadd.s32 $0xFFFFD800  }
0x5f: {  	_ =	sfence.sel $0x180000  }
0x60: {  	[bflag:$0x0] =	sbarrier.arrive $0xFFFF  }
0x61: {  	p0 =	sne.s32 s2, $0x0;
	_ =	strace $0x9000004A  }
0x62: {  	s0 =	sadd.s32 @!p0 $0x100000, s0;
	[bflag:$0x2] =	sbarrier.arrive $0xFFFF  }
0x63: {  	[sflag:s0] =	ssyncadd.tile.s32 @!p0 $0x1;
	_ =	shalt  }
.Lfunc_end2:
_tile_overlayer_lowered:
.L_overlay_start_2:
0x64: {  	(tag) =	ssettag $0x2  }
0x65: {  	s0 =	rddreg [dreg:$0x0];
	s2 =	stileid.u32  }
0x66: {  	s1 =	rddreg [dreg:$0x1];
	p0 =	sne.s32 s2, $0x0  }
0x67: {  	s3 =	rddreg [dreg:$0x2];
	[bflag:$0x3] =	sbarrier.arrive $0xFFFF;
	s2 =	simm.s32 @!p0 $0x1C02  }
0x68: {  	[timem:s3], [sflag:s2] =	dma.local @!p0 [hbm:s0], s1  }
0x69: {  	s0 =	simm.s32 @!p0 $0x2  }
0x6a: {  	_ =	swait.ge @!p0 [sflag:s0], s1  }
0x6b: {  	s1 =	ssub.s32 @!p0 $0x0, s1;
	[sflag:s0] =	ssyncset.done @!p0 $0x0  }
0x6c: {  	[sflag:s0] =	ssyncadd.s32 @!p0 s1  }
0x6d: {  	[bflag:$0x3] =	sbarrier.arrive $0xFFFF  }
0x6e: {  	_ =	shalt  }

// kernel: kernel.18.cloned.1.call-start
scs
__scs_entry_jumppad:
0x0: {  	(pc) =	sbr.rel $0x88, $3  }
0x1: {  	(tag) =	ssettag $0x0;
	lr =	simm.s32 $0x1  }
0x2: {  	[smem:$0x3F96] =	sst lr;
	_ =	strace $0xD0000000  }
0x3: {  	_ = 	snop  }
0x4: {  	_ = 	snop  }
0x5: {  	_ = 	snop  }
0x6: {  	_ = 	snop  }
0x7: {  	_ = 	snop  }
__scs_overlays_trampoline_lowered:
0x8: {  	[smem:$0x3FA5] =	sst s0  }
0x9: {  	[smem:$0x3FA6] =	sst s1  }
0xa: {  	[smem:$0x3FA7] =	sst s2  }
0xb: {  	[smem:$0x3FA8] =	sst s3  }
0xc: {  	[smem:$0x3FA9] =	sst s4  }
0xd: {  	[smem:$0x3FAA] =	sst s5  }
0xe: {  	[smem:$0x3FAB] =	sst s6  }
0xf: {  	[smem:$0x3FAC] =	sst s7  }
0x10: {  	[smem:$0x3FAD] =	sst s8  }
0x11: {  	[smem:$0x3FAE] =	sst s9;
	s0 =	simm.s32 @!p0 $0x0  }
0x12: {  	s1 =	sld [smem:$0x3F94];
	s0 =	simm.s32 @p0 $0x1  }
0x13: {  	[smem:$0x3FAF] =	sst s0;
	s0 =	simm.s32 @!p1 $0x0  }
0x14: {  	s2 =	sld [smem:$0x3F93];
	s0 =	simm.s32 @p1 $0x1  }
0x15: {  	[smem:$0x3FB0] =	sst s0;
	s0 =	simm.s32 @!p2 $0x0  }
0x16: {  	s3 =	sld [smem:$0x3FDB];
	s0 =	simm.s32 @p2 $0x1  }
0x17: {  	s4 =	simm.s32 $0x1BF5;
	[smem:$0x3FB2] =	sst s0  }
0x18: {  	s0 =	sld [smem:$0x3F95];
	_ =	swait.ge [sflag:s4], $0x0  }
0x19: {  	s7 =	sld [smem:$0x3F96]  }
0x1a: {  	s8 =	sadd.s32 $0xFFFFE003, lr  }
0x1b: {  	s9 =	sadd.s32 $0xFFFFFEF7, lr;
	s5 =	simm.s32 $0xFFFFFFFF;
	p2 =	slt.u32 s8, $0xFFFFF086  }
0x1c: {  	p1 =	slt.u32 s9, $0xF7A;
	s5 =	simm.s32 @!p2 $0x0  }
0x1d: {  	s5 =	simm.s32 @p1 $0x1;
	p0 =	seq.s32 s7, s2  }
0x1e: {  	s7 =	smul.u32 @!p0 $0xF7A, s2;
	p2 =	seq.s32 @!p0 s5, $0x0  }
0x1f: {  	s9 =	smul.u32 $0xF7A, s1;
	s8 =	simm.s32 @!p0 $0x1BF5;
	p2 =	por !p2, p0  }
0x20: {  	[sflag:s8] =	ssyncset.s32 @!p0 $0xFFFFF086;
	s6 =	sadd.s32 @!p0 s3, s7;
	s7 =	simm.s32 @!p0 $0x108  }
0x21: {  	s3 =	sadd.s32 s3, s9;
	s6 =	sadd.s32 @!p0 $0x88, s6;
	s7 =	simm.s32 @p2 $0x1082  }
0x22: {  	[simem:s7], [sflag:s8] =	dma.local @!p0 [hbm:s6], $0xF7A  }
0x23: {  	s9 =	sor.u32 $0xD0000000, s2;
	s6 =	simm.s32 $0x108;
	_ =	swait.ge @!p0 [sflag:s8], $0x0  }
0x24: {  	s3 =	sadd.s32 $0x88, s3;
	s6 =	simm.s32 @!p1 $0x1082;
	[sflag:s4] =	ssyncset.s32 $0xFFFFF086  }
0x25: {  	[simem:s6], [sflag:s4] =	dma.local [hbm:s3], $0xF7A  }
0x26: {  	[smem:$0x3F96] =	sst s1;
	(tag) =	ssettag s2;
	_ =	strace s9  }
0x27: {  	s1 =	sld [smem:$0x3FA6]  }
0x28: {  	s2 =	sld [smem:$0x3FA7]  }
0x29: {  	s4 =	sld [smem:$0x3FA9]  }
0x2a: {  	p0 =	seq.s32 s5, $0x0;
	s5 =	sld [smem:$0x3FAA]  }
0x2b: {  	s6 =	sld [smem:$0x3FAB]  }
0x2c: {  	s7 =	sld [smem:$0x3FAC]  }
0x2d: {  	s3 =	simm.s32 $0x108;
	s8 =	sld [smem:$0x3FAD]  }
0x2e: {  	s3 =	simm.s32 @!p0 $0x1082;
	s9 =	sld [smem:$0x3FAE]  }
0x2f: {  	lr =	sadd.s32 s0, s3;
	s0 =	sld [smem:$0x3FA5]  }
0x30: {  	s3 =	sld [smem:$0x3FA8]  }
0x31: {  	[smem:$0x3FB1] =	sst s10  }
0x32: {  	s10 =	sld [smem:$0x3FAF];
	_ =	sdelay $0x3  }
0x33: {  	p0 =	seq.s32 s10, $0x1;
	s10 =	sld [smem:$0x3FB1];
	_ =	sdelay $0x3  }
0x34: {  	[smem:$0x3FB1] =	sst s10  }
0x35: {  	s10 =	sld [smem:$0x3FB0];
	_ =	sdelay $0x3  }
0x36: {  	p1 =	seq.s32 s10, $0x1;
	s10 =	sld [smem:$0x3FB1];
	_ =	sdelay $0x3  }
0x37: {  	[smem:$0x3FB1] =	sst s10  }
0x38: {  	s10 =	sld [smem:$0x3FB2]  }
0x39: {  	_ = 	snop;
	(pc) =	sbr.ind lr, $3  }
0x3a: {  	_ = 	snop  }
0x3b: {  	_ = 	snop  }
0x3c: {  	p2 =	seq.s32 s10, $0x1;
	s10 =	sld [smem:$0x3FB1]  }
0x3d: {  	_ =	shalt  }
0x3e: {  	_ =	shalt  }
0x3f: {  	_ =	shalt  }
0x40: {  	_ =	shalt  }
0x41: {  	_ =	shalt  }
0x42: {  	_ =	shalt  }
0x43: {  	_ =	shalt  }
0x44: {  	_ =	shalt  }
0x45: {  	_ =	shalt  }
0x46: {  	_ =	shalt  }
0x47: {  	_ =	shalt  }
0x48: {  	_ =	shalt  }
0x49: {  	_ =	shalt  }
0x4a: {  	_ =	shalt  }
0x4b: {  	_ =	shalt  }
0x4c: {  	_ =	shalt  }
0x4d: {  	_ =	shalt  }
0x4e: {  	_ =	shalt  }
0x4f: {  	_ =	shalt  }
0x50: {  	_ =	shalt  }
0x51: {  	_ =	shalt  }
0x52: {  	_ =	shalt  }
0x53: {  	_ =	shalt  }
0x54: {  	_ =	shalt  }
0x55: {  	_ =	shalt  }
0x56: {  	_ =	shalt  }
0x57: {  	_ =	shalt  }
0x58: {  	_ =	shalt  }
0x59: {  	_ =	shalt  }
0x5a: {  	_ =	shalt  }
0x5b: {  	_ =	shalt  }
0x5c: {  	_ =	shalt  }
0x5d: {  	_ =	shalt  }
0x5e: {  	_ =	shalt  }
0x5f: {  	_ =	shalt  }
0x60: {  	_ =	shalt  }
0x61: {  	_ =	shalt  }
0x62: {  	_ =	shalt  }
0x63: {  	_ =	shalt  }
0x64: {  	_ =	shalt  }
0x65: {  	_ =	shalt  }
0x66: {  	_ =	shalt  }
0x67: {  	_ =	shalt  }
0x68: {  	_ =	shalt  }
0x69: {  	_ =	shalt  }
0x6a: {  	_ =	shalt  }
0x6b: {  	_ =	shalt  }
0x6c: {  	_ =	shalt  }
0x6d: {  	_ =	shalt  }
0x6e: {  	_ =	shalt  }
0x6f: {  	_ =	shalt  }
0x70: {  	_ =	shalt  }
0x71: {  	_ =	shalt  }
0x72: {  	_ =	shalt  }
0x73: {  	_ =	shalt  }
0x74: {  	_ =	shalt  }
0x75: {  	_ =	shalt  }
0x76: {  	_ =	shalt  }
0x77: {  	_ =	shalt  }
0x78: {  	_ =	shalt  }
0x79: {  	_ =	shalt  }
0x7a: {  	_ =	shalt  }
0x7b: {  	_ =	shalt  }
0x7c: {  	_ =	shalt  }
0x7d: {  	_ =	shalt  }
0x7e: {  	_ =	shalt  }
0x7f: {  	_ =	shalt  }
0x80: {  	_ =	shalt  }
0x81: {  	_ =	shalt  }
0x82: {  	_ =	shalt  }
0x83: {  	_ =	shalt  }
0x84: {  	_ =	shalt  }
0x85: {  	_ =	shalt  }
0x86: {  	_ =	shalt  }
0x87: {  	_ =	shalt  }
.Lfunc_end0:
.L_simem_size_0:
called_computation.2_lowered:
.L_overlay_start_0:
0x88: {  	s2 =	sld [smem:$0x3FD9]  }
0x89: {  	s3 =	sld [smem:$0x3FFE];
	_ =	sdelay $0x1  }
0x8a: {  	s1 =	srdreg.scid  }
0x8b: {  	s0 =	sand.u32 $0x1, s1  }
0x8c: {  	s16 =	sshll.u32 s0, $0xA;
	s2 =	sadd.s32 s3, s2  }
0x8d: {  	s2 =	sadd.s32 s2, s16  }
0x8e: {  	[smem:$0x3FBD] =	sst s2  }
0x8f: {  	_ = 	snop  }
0x90: {  	(tm) =	ssettm $0x1  }
0x91: {  	s17 =	sld [smem:$0x3FFB];
	_ =	sdelay $0x3  }
0x92: {  	_ =	strace s17  }
0x93: {  	s2 =	sld [smem:$0x3FFC];
	_ =	sdelay $0x3  }
0x94: {  	_ =	strace s2  }
0x95: {  	s2 =	sld [smem:$0x3FFD];
	_ =	sdelay $0x3  }
0x96: {  	_ =	strace s2  }
0x97: {  	_ =	strace $0x8FFFFFFF  }
0x98: {  	s18 =	sld [smem:$0x3FDB];
	_ =	sdelay $0x1  }
0x99: {  	s19 =	simm.s32 $_scs_section_size  }
0x9a: {  	s4 =	simm.s32 $_size__tile_overlayer_lowered;
	s5 =	simm.s32 $_tile_overlayer_lowered  }
0x9b: {  	s22 =	simm.s32 $0x1BFF;
	s21 =	sshll.u32 s5, $0x1;
	s2 =	sadd.s32 s19, s18  }
0x9c: {  	s6 =	simm.s32 $0x0;
	s20 =	sshll.u32 s4, $0x1;
	s4 =	sadd.s32 s21, s2  }
0x9d: {  	[timem:s6], [sflag:s22] =	dma.local [hbm:s4], s20  }
0x9e: {  	_ =	swait.ge [sflag:s22], s20  }
0x9f: {  	s3 =	ssub.s32 $0x0, s20;
	[sflag:s22] =	ssyncset.done $0x0  }
0xa0: {  	[sflag:s22] =	ssyncadd.s32 s3;
	_ =	sdelay $0x1  }
0xa1: {  	s23 =	simm.s32 $0x1B8B  }
0xa2: {  	_ =	swait.ge [sflag:s23], $0x1  }
0xa3: {  	[sflag:s23] =	ssyncset.done $0x0  }
0xa4: {  	s25 =	simm.s32 $0x1B8E;
	s24 =	sld [smem:$0x3FFE];
	[sflag:s23] =	ssyncadd.s32 $0xFFFFFFFF  }
0xa5: {  	s26 =	simm.s32 $execute0_lowered;
	[smem:$0x3FD2] =	sst s25  }
0xa6: {  	s4 =	sshll.u32 s26, $0x1;
	_ =	strace $0x8000004C;
	[dreg:$0x1] =	wrdreg $0xFFFFFFFF  }
0xa7: {  	s28 =	simm.s32 $_size_execute0_lowered;
	s2 =	sadd.s32 s2, s4;
	[dreg:$0x0] =	wrdreg $0x0  }
0xa8: {  	s4 =	sshll.u32 s28, $0x1;
	[dreg:$0x2] =	wrdreg s2  }
0xa9: {  	[dreg:$0x3] =	wrdreg s4  }
0xaa: {  	[dreg:$0x4] =	wrdreg $0xC0  }
0xab: {  	_ =	task [dreg:s6], $0x5FFFF  }
0xac: {  	[dreg:$0x1] =	wrdreg $0xFFFFFFFF  }
0xad: {  	[dreg:$0x0] =	wrdreg $0x60  }
0xae: {  	[dreg:$0x2] =	wrdreg s24  }
0xaf: {  	[dreg:$0x3] =	wrdreg $0x81000  }
0xb0: {  	[dreg:$0x4] =	wrdreg $0x9  }
0xb1: {  	_ =	task.clear_ibuf [dreg:s6], $0x5FFFF;
	_ =	strace $0x9000004C  }
0xb2: {  	s29 =	simm.s32 $0x9;
	_ =	strace $0x8000004E  }
0xb3: {  	_ =	swait.ge [sflag:s29], $0x1  }
0xb4: {  	[sflag:s29] =	ssyncadd.s32 $0xFFFFFFFF  }
0xb5: {  	_ =	strace $0x9000004E  }
0xb6: {  	_ =	sfence  }
0xb7: {  	s30 =	sld [smem:$0x0];
	_ =	sdelay $0x2  }
0xb8: {  	s31 =	sshll.u32 s1, $0xD;
	s1 =	sshrl.u32 s1, $0x2  }
0xb9: {  	s3 =	sand.u32 $0x4000, s31;
	s1 =	sadd.s32 s1, s30  }
0xba: {  	s0 =	sor.u32 s3, s0;
	s1 =	sshll.u32 s1, $0x11  }
0xbb: {  	s0 =	sor.u32 s1, s0  }
0xbc: {  	s0 =	sadd.s32 $0x8F2B, s0  }
0xbd: {  	[sflag:s0] =	ssyncadd.remote.s32 $0x1  }
0xbe: {  	_ =	sfence.sel $0xFFFF  }
0xbf: {  	[dreg:$0x0] =	wrdreg $0xFFFFFFFF;
	(pc) =	sbr.abs _section_cstart, $3  }
0xc0: {  	[dreg:$0x1] =	wrdreg $0xFFFFFFFF  }
0xc1: {  	_ =	task.clear_ibuf [dreg:s6], $0x2FFFF;
	_ =	strace $0x9FFFFFFF  }
0xc2: {  	(tm) =	ssettm $0x7FFFFFFF  }
0xc3: {  	_ =	shalt  }
tec
execute0_lowered:
.L_overlay_start_1:
0x0: {  	(tag) =	ssettag $0x1  }
0x1: {  	s6 =	rddreg [dreg:$0x0]  }
0x2: {  	s0 =	srdreg.scid;
	s1 =	rddreg [dreg:$0x1];
	s3 =	simm.s32 $0x0  }
0x3: {  	s2 =	stileid.u32;
	s15 =	simm.s32 $0x4100;
	s16 =	simm.s32 $0x2  }
0x4: {  	s17 =	simm.s32 $0x80;
	s18 =	simm.s32 $0x100;
	s9 =	smul.u32 $0x14000, s2  }
0x5: {  	s19 =	simm.s32 $0x1;
	s22 =	simm.s32 $0x0;
	s29 =	smul.u32 $0x50000, s2  }
0x6: {  	s7 =	sand.u32 $0x1, s0;
	s0 =	rddreg [dreg:$0x2];
	s14 =	smul.u32 $0x500, s2  }
0x7: {  	[smem:$0x7FF] =	sst s3;
	s4 =	sadd.s32 $0xEC00, s6;
	s5 =	smul.u32 $0x5000, s7  }
0x8: {  	s20 =	sshll.u32 s2, $0x6;
	s8 =	smul.u32 $0x140000, s7;
	s7 =	ssub.s32 $0x2, s7  }
0x9: {  	_ =	strace $0x8000004D;
	s20 =	sor.u32 $0x1C02, s20;
	s30 =	sshrl.u32 s7, $0x1  }
0xa: {  	s31 =	sshrl.u32 s29, $0x2;
	s12 =	sadd.s32 s5, s6;
	s8 =	sadd.s32 s9, s8  }
0xb: {  	s5 =	sadd.s32 $0xE400, s6;
	s13 =	ssub.s32 s7, s30;
	s8 =	sshrl.u32 s8, $0x3  }
0xc: {  	s14 =	sadd.s32 s14, s12;
	s12 =	smax.u32 s13, $0x1;
	s11 =	sadd.s32 s8, s6  }
0xd: {  	s6 =	sadd.s32 s31, s1;
	s13 =	sadd.s32 $0x4400, s14;
	s14 =	sadd.s32 $0x5F400, s14  }
0xe: {  	s7 =	sadd.s32 $0x4000, s6;
	s8 =	sadd.s32 $0x8000, s6;
	s9 =	sadd.s32 $0xC000, s6  }
0xf: {  	s10 =	sadd.s32 $0x10000, s6;
	s11 =	sadd.s32 $0x69400, s11;
	s21 =	sshrl.u32 s6, $0x3  }
.LBB2_1:
0x10: {  	[tilespmem:s15], [sflag:$0x2] =	stream.linear.gather [hbm4b:s5+s3], $0x4000, $0x38;
	[tilespmem:$0x1C100] =	vst v63  }
0x11: {  	_ =	swait.ge [sflag:s16], $0x4000  }
0x12: {  	[sflag:s16] =	ssyncset.done $0x0  }
0x13: {  	[sflag:s16] =	ssyncadd.s32 $0xFFFFC000  }
0x14: {  	[spmem:s6] =	stream.linear.scatter [tilespmem:s15], [sflag:$0x2], $0x4000, $0x38;
	[tilespmem:$0x1C100] =	vst v63  }
0x15: {  	_ =	swait.ge [sflag:s16], $0x4000  }
0x16: {  	[sflag:s16] =	ssyncset.done $0x0  }
0x17: {  	[sflag:s16] =	ssyncadd.s32 $0xFFFFC000  }
0x18: {  	[spmem:s7] =	stream.linear.scatter [tilespmem:s15], [sflag:$0x2], $0x4000, $0x38;
	[tilespmem:$0x1C100] =	vst v63  }
0x19: {  	_ =	swait.ge [sflag:s16], $0x4000  }
0x1a: {  	[sflag:s16] =	ssyncset.done $0x0  }
0x1b: {  	[sflag:s16] =	ssyncadd.s32 $0xFFFFC000  }
0x1c: {  	[spmem:s8] =	stream.linear.scatter [tilespmem:s15], [sflag:$0x2], $0x4000, $0x38;
	[tilespmem:$0x1C100] =	vst v63  }
0x1d: {  	_ =	swait.ge [sflag:s16], $0x4000  }
0x1e: {  	[sflag:s16] =	ssyncset.done $0x0  }
0x1f: {  	[sflag:s16] =	ssyncadd.s32 $0xFFFFC000  }
0x20: {  	[spmem:s9] =	stream.linear.scatter [tilespmem:s15], [sflag:$0x2], $0x4000, $0x38;
	[tilespmem:$0x1C100] =	vst v63  }
0x21: {  	_ =	swait.ge [sflag:s16], $0x4000  }
0x22: {  	[sflag:s16] =	ssyncset.done $0x0  }
0x23: {  	[sflag:s16] =	ssyncadd.s32 $0xFFFFC000  }
0x24: {  	[spmem:s10] =	stream.linear.scatter [tilespmem:s15], [sflag:$0x2], $0x4000, $0x38;
	[tilespmem:$0x1C100] =	vst v63  }
0x25: {  	_ =	swait.ge [sflag:s16], $0x4000  }
0x26: {  	[sflag:s16] =	ssyncset.done $0x0  }
0x27: {  	[sflag:s16] =	ssyncadd.s32 $0xFFFFC000  }
0x28: {  	s23 =	sadd.s32 $0x0, s14;
	[bflag:$0x0] =	sbarrier.arrive $0xFFFF  }
0x29: {  	[tilespmem:s3], [sflag:$0x2] =	stream.linear.gather [hbm4b:s23+s3], $0x80, $0x38;
	[tilespmem:$0x1C100] =	vst v63  }
0x2a: {  	_ =	swait.ge [sflag:s16], $0x80  }
0x2b: {  	[sflag:s16] =	ssyncset.done $0x0  }
0x2c: {  	s31 =	sadd.s32 $0x0, s13;
	[sflag:s16] =	ssyncadd.s32 $0xFFFFFF80  }
0x2d: {  	[tilespmem:s17], [sflag:$0x2] =	stream.linear.gather [hbm4b:s31+s3], $0x80, $0x38;
	[tilespmem:$0x1C100] =	vst v63  }
0x2e: {  	_ =	swait.ge [sflag:s16], $0x80  }
0x2f: {  	[sflag:s16] =	ssyncset.done $0x0  }
0x30: {  	[sflag:s16] =	ssyncadd.s32 $0xFFFFFF80  }
0x31: {  	[tilespmem:s18], [sflag:$0x1] =	stream.indirect.gather [hbm4b:s4+s17], $0x80, s3, s17, $0xb8;
	[tilespmem:$0x1C100] =	vst v63  }
0x32: {  	_ =	swait.ge [sflag:s19], $0x4000  }
0x33: {  	[sflag:s19] =	ssyncset.done $0x0  }
0x34: {  	[sflag:s19] =	ssyncadd.s32 $0xFFFFC000  }
0x35: {  	[spmem:s1] =	stream.indirect.scatter.add.f32 [tilespmem:s18], [sflag:$0x2], $0x80, s17, s17, $0xb8;
	[tilespmem:$0x1C100] =	vst v63  }
0x36: {  	_ =	swait.ge [sflag:s16], $0x4000  }
0x37: {  	s24 =	simm.s32 $0x20;
	s23 =	simm.s32 $0x10;
	[sflag:s16] =	ssyncset.done $0x0  }
.LBB2_2:
0x38: {  	s25 =	sadd.s32 s23, s14  }
0x39: {  	[sflag:s16] =	ssyncadd.s32 $0xFFFFC000;
	s26 =	smov.u32 s24;
	s28 =	sadd.s32 $0x10, s24  }
0x3a: {  	[tilespmem:s3], [sflag:$0x2] =	stream.linear.gather [hbm4b:s25+s3], $0x80, $0x38;
	[tilespmem:$0x1C100] =	vst v63  }
0x3b: {  	p0 =	sne.s32 s24, $0x4F0;
	_ =	swait.ge [sflag:s16], $0x80  }
0x3c: {  	[sflag:s16] =	ssyncset.done $0x0  }
0x3d: {  	s24 =	sadd.s32 s23, s13;
	s23 =	smov.u32 s26;
	[sflag:s16] =	ssyncadd.s32 $0xFFFFFF80  }
0x3e: {  	[tilespmem:s17], [sflag:$0x2] =	stream.linear.gather [hbm4b:s24+s3], $0x80, $0x38;
	[tilespmem:$0x1C100] =	vst v63  }
0x3f: {  	_ =	swait.ge [sflag:s16], $0x80  }
0x40: {  	[sflag:s16] =	ssyncset.done $0x0  }
0x41: {  	[sflag:s16] =	ssyncadd.s32 $0xFFFFFF80  }
0x42: {  	[tilespmem:s18], [sflag:$0x1] =	stream.indirect.gather [hbm4b:s4+s17], $0x80, s3, s17, $0xb8;
	[tilespmem:$0x1C100] =	vst v63  }
0x43: {  	_ =	swait.ge [sflag:s19], $0x4000  }
.Ltmp0:
0x44: {  	[sflag:s19] =	ssyncset.done $0x0;
	(pc) =	sbr.rel @p0 .LBB2_2-.Ltmp0, $4  }
0x45: {  	[sflag:s19] =	ssyncadd.s32 $0xFFFFC000  }
0x46: {  	[spmem:s1] =	stream.indirect.scatter.add.f32 [tilespmem:s18], [sflag:$0x2], $0x80, s17, s17, $0xb8;
	[tilespmem:$0x1C100] =	vst v63  }
0x47: {  	_ =	swait.ge [sflag:s16], $0x4000  }
0x48: {  	s24 =	smov.u32 s28;
	[sflag:s16] =	ssyncset.done $0x0  }
0x49: {  	s24 =	sadd.s32 s23, s14;
	[sflag:s16] =	ssyncadd.s32 $0xFFFFC000  }
0x4a: {  	[tilespmem:s3], [sflag:$0x2] =	stream.linear.gather [hbm4b:s24+s3], $0x80, $0x38;
	[tilespmem:$0x1C100] =	vst v63  }
0x4b: {  	_ =	swait.ge [sflag:s16], $0x80  }
0x4c: {  	[sflag:s16] =	ssyncset.done $0x0  }
0x4d: {  	s31 =	sadd.s32 s23, s13;
	[sflag:s16] =	ssyncadd.s32 $0xFFFFFF80  }
0x4e: {  	[tilespmem:s17], [sflag:$0x2] =	stream.linear.gather [hbm4b:s31+s3], $0x80, $0x38;
	[tilespmem:$0x1C100] =	vst v63  }
0x4f: {  	_ =	swait.ge [sflag:s16], $0x80  }
0x50: {  	[sflag:s16] =	ssyncset.done $0x0  }
0x51: {  	[sflag:s16] =	ssyncadd.s32 $0xFFFFFF80  }
0x52: {  	[tilespmem:s18], [sflag:$0x1] =	stream.indirect.gather [hbm4b:s4+s17], $0x80, s3, s17, $0xb8;
	[tilespmem:$0x1C100] =	vst v63  }
0x53: {  	_ =	swait.ge [sflag:s19], $0x4000  }
0x54: {  	[sflag:s19] =	ssyncset.done $0x0  }
0x55: {  	[sflag:s19] =	ssyncadd.s32 $0xFFFFC000  }
0x56: {  	[spmem:s1] =	stream.indirect.scatter.add.f32 [tilespmem:s18], [sflag:$0x2], $0x80, s17, s17, $0xb8;
	[tilespmem:$0x1C100] =	vst v63  }
0x57: {  	_ =	swait.ge [sflag:s16], $0x4000  }
0x58: {  	s22 =	sadd.s32 $0x1, s22;
	[sflag:s16] =	ssyncset.done $0x0  }
0x59: {  	p0 =	sne.s32 s22, s12;
	[sflag:s16] =	ssyncadd.s32 $0xFFFFC000  }
.Ltmp1:
0x5a: {  	[bflag:$0x0] =	sbarrier.arrive $0xFFFF;
	(pc) =	sbr.rel @p0 .LBB2_1-.Ltmp1, $4  }
0x5b: {  	[hbm:s11], [sflag:s20] =	dma.local [spmem:s21], $0x2800  }
0x5c: {  	_ =	swait.ge [sflag:s16], $0x2800  }
0x5d: {  	[sflag:s16] =	ssyncset.done $0x0  }
0x5e: {  	[sflag:s16] =	ssyncadd.s32 $0xFFFFD800  }
0x5f: {  	_ =	sfence.sel $0x180000  }
0x60: {  	[bflag:$0x0] =	sbarrier.arrive $0xFFFF  }
0x61: {  	p0 =	sne.s32 s2, $0x0;
	_ =	strace $0x9000004D  }
0x62: {  	s0 =	sadd.s32 @!p0 $0x100000, s0;
	[bflag:$0x2] =	sbarrier.arrive $0xFFFF  }
0x63: {  	[sflag:s0] =	ssyncadd.tile.s32 @!p0 $0x1;
	_ =	shalt  }
.Lfunc_end2:
_tile_overlayer_lowered:
.L_overlay_start_2:
0x64: {  	(tag) =	ssettag $0x2  }
0x65: {  	s0 =	rddreg [dreg:$0x0];
	s2 =	stileid.u32  }
0x66: {  	s1 =	rddreg [dreg:$0x1];
	p0 =	sne.s32 s2, $0x0  }
0x67: {  	s3 =	rddreg [dreg:$0x2];
	[bflag:$0x3] =	sbarrier.arrive $0xFFFF;
	s2 =	simm.s32 @!p0 $0x1C02  }
0x68: {  	[timem:s3], [sflag:s2] =	dma.local @!p0 [hbm:s0], s1  }
0x69: {  	s0 =	simm.s32 @!p0 $0x2  }
0x6a: {  	_ =	swait.ge @!p0 [sflag:s0], s1  }
0x6b: {  	s1 =	ssub.s32 @!p0 $0x0, s1;
	[sflag:s0] =	ssyncset.done @!p0 $0x0  }
0x6c: {  	[sflag:s0] =	ssyncadd.s32 @!p0 s1  }
0x6d: {  	[bflag:$0x3] =	sbarrier.arrive $0xFFFF  }
0x6e: {  	_ =	shalt  }

// kernel: kernel.21.cloned.1.call-start
scs
__scs_entry_jumppad:
0x0: {  	(pc) =	sbr.rel $0x88, $3  }
0x1: {  	(tag) =	ssettag $0x0;
	lr =	simm.s32 $0x1  }
0x2: {  	[smem:$0x3F96] =	sst lr;
	_ =	strace $0xD0000000  }
0x3: {  	_ = 	snop  }
0x4: {  	_ = 	snop  }
0x5: {  	_ = 	snop  }
0x6: {  	_ = 	snop  }
0x7: {  	_ = 	snop  }
__scs_overlays_trampoline_lowered:
0x8: {  	[smem:$0x3FA5] =	sst s0  }
0x9: {  	[smem:$0x3FA6] =	sst s1  }
0xa: {  	[smem:$0x3FA7] =	sst s2  }
0xb: {  	[smem:$0x3FA8] =	sst s3  }
0xc: {  	[smem:$0x3FA9] =	sst s4  }
0xd: {  	[smem:$0x3FAA] =	sst s5  }
0xe: {  	[smem:$0x3FAB] =	sst s6  }
0xf: {  	[smem:$0x3FAC] =	sst s7  }
0x10: {  	[smem:$0x3FAD] =	sst s8  }
0x11: {  	[smem:$0x3FAE] =	sst s9;
	s0 =	simm.s32 @!p0 $0x0  }
0x12: {  	s1 =	sld [smem:$0x3F94];
	s0 =	simm.s32 @p0 $0x1  }
0x13: {  	[smem:$0x3FAF] =	sst s0;
	s0 =	simm.s32 @!p1 $0x0  }
0x14: {  	s2 =	sld [smem:$0x3F93];
	s0 =	simm.s32 @p1 $0x1  }
0x15: {  	[smem:$0x3FB0] =	sst s0;
	s0 =	simm.s32 @!p2 $0x0  }
0x16: {  	s3 =	sld [smem:$0x3FDB];
	s0 =	simm.s32 @p2 $0x1  }
0x17: {  	s4 =	simm.s32 $0x1BF5;
	[smem:$0x3FB2] =	sst s0  }
0x18: {  	s0 =	sld [smem:$0x3F95];
	_ =	swait.ge [sflag:s4], $0x0  }
0x19: {  	s7 =	sld [smem:$0x3F96]  }
0x1a: {  	s8 =	sadd.s32 $0xFFFFE003, lr  }
0x1b: {  	s9 =	sadd.s32 $0xFFFFFEF7, lr;
	s5 =	simm.s32 $0xFFFFFFFF;
	p2 =	slt.u32 s8, $0xFFFFF086  }
0x1c: {  	p1 =	slt.u32 s9, $0xF7A;
	s5 =	simm.s32 @!p2 $0x0  }
0x1d: {  	s5 =	simm.s32 @p1 $0x1;
	p0 =	seq.s32 s7, s2  }
0x1e: {  	s7 =	smul.u32 @!p0 $0xF7A, s2;
	p2 =	seq.s32 @!p0 s5, $0x0  }
0x1f: {  	s9 =	smul.u32 $0xF7A, s1;
	s8 =	simm.s32 @!p0 $0x1BF5;
	p2 =	por !p2, p0  }
0x20: {  	[sflag:s8] =	ssyncset.s32 @!p0 $0xFFFFF086;
	s6 =	sadd.s32 @!p0 s3, s7;
	s7 =	simm.s32 @!p0 $0x108  }
0x21: {  	s3 =	sadd.s32 s3, s9;
	s6 =	sadd.s32 @!p0 $0x88, s6;
	s7 =	simm.s32 @p2 $0x1082  }
0x22: {  	[simem:s7], [sflag:s8] =	dma.local @!p0 [hbm:s6], $0xF7A  }
0x23: {  	s9 =	sor.u32 $0xD0000000, s2;
	s6 =	simm.s32 $0x108;
	_ =	swait.ge @!p0 [sflag:s8], $0x0  }
0x24: {  	s3 =	sadd.s32 $0x88, s3;
	s6 =	simm.s32 @!p1 $0x1082;
	[sflag:s4] =	ssyncset.s32 $0xFFFFF086  }
0x25: {  	[simem:s6], [sflag:s4] =	dma.local [hbm:s3], $0xF7A  }
0x26: {  	[smem:$0x3F96] =	sst s1;
	(tag) =	ssettag s2;
	_ =	strace s9  }
0x27: {  	s1 =	sld [smem:$0x3FA6]  }
0x28: {  	s2 =	sld [smem:$0x3FA7]  }
0x29: {  	s4 =	sld [smem:$0x3FA9]  }
0x2a: {  	p0 =	seq.s32 s5, $0x0;
	s5 =	sld [smem:$0x3FAA]  }
0x2b: {  	s6 =	sld [smem:$0x3FAB]  }
0x2c: {  	s7 =	sld [smem:$0x3FAC]  }
0x2d: {  	s3 =	simm.s32 $0x108;
	s8 =	sld [smem:$0x3FAD]  }
0x2e: {  	s3 =	simm.s32 @!p0 $0x1082;
	s9 =	sld [smem:$0x3FAE]  }
0x2f: {  	lr =	sadd.s32 s0, s3;
	s0 =	sld [smem:$0x3FA5]  }
0x30: {  	s3 =	sld [smem:$0x3FA8]  }
0x31: {  	[smem:$0x3FB1] =	sst s10  }
0x32: {  	s10 =	sld [smem:$0x3FAF];
	_ =	sdelay $0x3  }
0x33: {  	p0 =	seq.s32 s10, $0x1;
	s10 =	sld [smem:$0x3FB1];
	_ =	sdelay $0x3  }
0x34: {  	[smem:$0x3FB1] =	sst s10  }
0x35: {  	s10 =	sld [smem:$0x3FB0];
	_ =	sdelay $0x3  }
0x36: {  	p1 =	seq.s32 s10, $0x1;
	s10 =	sld [smem:$0x3FB1];
	_ =	sdelay $0x3  }
0x37: {  	[smem:$0x3FB1] =	sst s10  }
0x38: {  	s10 =	sld [smem:$0x3FB2]  }
0x39: {  	_ = 	snop;
	(pc) =	sbr.ind lr, $3  }
0x3a: {  	_ = 	snop  }
0x3b: {  	_ = 	snop  }
0x3c: {  	p2 =	seq.s32 s10, $0x1;
	s10 =	sld [smem:$0x3FB1]  }
0x3d: {  	_ =	shalt  }
0x3e: {  	_ =	shalt  }
0x3f: {  	_ =	shalt  }
0x40: {  	_ =	shalt  }
0x41: {  	_ =	shalt  }
0x42: {  	_ =	shalt  }
0x43: {  	_ =	shalt  }
0x44: {  	_ =	shalt  }
0x45: {  	_ =	shalt  }
0x46: {  	_ =	shalt  }
0x47: {  	_ =	shalt  }
0x48: {  	_ =	shalt  }
0x49: {  	_ =	shalt  }
0x4a: {  	_ =	shalt  }
0x4b: {  	_ =	shalt  }
0x4c: {  	_ =	shalt  }
0x4d: {  	_ =	shalt  }
0x4e: {  	_ =	shalt  }
0x4f: {  	_ =	shalt  }
0x50: {  	_ =	shalt  }
0x51: {  	_ =	shalt  }
0x52: {  	_ =	shalt  }
0x53: {  	_ =	shalt  }
0x54: {  	_ =	shalt  }
0x55: {  	_ =	shalt  }
0x56: {  	_ =	shalt  }
0x57: {  	_ =	shalt  }
0x58: {  	_ =	shalt  }
0x59: {  	_ =	shalt  }
0x5a: {  	_ =	shalt  }
0x5b: {  	_ =	shalt  }
0x5c: {  	_ =	shalt  }
0x5d: {  	_ =	shalt  }
0x5e: {  	_ =	shalt  }
0x5f: {  	_ =	shalt  }
0x60: {  	_ =	shalt  }
0x61: {  	_ =	shalt  }
0x62: {  	_ =	shalt  }
0x63: {  	_ =	shalt  }
0x64: {  	_ =	shalt  }
0x65: {  	_ =	shalt  }
0x66: {  	_ =	shalt  }
0x67: {  	_ =	shalt  }
0x68: {  	_ =	shalt  }
0x69: {  	_ =	shalt  }
0x6a: {  	_ =	shalt  }
0x6b: {  	_ =	shalt  }
0x6c: {  	_ =	shalt  }
0x6d: {  	_ =	shalt  }
0x6e: {  	_ =	shalt  }
0x6f: {  	_ =	shalt  }
0x70: {  	_ =	shalt  }
0x71: {  	_ =	shalt  }
0x72: {  	_ =	shalt  }
0x73: {  	_ =	shalt  }
0x74: {  	_ =	shalt  }
0x75: {  	_ =	shalt  }
0x76: {  	_ =	shalt  }
0x77: {  	_ =	shalt  }
0x78: {  	_ =	shalt  }
0x79: {  	_ =	shalt  }
0x7a: {  	_ =	shalt  }
0x7b: {  	_ =	shalt  }
0x7c: {  	_ =	shalt  }
0x7d: {  	_ =	shalt  }
0x7e: {  	_ =	shalt  }
0x7f: {  	_ =	shalt  }
0x80: {  	_ =	shalt  }
0x81: {  	_ =	shalt  }
0x82: {  	_ =	shalt  }
0x83: {  	_ =	shalt  }
0x84: {  	_ =	shalt  }
0x85: {  	_ =	shalt  }
0x86: {  	_ =	shalt  }
0x87: {  	_ =	shalt  }
.Lfunc_end0:
.L_simem_size_0:
called_computation.3_lowered:
.L_overlay_start_0:
0x88: {  	s2 =	sld [smem:$0x3FD9]  }
0x89: {  	s3 =	sld [smem:$0x3FFE];
	_ =	sdelay $0x1  }
0x8a: {  	s1 =	srdreg.scid  }
0x8b: {  	s0 =	sand.u32 $0x1, s1  }
0x8c: {  	s16 =	sshll.u32 s0, $0xA;
	s2 =	sadd.s32 s3, s2  }
0x8d: {  	s2 =	sadd.s32 s2, s16  }
0x8e: {  	[smem:$0x3FBD] =	sst s2  }
0x8f: {  	_ = 	snop  }
0x90: {  	(tm) =	ssettm $0x1  }
0x91: {  	s17 =	sld [smem:$0x3FFB];
	_ =	sdelay $0x3  }
0x92: {  	_ =	strace s17  }
0x93: {  	s2 =	sld [smem:$0x3FFC];
	_ =	sdelay $0x3  }
0x94: {  	_ =	strace s2  }
0x95: {  	s2 =	sld [smem:$0x3FFD];
	_ =	sdelay $0x3  }
0x96: {  	_ =	strace s2  }
0x97: {  	_ =	strace $0x8FFFFFFF  }
0x98: {  	s18 =	sld [smem:$0x3FDB];
	_ =	sdelay $0x1  }
0x99: {  	s19 =	simm.s32 $_scs_section_size  }
0x9a: {  	s4 =	simm.s32 $_size__tile_overlayer_lowered;
	s5 =	simm.s32 $_tile_overlayer_lowered  }
0x9b: {  	s22 =	simm.s32 $0x1BFF;
	s21 =	sshll.u32 s5, $0x1;
	s2 =	sadd.s32 s19, s18  }
0x9c: {  	s6 =	simm.s32 $0x0;
	s20 =	sshll.u32 s4, $0x1;
	s4 =	sadd.s32 s21, s2  }
0x9d: {  	[timem:s6], [sflag:s22] =	dma.local [hbm:s4], s20  }
0x9e: {  	_ =	swait.ge [sflag:s22], s20  }
0x9f: {  	s3 =	ssub.s32 $0x0, s20;
	[sflag:s22] =	ssyncset.done $0x0  }
0xa0: {  	[sflag:s22] =	ssyncadd.s32 s3;
	_ =	sdelay $0x1  }
0xa1: {  	s23 =	simm.s32 $0x1B8B  }
0xa2: {  	_ =	swait.ge [sflag:s23], $0x1  }
0xa3: {  	[sflag:s23] =	ssyncset.done $0x0  }
0xa4: {  	s25 =	simm.s32 $0x1B8E;
	s24 =	sld [smem:$0x3FFE];
	[sflag:s23] =	ssyncadd.s32 $0xFFFFFFFF  }
0xa5: {  	s26 =	simm.s32 $execute0_lowered;
	[smem:$0x3FD2] =	sst s25  }
0xa6: {  	s4 =	sshll.u32 s26, $0x1;
	_ =	strace $0x8000004F;
	[dreg:$0x1] =	wrdreg $0xFFFFFFFF  }
0xa7: {  	s28 =	simm.s32 $_size_execute0_lowered;
	s2 =	sadd.s32 s2, s4;
	[dreg:$0x0] =	wrdreg $0x0  }
0xa8: {  	s4 =	sshll.u32 s28, $0x1;
	[dreg:$0x2] =	wrdreg s2  }
0xa9: {  	[dreg:$0x3] =	wrdreg s4  }
0xaa: {  	[dreg:$0x4] =	wrdreg $0xC0  }
0xab: {  	_ =	task [dreg:s6], $0x5FFFF  }
0xac: {  	[dreg:$0x1] =	wrdreg $0xFFFFFFFF  }
0xad: {  	[dreg:$0x0] =	wrdreg $0x60  }
0xae: {  	[dreg:$0x2] =	wrdreg s24  }
0xaf: {  	[dreg:$0x3] =	wrdreg $0x81000  }
0xb0: {  	[dreg:$0x4] =	wrdreg $0x9  }
0xb1: {  	_ =	task.clear_ibuf [dreg:s6], $0x5FFFF;
	_ =	strace $0x9000004F  }
0xb2: {  	s29 =	simm.s32 $0x9;
	_ =	strace $0x80000051  }
0xb3: {  	_ =	swait.ge [sflag:s29], $0x1  }
0xb4: {  	[sflag:s29] =	ssyncadd.s32 $0xFFFFFFFF  }
0xb5: {  	_ =	strace $0x90000051  }
0xb6: {  	_ =	sfence  }
0xb7: {  	s30 =	sld [smem:$0x0];
	_ =	sdelay $0x2  }
0xb8: {  	s31 =	sshll.u32 s1, $0xD;
	s1 =	sshrl.u32 s1, $0x2  }
0xb9: {  	s3 =	sand.u32 $0x4000, s31;
	s1 =	sadd.s32 s1, s30  }
0xba: {  	s0 =	sor.u32 s3, s0;
	s1 =	sshll.u32 s1, $0x11  }
0xbb: {  	s0 =	sor.u32 s1, s0  }
0xbc: {  	s0 =	sadd.s32 $0x8F2B, s0  }
0xbd: {  	[sflag:s0] =	ssyncadd.remote.s32 $0x1  }
0xbe: {  	_ =	sfence.sel $0xFFFF  }
0xbf: {  	[dreg:$0x0] =	wrdreg $0xFFFFFFFF;
	(pc) =	sbr.abs _section_cstart, $3  }
0xc0: {  	[dreg:$0x1] =	wrdreg $0xFFFFFFFF  }
0xc1: {  	_ =	task.clear_ibuf [dreg:s6], $0x2FFFF;
	_ =	strace $0x9FFFFFFF  }
0xc2: {  	(tm) =	ssettm $0x7FFFFFFF  }
0xc3: {  	_ =	shalt  }
tec
execute0_lowered:
.L_overlay_start_1:
0x0: {  	(tag) =	ssettag $0x1  }
0x1: {  	s6 =	rddreg [dreg:$0x0]  }
0x2: {  	s0 =	srdreg.scid;
	s1 =	rddreg [dreg:$0x1];
	s3 =	simm.s32 $0x0  }
0x3: {  	s2 =	stileid.u32;
	s15 =	simm.s32 $0x4100;
	s16 =	simm.s32 $0x2  }
0x4: {  	s17 =	simm.s32 $0x80;
	s18 =	simm.s32 $0x100;
	s9 =	smul.u32 $0x14000, s2  }
0x5: {  	s19 =	simm.s32 $0x1;
	s22 =	simm.s32 $0x0;
	s29 =	smul.u32 $0x50000, s2  }
0x6: {  	s7 =	sand.u32 $0x1, s0;
	s0 =	rddreg [dreg:$0x2];
	s14 =	smul.u32 $0x500, s2  }
0x7: {  	[smem:$0x7FF] =	sst s3;
	s4 =	sadd.s32 $0xEC00, s6;
	s5 =	smul.u32 $0x5000, s7  }
0x8: {  	s20 =	sshll.u32 s2, $0x6;
	s8 =	smul.u32 $0x140000, s7;
	s7 =	ssub.s32 $0x2, s7  }
0x9: {  	_ =	strace $0x80000050;
	s20 =	sor.u32 $0x1C02, s20;
	s30 =	sshrl.u32 s7, $0x1  }
0xa: {  	s31 =	sshrl.u32 s29, $0x2;
	s12 =	sadd.s32 s5, s6;
	s8 =	sadd.s32 s9, s8  }
0xb: {  	s5 =	sadd.s32 $0xE400, s6;
	s13 =	ssub.s32 s7, s30;
	s8 =	sshrl.u32 s8, $0x3  }
0xc: {  	s14 =	sadd.s32 s14, s12;
	s12 =	smax.u32 s13, $0x1;
	s11 =	sadd.s32 s8, s6  }
0xd: {  	s6 =	sadd.s32 s31, s1;
	s13 =	sadd.s32 $0x4400, s14;
	s14 =	sadd.s32 $0x5F400, s14  }
0xe: {  	s7 =	sadd.s32 $0x4000, s6;
	s8 =	sadd.s32 $0x8000, s6;
	s9 =	sadd.s32 $0xC000, s6  }
0xf: {  	s10 =	sadd.s32 $0x10000, s6;
	s11 =	sadd.s32 $0x69400, s11;
	s21 =	sshrl.u32 s6, $0x3  }
.LBB2_1:
0x10: {  	[tilespmem:s15], [sflag:$0x2] =	stream.linear.gather [hbm4b:s5+s3], $0x4000, $0x38;
	[tilespmem:$0x1C100] =	vst v63  }
0x11: {  	_ =	swait.ge [sflag:s16], $0x4000  }
0x12: {  	[sflag:s16] =	ssyncset.done $0x0  }
0x13: {  	[sflag:s16] =	ssyncadd.s32 $0xFFFFC000  }
0x14: {  	[spmem:s6] =	stream.linear.scatter [tilespmem:s15], [sflag:$0x2], $0x4000, $0x38;
	[tilespmem:$0x1C100] =	vst v63  }
0x15: {  	_ =	swait.ge [sflag:s16], $0x4000  }
0x16: {  	[sflag:s16] =	ssyncset.done $0x0  }
0x17: {  	[sflag:s16] =	ssyncadd.s32 $0xFFFFC000  }
0x18: {  	[spmem:s7] =	stream.linear.scatter [tilespmem:s15], [sflag:$0x2], $0x4000, $0x38;
	[tilespmem:$0x1C100] =	vst v63  }
0x19: {  	_ =	swait.ge [sflag:s16], $0x4000  }
0x1a: {  	[sflag:s16] =	ssyncset.done $0x0  }
0x1b: {  	[sflag:s16] =	ssyncadd.s32 $0xFFFFC000  }
0x1c: {  	[spmem:s8] =	stream.linear.scatter [tilespmem:s15], [sflag:$0x2], $0x4000, $0x38;
	[tilespmem:$0x1C100] =	vst v63  }
0x1d: {  	_ =	swait.ge [sflag:s16], $0x4000  }
0x1e: {  	[sflag:s16] =	ssyncset.done $0x0  }
0x1f: {  	[sflag:s16] =	ssyncadd.s32 $0xFFFFC000  }
0x20: {  	[spmem:s9] =	stream.linear.scatter [tilespmem:s15], [sflag:$0x2], $0x4000, $0x38;
	[tilespmem:$0x1C100] =	vst v63  }
0x21: {  	_ =	swait.ge [sflag:s16], $0x4000  }
0x22: {  	[sflag:s16] =	ssyncset.done $0x0  }
0x23: {  	[sflag:s16] =	ssyncadd.s32 $0xFFFFC000  }
0x24: {  	[spmem:s10] =	stream.linear.scatter [tilespmem:s15], [sflag:$0x2], $0x4000, $0x38;
	[tilespmem:$0x1C100] =	vst v63  }
0x25: {  	_ =	swait.ge [sflag:s16], $0x4000  }
0x26: {  	[sflag:s16] =	ssyncset.done $0x0  }
0x27: {  	[sflag:s16] =	ssyncadd.s32 $0xFFFFC000  }
0x28: {  	s23 =	sadd.s32 $0x0, s14;
	[bflag:$0x0] =	sbarrier.arrive $0xFFFF  }
0x29: {  	[tilespmem:s3], [sflag:$0x2] =	stream.linear.gather [hbm4b:s23+s3], $0x80, $0x38;
	[tilespmem:$0x1C100] =	vst v63  }
0x2a: {  	_ =	swait.ge [sflag:s16], $0x80  }
0x2b: {  	[sflag:s16] =	ssyncset.done $0x0  }
0x2c: {  	s31 =	sadd.s32 $0x0, s13;
	[sflag:s16] =	ssyncadd.s32 $0xFFFFFF80  }
0x2d: {  	[tilespmem:s17], [sflag:$0x2] =	stream.linear.gather [hbm4b:s31+s3], $0x80, $0x38;
	[tilespmem:$0x1C100] =	vst v63  }
0x2e: {  	_ =	swait.ge [sflag:s16], $0x80  }
0x2f: {  	[sflag:s16] =	ssyncset.done $0x0  }
0x30: {  	[sflag:s16] =	ssyncadd.s32 $0xFFFFFF80  }
0x31: {  	[tilespmem:s18], [sflag:$0x1] =	stream.indirect.gather [hbm4b:s4+s17], $0x80, s3, s17, $0xb8;
	[tilespmem:$0x1C100] =	vst v63  }
0x32: {  	_ =	swait.ge [sflag:s19], $0x4000  }
0x33: {  	[sflag:s19] =	ssyncset.done $0x0  }
0x34: {  	[sflag:s19] =	ssyncadd.s32 $0xFFFFC000  }
0x35: {  	[spmem:s1] =	stream.indirect.scatter.add.f32 [tilespmem:s18], [sflag:$0x2], $0x80, s17, s17, $0xb8;
	[tilespmem:$0x1C100] =	vst v63  }
0x36: {  	_ =	swait.ge [sflag:s16], $0x4000  }
0x37: {  	s24 =	simm.s32 $0x20;
	s23 =	simm.s32 $0x10;
	[sflag:s16] =	ssyncset.done $0x0  }
.LBB2_2:
0x38: {  	s25 =	sadd.s32 s23, s14  }
0x39: {  	[sflag:s16] =	ssyncadd.s32 $0xFFFFC000;
	s26 =	smov.u32 s24;
	s28 =	sadd.s32 $0x10, s24  }
0x3a: {  	[tilespmem:s3], [sflag:$0x2] =	stream.linear.gather [hbm4b:s25+s3], $0x80, $0x38;
	[tilespmem:$0x1C100] =	vst v63  }
0x3b: {  	p0 =	sne.s32 s24, $0x4F0;
	_ =	swait.ge [sflag:s16], $0x80  }
0x3c: {  	[sflag:s16] =	ssyncset.done $0x0  }
0x3d: {  	s24 =	sadd.s32 s23, s13;
	s23 =	smov.u32 s26;
	[sflag:s16] =	ssyncadd.s32 $0xFFFFFF80  }
0x3e: {  	[tilespmem:s17], [sflag:$0x2] =	stream.linear.gather [hbm4b:s24+s3], $0x80, $0x38;
	[tilespmem:$0x1C100] =	vst v63  }
0x3f: {  	_ =	swait.ge [sflag:s16], $0x80  }
0x40: {  	[sflag:s16] =	ssyncset.done $0x0  }
0x41: {  	[sflag:s16] =	ssyncadd.s32 $0xFFFFFF80  }
0x42: {  	[tilespmem:s18], [sflag:$0x1] =	stream.indirect.gather [hbm4b:s4+s17], $0x80, s3, s17, $0xb8;
	[tilespmem:$0x1C100] =	vst v63  }
0x43: {  	_ =	swait.ge [sflag:s19], $0x4000  }
.Ltmp0:
0x44: {  	[sflag:s19] =	ssyncset.done $0x0;
	(pc) =	sbr.rel @p0 .LBB2_2-.Ltmp0, $4  }
0x45: {  	[sflag:s19] =	ssyncadd.s32 $0xFFFFC000  }
0x46: {  	[spmem:s1] =	stream.indirect.scatter.add.f32 [tilespmem:s18], [sflag:$0x2], $0x80, s17, s17, $0xb8;
	[tilespmem:$0x1C100] =	vst v63  }
0x47: {  	_ =	swait.ge [sflag:s16], $0x4000  }
0x48: {  	s24 =	smov.u32 s28;
	[sflag:s16] =	ssyncset.done $0x0  }
0x49: {  	s24 =	sadd.s32 s23, s14;
	[sflag:s16] =	ssyncadd.s32 $0xFFFFC000  }
0x4a: {  	[tilespmem:s3], [sflag:$0x2] =	stream.linear.gather [hbm4b:s24+s3], $0x80, $0x38;
	[tilespmem:$0x1C100] =	vst v63  }
0x4b: {  	_ =	swait.ge [sflag:s16], $0x80  }
0x4c: {  	[sflag:s16] =	ssyncset.done $0x0  }
0x4d: {  	s31 =	sadd.s32 s23, s13;
	[sflag:s16] =	ssyncadd.s32 $0xFFFFFF80  }
0x4e: {  	[tilespmem:s17], [sflag:$0x2] =	stream.linear.gather [hbm4b:s31+s3], $0x80, $0x38;
	[tilespmem:$0x1C100] =	vst v63  }
0x4f: {  	_ =	swait.ge [sflag:s16], $0x80  }
0x50: {  	[sflag:s16] =	ssyncset.done $0x0  }
0x51: {  	[sflag:s16] =	ssyncadd.s32 $0xFFFFFF80  }
0x52: {  	[tilespmem:s18], [sflag:$0x1] =	stream.indirect.gather [hbm4b:s4+s17], $0x80, s3, s17, $0xb8;
	[tilespmem:$0x1C100] =	vst v63  }
0x53: {  	_ =	swait.ge [sflag:s19], $0x4000  }
0x54: {  	[sflag:s19] =	ssyncset.done $0x0  }
0x55: {  	[sflag:s19] =	ssyncadd.s32 $0xFFFFC000  }
0x56: {  	[spmem:s1] =	stream.indirect.scatter.add.f32 [tilespmem:s18], [sflag:$0x2], $0x80, s17, s17, $0xb8;
	[tilespmem:$0x1C100] =	vst v63  }
0x57: {  	_ =	swait.ge [sflag:s16], $0x4000  }
0x58: {  	s22 =	sadd.s32 $0x1, s22;
	[sflag:s16] =	ssyncset.done $0x0  }
0x59: {  	p0 =	sne.s32 s22, s12;
	[sflag:s16] =	ssyncadd.s32 $0xFFFFC000  }
.Ltmp1:
0x5a: {  	[bflag:$0x0] =	sbarrier.arrive $0xFFFF;
	(pc) =	sbr.rel @p0 .LBB2_1-.Ltmp1, $4  }
0x5b: {  	[hbm:s11], [sflag:s20] =	dma.local [spmem:s21], $0x2800  }
0x5c: {  	_ =	swait.ge [sflag:s16], $0x2800  }
0x5d: {  	[sflag:s16] =	ssyncset.done $0x0  }
0x5e: {  	[sflag:s16] =	ssyncadd.s32 $0xFFFFD800  }
0x5f: {  	_ =	sfence.sel $0x180000  }
0x60: {  	[bflag:$0x0] =	sbarrier.arrive $0xFFFF  }
0x61: {  	p0 =	sne.s32 s2, $0x0;
	_ =	strace $0x90000050  }
0x62: {  	s0 =	sadd.s32 @!p0 $0x100000, s0;
	[bflag:$0x2] =	sbarrier.arrive $0xFFFF  }
0x63: {  	[sflag:s0] =	ssyncadd.tile.s32 @!p0 $0x1;
	_ =	shalt  }
.Lfunc_end2:
_tile_overlayer_lowered:
.L_overlay_start_2:
0x64: {  	(tag) =	ssettag $0x2  }
0x65: {  	s0 =	rddreg [dreg:$0x0];
	s2 =	stileid.u32  }
0x66: {  	s1 =	rddreg [dreg:$0x1];
	p0 =	sne.s32 s2, $0x0  }
0x67: {  	s3 =	rddreg [dreg:$0x2];
	[bflag:$0x3] =	sbarrier.arrive $0xFFFF;
	s2 =	simm.s32 @!p0 $0x1C02  }
0x68: {  	[timem:s3], [sflag:s2] =	dma.local @!p0 [hbm:s0], s1  }
0x69: {  	s0 =	simm.s32 @!p0 $0x2  }
0x6a: {  	_ =	swait.ge @!p0 [sflag:s0], s1  }
0x6b: {  	s1 =	ssub.s32 @!p0 $0x0, s1;
	[sflag:s0] =	ssyncset.done @!p0 $0x0  }
0x6c: {  	[sflag:s0] =	ssyncadd.s32 @!p0 s1  }
0x6d: {  	[bflag:$0x3] =	sbarrier.arrive $0xFFFF  }
0x6e: {  	_ =	shalt  }

// kernel: kernel.24.cloned.1.call-start
scs
__scs_entry_jumppad:
0x0: {  	(pc) =	sbr.rel $0x88, $3  }
0x1: {  	(tag) =	ssettag $0x0;
	lr =	simm.s32 $0x1  }
0x2: {  	[smem:$0x3F96] =	sst lr;
	_ =	strace $0xD0000000  }
0x3: {  	_ = 	snop  }
0x4: {  	_ = 	snop  }
0x5: {  	_ = 	snop  }
0x6: {  	_ = 	snop  }
0x7: {  	_ = 	snop  }
__scs_overlays_trampoline_lowered:
0x8: {  	[smem:$0x3FA5] =	sst s0  }
0x9: {  	[smem:$0x3FA6] =	sst s1  }
0xa: {  	[smem:$0x3FA7] =	sst s2  }
0xb: {  	[smem:$0x3FA8] =	sst s3  }
0xc: {  	[smem:$0x3FA9] =	sst s4  }
0xd: {  	[smem:$0x3FAA] =	sst s5  }
0xe: {  	[smem:$0x3FAB] =	sst s6  }
0xf: {  	[smem:$0x3FAC] =	sst s7  }
0x10: {  	[smem:$0x3FAD] =	sst s8  }
0x11: {  	[smem:$0x3FAE] =	sst s9;
	s0 =	simm.s32 @!p0 $0x0  }
0x12: {  	s1 =	sld [smem:$0x3F94];
	s0 =	simm.s32 @p0 $0x1  }
0x13: {  	[smem:$0x3FAF] =	sst s0;
	s0 =	simm.s32 @!p1 $0x0  }
0x14: {  	s2 =	sld [smem:$0x3F93];
	s0 =	simm.s32 @p1 $0x1  }
0x15: {  	[smem:$0x3FB0] =	sst s0;
	s0 =	simm.s32 @!p2 $0x0  }
0x16: {  	s3 =	sld [smem:$0x3FDB];
	s0 =	simm.s32 @p2 $0x1  }
0x17: {  	s4 =	simm.s32 $0x1BF5;
	[smem:$0x3FB2] =	sst s0  }
0x18: {  	s0 =	sld [smem:$0x3F95];
	_ =	swait.ge [sflag:s4], $0x0  }
0x19: {  	s7 =	sld [smem:$0x3F96]  }
0x1a: {  	s8 =	sadd.s32 $0xFFFFE003, lr  }
0x1b: {  	s9 =	sadd.s32 $0xFFFFFEF7, lr;
	s5 =	simm.s32 $0xFFFFFFFF;
	p2 =	slt.u32 s8, $0xFFFFF086  }
0x1c: {  	p1 =	slt.u32 s9, $0xF7A;
	s5 =	simm.s32 @!p2 $0x0  }
0x1d: {  	s5 =	simm.s32 @p1 $0x1;
	p0 =	seq.s32 s7, s2  }
0x1e: {  	s7 =	smul.u32 @!p0 $0xF7A, s2;
	p2 =	seq.s32 @!p0 s5, $0x0  }
0x1f: {  	s9 =	smul.u32 $0xF7A, s1;
	s8 =	simm.s32 @!p0 $0x1BF5;
	p2 =	por !p2, p0  }
0x20: {  	[sflag:s8] =	ssyncset.s32 @!p0 $0xFFFFF086;
	s6 =	sadd.s32 @!p0 s3, s7;
	s7 =	simm.s32 @!p0 $0x108  }
0x21: {  	s3 =	sadd.s32 s3, s9;
	s6 =	sadd.s32 @!p0 $0x88, s6;
	s7 =	simm.s32 @p2 $0x1082  }
0x22: {  	[simem:s7], [sflag:s8] =	dma.local @!p0 [hbm:s6], $0xF7A  }
0x23: {  	s9 =	sor.u32 $0xD0000000, s2;
	s6 =	simm.s32 $0x108;
	_ =	swait.ge @!p0 [sflag:s8], $0x0  }
0x24: {  	s3 =	sadd.s32 $0x88, s3;
	s6 =	simm.s32 @!p1 $0x1082;
	[sflag:s4] =	ssyncset.s32 $0xFFFFF086  }
0x25: {  	[simem:s6], [sflag:s4] =	dma.local [hbm:s3], $0xF7A  }
0x26: {  	[smem:$0x3F96] =	sst s1;
	(tag) =	ssettag s2;
	_ =	strace s9  }
0x27: {  	s1 =	sld [smem:$0x3FA6]  }
0x28: {  	s2 =	sld [smem:$0x3FA7]  }
0x29: {  	s4 =	sld [smem:$0x3FA9]  }
0x2a: {  	p0 =	seq.s32 s5, $0x0;
	s5 =	sld [smem:$0x3FAA]  }
0x2b: {  	s6 =	sld [smem:$0x3FAB]  }
0x2c: {  	s7 =	sld [smem:$0x3FAC]  }
0x2d: {  	s3 =	simm.s32 $0x108;
	s8 =	sld [smem:$0x3FAD]  }
0x2e: {  	s3 =	simm.s32 @!p0 $0x1082;
	s9 =	sld [smem:$0x3FAE]  }
0x2f: {  	lr =	sadd.s32 s0, s3;
	s0 =	sld [smem:$0x3FA5]  }
0x30: {  	s3 =	sld [smem:$0x3FA8]  }
0x31: {  	[smem:$0x3FB1] =	sst s10  }
0x32: {  	s10 =	sld [smem:$0x3FAF];
	_ =	sdelay $0x3  }
0x33: {  	p0 =	seq.s32 s10, $0x1;
	s10 =	sld [smem:$0x3FB1];
	_ =	sdelay $0x3  }
0x34: {  	[smem:$0x3FB1] =	sst s10  }
0x35: {  	s10 =	sld [smem:$0x3FB0];
	_ =	sdelay $0x3  }
0x36: {  	p1 =	seq.s32 s10, $0x1;
	s10 =	sld [smem:$0x3FB1];
	_ =	sdelay $0x3  }
0x37: {  	[smem:$0x3FB1] =	sst s10  }
0x38: {  	s10 =	sld [smem:$0x3FB2]  }
0x39: {  	_ = 	snop;
	(pc) =	sbr.ind lr, $3  }
0x3a: {  	_ = 	snop  }
0x3b: {  	_ = 	snop  }
0x3c: {  	p2 =	seq.s32 s10, $0x1;
	s10 =	sld [smem:$0x3FB1]  }
0x3d: {  	_ =	shalt  }
0x3e: {  	_ =	shalt  }
0x3f: {  	_ =	shalt  }
0x40: {  	_ =	shalt  }
0x41: {  	_ =	shalt  }
0x42: {  	_ =	shalt  }
0x43: {  	_ =	shalt  }
0x44: {  	_ =	shalt  }
0x45: {  	_ =	shalt  }
0x46: {  	_ =	shalt  }
0x47: {  	_ =	shalt  }
0x48: {  	_ =	shalt  }
0x49: {  	_ =	shalt  }
0x4a: {  	_ =	shalt  }
0x4b: {  	_ =	shalt  }
0x4c: {  	_ =	shalt  }
0x4d: {  	_ =	shalt  }
0x4e: {  	_ =	shalt  }
0x4f: {  	_ =	shalt  }
0x50: {  	_ =	shalt  }
0x51: {  	_ =	shalt  }
0x52: {  	_ =	shalt  }
0x53: {  	_ =	shalt  }
0x54: {  	_ =	shalt  }
0x55: {  	_ =	shalt  }
0x56: {  	_ =	shalt  }
0x57: {  	_ =	shalt  }
0x58: {  	_ =	shalt  }
0x59: {  	_ =	shalt  }
0x5a: {  	_ =	shalt  }
0x5b: {  	_ =	shalt  }
0x5c: {  	_ =	shalt  }
0x5d: {  	_ =	shalt  }
0x5e: {  	_ =	shalt  }
0x5f: {  	_ =	shalt  }
0x60: {  	_ =	shalt  }
0x61: {  	_ =	shalt  }
0x62: {  	_ =	shalt  }
0x63: {  	_ =	shalt  }
0x64: {  	_ =	shalt  }
0x65: {  	_ =	shalt  }
0x66: {  	_ =	shalt  }
0x67: {  	_ =	shalt  }
0x68: {  	_ =	shalt  }
0x69: {  	_ =	shalt  }
0x6a: {  	_ =	shalt  }
0x6b: {  	_ =	shalt  }
0x6c: {  	_ =	shalt  }
0x6d: {  	_ =	shalt  }
0x6e: {  	_ =	shalt  }
0x6f: {  	_ =	shalt  }
0x70: {  	_ =	shalt  }
0x71: {  	_ =	shalt  }
0x72: {  	_ =	shalt  }
0x73: {  	_ =	shalt  }
0x74: {  	_ =	shalt  }
0x75: {  	_ =	shalt  }
0x76: {  	_ =	shalt  }
0x77: {  	_ =	shalt  }
0x78: {  	_ =	shalt  }
0x79: {  	_ =	shalt  }
0x7a: {  	_ =	shalt  }
0x7b: {  	_ =	shalt  }
0x7c: {  	_ =	shalt  }
0x7d: {  	_ =	shalt  }
0x7e: {  	_ =	shalt  }
0x7f: {  	_ =	shalt  }
0x80: {  	_ =	shalt  }
0x81: {  	_ =	shalt  }
0x82: {  	_ =	shalt  }
0x83: {  	_ =	shalt  }
0x84: {  	_ =	shalt  }
0x85: {  	_ =	shalt  }
0x86: {  	_ =	shalt  }
0x87: {  	_ =	shalt  }
.Lfunc_end0:
.L_simem_size_0:
called_computation.4_lowered:
.L_overlay_start_0:
0x88: {  	s2 =	sld [smem:$0x3FD9]  }
0x89: {  	s3 =	sld [smem:$0x3FFE];
	_ =	sdelay $0x1  }
0x8a: {  	s1 =	srdreg.scid  }
0x8b: {  	s0 =	sand.u32 $0x1, s1  }
0x8c: {  	s16 =	sshll.u32 s0, $0xA;
	s2 =	sadd.s32 s3, s2  }
0x8d: {  	s2 =	sadd.s32 s2, s16  }
0x8e: {  	[smem:$0x3FBD] =	sst s2  }
0x8f: {  	_ = 	snop  }
0x90: {  	(tm) =	ssettm $0x1  }
0x91: {  	s17 =	sld [smem:$0x3FFB];
	_ =	sdelay $0x3  }
0x92: {  	_ =	strace s17  }
0x93: {  	s2 =	sld [smem:$0x3FFC];
	_ =	sdelay $0x3  }
0x94: {  	_ =	strace s2  }
0x95: {  	s2 =	sld [smem:$0x3FFD];
	_ =	sdelay $0x3  }
0x96: {  	_ =	strace s2  }
0x97: {  	_ =	strace $0x8FFFFFFF  }
0x98: {  	s18 =	sld [smem:$0x3FDB];
	_ =	sdelay $0x1  }
0x99: {  	s19 =	simm.s32 $_scs_section_size  }
0x9a: {  	s4 =	simm.s32 $_size__tile_overlayer_lowered;
	s5 =	simm.s32 $_tile_overlayer_lowered  }
0x9b: {  	s22 =	simm.s32 $0x1BFF;
	s21 =	sshll.u32 s5, $0x1;
	s2 =	sadd.s32 s19, s18  }
0x9c: {  	s6 =	simm.s32 $0x0;
	s20 =	sshll.u32 s4, $0x1;
	s4 =	sadd.s32 s21, s2  }
0x9d: {  	[timem:s6], [sflag:s22] =	dma.local [hbm:s4], s20  }
0x9e: {  	_ =	swait.ge [sflag:s22], s20  }
0x9f: {  	s3 =	ssub.s32 $0x0, s20;
	[sflag:s22] =	ssyncset.done $0x0  }
0xa0: {  	[sflag:s22] =	ssyncadd.s32 s3;
	_ =	sdelay $0x1  }
0xa1: {  	s23 =	simm.s32 $0x1B8B  }
0xa2: {  	_ =	swait.ge [sflag:s23], $0x1  }
0xa3: {  	[sflag:s23] =	ssyncset.done $0x0  }
0xa4: {  	s25 =	simm.s32 $0x1B8E;
	s24 =	sld [smem:$0x3FFE];
	[sflag:s23] =	ssyncadd.s32 $0xFFFFFFFF  }
0xa5: {  	s26 =	simm.s32 $execute0_lowered;
	[smem:$0x3FD2] =	sst s25  }
0xa6: {  	s4 =	sshll.u32 s26, $0x1;
	_ =	strace $0x80000052;
	[dreg:$0x1] =	wrdreg $0xFFFFFFFF  }
0xa7: {  	s28 =	simm.s32 $_size_execute0_lowered;
	s2 =	sadd.s32 s2, s4;
	[dreg:$0x0] =	wrdreg $0x0  }
0xa8: {  	s4 =	sshll.u32 s28, $0x1;
	[dreg:$0x2] =	wrdreg s2  }
0xa9: {  	[dreg:$0x3] =	wrdreg s4  }
0xaa: {  	[dreg:$0x4] =	wrdreg $0xC0  }
0xab: {  	_ =	task [dreg:s6], $0x5FFFF  }
0xac: {  	[dreg:$0x1] =	wrdreg $0xFFFFFFFF  }
0xad: {  	[dreg:$0x0] =	wrdreg $0x60  }
0xae: {  	[dreg:$0x2] =	wrdreg s24  }
0xaf: {  	[dreg:$0x3] =	wrdreg $0x81000  }
0xb0: {  	[dreg:$0x4] =	wrdreg $0x9  }
0xb1: {  	_ =	task.clear_ibuf [dreg:s6], $0x5FFFF;
	_ =	strace $0x90000052  }
0xb2: {  	s29 =	simm.s32 $0x9;
	_ =	strace $0x80000054  }
0xb3: {  	_ =	swait.ge [sflag:s29], $0x1  }
0xb4: {  	[sflag:s29] =	ssyncadd.s32 $0xFFFFFFFF  }
0xb5: {  	_ =	strace $0x90000054  }
0xb6: {  	_ =	sfence  }
0xb7: {  	s30 =	sld [smem:$0x0];
	_ =	sdelay $0x2  }
0xb8: {  	s31 =	sshll.u32 s1, $0xD;
	s1 =	sshrl.u32 s1, $0x2  }
0xb9: {  	s3 =	sand.u32 $0x4000, s31;
	s1 =	sadd.s32 s1, s30  }
0xba: {  	s0 =	sor.u32 s3, s0;
	s1 =	sshll.u32 s1, $0x11  }
0xbb: {  	s0 =	sor.u32 s1, s0  }
0xbc: {  	s0 =	sadd.s32 $0x8F2B, s0  }
0xbd: {  	[sflag:s0] =	ssyncadd.remote.s32 $0x1  }
0xbe: {  	_ =	sfence.sel $0xFFFF  }
0xbf: {  	[dreg:$0x0] =	wrdreg $0xFFFFFFFF;
	(pc) =	sbr.abs _section_cstart, $3  }
0xc0: {  	[dreg:$0x1] =	wrdreg $0xFFFFFFFF  }
0xc1: {  	_ =	task.clear_ibuf [dreg:s6], $0x2FFFF;
	_ =	strace $0x9FFFFFFF  }
0xc2: {  	(tm) =	ssettm $0x7FFFFFFF  }
0xc3: {  	_ =	shalt  }
tec
execute0_lowered:
.L_overlay_start_1:
0x0: {  	(tag) =	ssettag $0x1  }
0x1: {  	s6 =	rddreg [dreg:$0x0]  }
0x2: {  	s0 =	srdreg.scid;
	s1 =	rddreg [dreg:$0x1];
	s3 =	simm.s32 $0x0  }
0x3: {  	s2 =	stileid.u32;
	s15 =	simm.s32 $0x4100;
	s16 =	simm.s32 $0x2  }
0x4: {  	s17 =	simm.s32 $0x80;
	s18 =	simm.s32 $0x100;
	s9 =	smul.u32 $0x14000, s2  }
0x5: {  	s19 =	simm.s32 $0x1;
	s22 =	simm.s32 $0x0;
	s29 =	smul.u32 $0x50000, s2  }
0x6: {  	s7 =	sand.u32 $0x1, s0;
	s0 =	rddreg [dreg:$0x2];
	s14 =	smul.u32 $0x500, s2  }
0x7: {  	[smem:$0x7FF] =	sst s3;
	s4 =	sadd.s32 $0xEC00, s6;
	s5 =	smul.u32 $0x5000, s7  }
0x8: {  	s20 =	sshll.u32 s2, $0x6;
	s8 =	smul.u32 $0x140000, s7;
	s7 =	ssub.s32 $0x2, s7  }
0x9: {  	_ =	strace $0x80000053;
	s20 =	sor.u32 $0x1C02, s20;
	s30 =	sshrl.u32 s7, $0x1  }
0xa: {  	s31 =	sshrl.u32 s29, $0x2;
	s12 =	sadd.s32 s5, s6;
	s8 =	sadd.s32 s9, s8  }
0xb: {  	s5 =	sadd.s32 $0xE400, s6;
	s13 =	ssub.s32 s7, s30;
	s8 =	sshrl.u32 s8, $0x3  }
0xc: {  	s14 =	sadd.s32 s14, s12;
	s12 =	smax.u32 s13, $0x1;
	s11 =	sadd.s32 s8, s6  }
0xd: {  	s6 =	sadd.s32 s31, s1;
	s13 =	sadd.s32 $0x4400, s14;
	s14 =	sadd.s32 $0x5F400, s14  }
0xe: {  	s7 =	sadd.s32 $0x4000, s6;
	s8 =	sadd.s32 $0x8000, s6;
	s9 =	sadd.s32 $0xC000, s6  }
0xf: {  	s10 =	sadd.s32 $0x10000, s6;
	s11 =	sadd.s32 $0x69400, s11;
	s21 =	sshrl.u32 s6, $0x3  }
.LBB2_1:
0x10: {  	[tilespmem:s15], [sflag:$0x2] =	stream.linear.gather [hbm4b:s5+s3], $0x4000, $0x38;
	[tilespmem:$0x1C100] =	vst v63  }
0x11: {  	_ =	swait.ge [sflag:s16], $0x4000  }
0x12: {  	[sflag:s16] =	ssyncset.done $0x0  }
0x13: {  	[sflag:s16] =	ssyncadd.s32 $0xFFFFC000  }
0x14: {  	[spmem:s6] =	stream.linear.scatter [tilespmem:s15], [sflag:$0x2], $0x4000, $0x38;
	[tilespmem:$0x1C100] =	vst v63  }
0x15: {  	_ =	swait.ge [sflag:s16], $0x4000  }
0x16: {  	[sflag:s16] =	ssyncset.done $0x0  }
0x17: {  	[sflag:s16] =	ssyncadd.s32 $0xFFFFC000  }
0x18: {  	[spmem:s7] =	stream.linear.scatter [tilespmem:s15], [sflag:$0x2], $0x4000, $0x38;
	[tilespmem:$0x1C100] =	vst v63  }
0x19: {  	_ =	swait.ge [sflag:s16], $0x4000  }
0x1a: {  	[sflag:s16] =	ssyncset.done $0x0  }
0x1b: {  	[sflag:s16] =	ssyncadd.s32 $0xFFFFC000  }
0x1c: {  	[spmem:s8] =	stream.linear.scatter [tilespmem:s15], [sflag:$0x2], $0x4000, $0x38;
	[tilespmem:$0x1C100] =	vst v63  }
0x1d: {  	_ =	swait.ge [sflag:s16], $0x4000  }
0x1e: {  	[sflag:s16] =	ssyncset.done $0x0  }
0x1f: {  	[sflag:s16] =	ssyncadd.s32 $0xFFFFC000  }
0x20: {  	[spmem:s9] =	stream.linear.scatter [tilespmem:s15], [sflag:$0x2], $0x4000, $0x38;
	[tilespmem:$0x1C100] =	vst v63  }
0x21: {  	_ =	swait.ge [sflag:s16], $0x4000  }
0x22: {  	[sflag:s16] =	ssyncset.done $0x0  }
0x23: {  	[sflag:s16] =	ssyncadd.s32 $0xFFFFC000  }
0x24: {  	[spmem:s10] =	stream.linear.scatter [tilespmem:s15], [sflag:$0x2], $0x4000, $0x38;
	[tilespmem:$0x1C100] =	vst v63  }
0x25: {  	_ =	swait.ge [sflag:s16], $0x4000  }
0x26: {  	[sflag:s16] =	ssyncset.done $0x0  }
0x27: {  	[sflag:s16] =	ssyncadd.s32 $0xFFFFC000  }
0x28: {  	s23 =	sadd.s32 $0x0, s14;
	[bflag:$0x0] =	sbarrier.arrive $0xFFFF  }
0x29: {  	[tilespmem:s3], [sflag:$0x2] =	stream.linear.gather [hbm4b:s23+s3], $0x80, $0x38;
	[tilespmem:$0x1C100] =	vst v63  }
0x2a: {  	_ =	swait.ge [sflag:s16], $0x80  }
0x2b: {  	[sflag:s16] =	ssyncset.done $0x0  }
0x2c: {  	s31 =	sadd.s32 $0x0, s13;
	[sflag:s16] =	ssyncadd.s32 $0xFFFFFF80  }
0x2d: {  	[tilespmem:s17], [sflag:$0x2] =	stream.linear.gather [hbm4b:s31+s3], $0x80, $0x38;
	[tilespmem:$0x1C100] =	vst v63  }
0x2e: {  	_ =	swait.ge [sflag:s16], $0x80  }
0x2f: {  	[sflag:s16] =	ssyncset.done $0x0  }
0x30: {  	[sflag:s16] =	ssyncadd.s32 $0xFFFFFF80  }
0x31: {  	[tilespmem:s18], [sflag:$0x1] =	stream.indirect.gather [hbm4b:s4+s17], $0x80, s3, s17, $0xb8;
	[tilespmem:$0x1C100] =	vst v63  }
0x32: {  	_ =	swait.ge [sflag:s19], $0x4000  }
0x33: {  	[sflag:s19] =	ssyncset.done $0x0  }
0x34: {  	[sflag:s19] =	ssyncadd.s32 $0xFFFFC000  }
0x35: {  	[spmem:s1] =	stream.indirect.scatter.add.f32 [tilespmem:s18], [sflag:$0x2], $0x80, s17, s17, $0xb8;
	[tilespmem:$0x1C100] =	vst v63  }
0x36: {  	_ =	swait.ge [sflag:s16], $0x4000  }
0x37: {  	s24 =	simm.s32 $0x20;
	s23 =	simm.s32 $0x10;
	[sflag:s16] =	ssyncset.done $0x0  }
.LBB2_2:
0x38: {  	s25 =	sadd.s32 s23, s14  }
0x39: {  	[sflag:s16] =	ssyncadd.s32 $0xFFFFC000;
	s26 =	smov.u32 s24;
	s28 =	sadd.s32 $0x10, s24  }
0x3a: {  	[tilespmem:s3], [sflag:$0x2] =	stream.linear.gather [hbm4b:s25+s3], $0x80, $0x38;
	[tilespmem:$0x1C100] =	vst v63  }
0x3b: {  	p0 =	sne.s32 s24, $0x4F0;
	_ =	swait.ge [sflag:s16], $0x80  }
0x3c: {  	[sflag:s16] =	ssyncset.done $0x0  }
0x3d: {  	s24 =	sadd.s32 s23, s13;
	s23 =	smov.u32 s26;
	[sflag:s16] =	ssyncadd.s32 $0xFFFFFF80  }
0x3e: {  	[tilespmem:s17], [sflag:$0x2] =	stream.linear.gather [hbm4b:s24+s3], $0x80, $0x38;
	[tilespmem:$0x1C100] =	vst v63  }
0x3f: {  	_ =	swait.ge [sflag:s16], $0x80  }
0x40: {  	[sflag:s16] =	ssyncset.done $0x0  }
0x41: {  	[sflag:s16] =	ssyncadd.s32 $0xFFFFFF80  }
0x42: {  	[tilespmem:s18], [sflag:$0x1] =	stream.indirect.gather [hbm4b:s4+s17], $0x80, s3, s17, $0xb8;
	[tilespmem:$0x1C100] =	vst v63  }
0x43: {  	_ =	swait.ge [sflag:s19], $0x4000  }
.Ltmp0:
0x44: {  	[sflag:s19] =	ssyncset.done $0x0;
	(pc) =	sbr.rel @p0 .LBB2_2-.Ltmp0, $4  }
0x45: {  	[sflag:s19] =	ssyncadd.s32 $0xFFFFC000  }
0x46: {  	[spmem:s1] =	stream.indirect.scatter.add.f32 [tilespmem:s18], [sflag:$0x2], $0x80, s17, s17, $0xb8;
	[tilespmem:$0x1C100] =	vst v63  }
0x47: {  	_ =	swait.ge [sflag:s16], $0x4000  }
0x48: {  	s24 =	smov.u32 s28;
	[sflag:s16] =	ssyncset.done $0x0  }
0x49: {  	s24 =	sadd.s32 s23, s14;
	[sflag:s16] =	ssyncadd.s32 $0xFFFFC000  }
0x4a: {  	[tilespmem:s3], [sflag:$0x2] =	stream.linear.gather [hbm4b:s24+s3], $0x80, $0x38;
	[tilespmem:$0x1C100] =	vst v63  }
0x4b: {  	_ =	swait.ge [sflag:s16], $0x80  }
0x4c: {  	[sflag:s16] =	ssyncset.done $0x0  }
0x4d: {  	s31 =	sadd.s32 s23, s13;
	[sflag:s16] =	ssyncadd.s32 $0xFFFFFF80  }
0x4e: {  	[tilespmem:s17], [sflag:$0x2] =	stream.linear.gather [hbm4b:s31+s3], $0x80, $0x38;
	[tilespmem:$0x1C100] =	vst v63  }
0x4f: {  	_ =	swait.ge [sflag:s16], $0x80  }
0x50: {  	[sflag:s16] =	ssyncset.done $0x0  }
0x51: {  	[sflag:s16] =	ssyncadd.s32 $0xFFFFFF80  }
0x52: {  	[tilespmem:s18], [sflag:$0x1] =	stream.indirect.gather [hbm4b:s4+s17], $0x80, s3, s17, $0xb8;
	[tilespmem:$0x1C100] =	vst v63  }
0x53: {  	_ =	swait.ge [sflag:s19], $0x4000  }
0x54: {  	[sflag:s19] =	ssyncset.done $0x0  }
0x55: {  	[sflag:s19] =	ssyncadd.s32 $0xFFFFC000  }
0x56: {  	[spmem:s1] =	stream.indirect.scatter.add.f32 [tilespmem:s18], [sflag:$0x2], $0x80, s17, s17, $0xb8;
	[tilespmem:$0x1C100] =	vst v63  }
0x57: {  	_ =	swait.ge [sflag:s16], $0x4000  }
0x58: {  	s22 =	sadd.s32 $0x1, s22;
	[sflag:s16] =	ssyncset.done $0x0  }
0x59: {  	p0 =	sne.s32 s22, s12;
	[sflag:s16] =	ssyncadd.s32 $0xFFFFC000  }
.Ltmp1:
0x5a: {  	[bflag:$0x0] =	sbarrier.arrive $0xFFFF;
	(pc) =	sbr.rel @p0 .LBB2_1-.Ltmp1, $4  }
0x5b: {  	[hbm:s11], [sflag:s20] =	dma.local [spmem:s21], $0x2800  }
0x5c: {  	_ =	swait.ge [sflag:s16], $0x2800  }
0x5d: {  	[sflag:s16] =	ssyncset.done $0x0  }
0x5e: {  	[sflag:s16] =	ssyncadd.s32 $0xFFFFD800  }
0x5f: {  	_ =	sfence.sel $0x180000  }
0x60: {  	[bflag:$0x0] =	sbarrier.arrive $0xFFFF  }
0x61: {  	p0 =	sne.s32 s2, $0x0;
	_ =	strace $0x90000053  }
0x62: {  	s0 =	sadd.s32 @!p0 $0x100000, s0;
	[bflag:$0x2] =	sbarrier.arrive $0xFFFF  }
0x63: {  	[sflag:s0] =	ssyncadd.tile.s32 @!p0 $0x1;
	_ =	shalt  }
.Lfunc_end2:
_tile_overlayer_lowered:
.L_overlay_start_2:
0x64: {  	(tag) =	ssettag $0x2  }
0x65: {  	s0 =	rddreg [dreg:$0x0];
	s2 =	stileid.u32  }
0x66: {  	s1 =	rddreg [dreg:$0x1];
	p0 =	sne.s32 s2, $0x0  }
0x67: {  	s3 =	rddreg [dreg:$0x2];
	[bflag:$0x3] =	sbarrier.arrive $0xFFFF;
	s2 =	simm.s32 @!p0 $0x1C02  }
0x68: {  	[timem:s3], [sflag:s2] =	dma.local @!p0 [hbm:s0], s1  }
0x69: {  	s0 =	simm.s32 @!p0 $0x2  }
0x6a: {  	_ =	swait.ge @!p0 [sflag:s0], s1  }
0x6b: {  	s1 =	ssub.s32 @!p0 $0x0, s1;
	[sflag:s0] =	ssyncset.done @!p0 $0x0  }
0x6c: {  	[sflag:s0] =	ssyncadd.s32 @!p0 s1  }
0x6d: {  	[bflag:$0x3] =	sbarrier.arrive $0xFFFF  }
0x6e: {  	_ =	shalt  }

</sc_bundles>
